<compile_context>
chip_gen: v7x
topology: tpu7x:2x2x1
jax: 0.10.2.dev20260603
libtpu: 0.0.44.dev20260713+nightly
codegen_flags: <defaults>
</compile_context>

<pallas_src>
import functools

import jax
import jax.numpy as jnp
from jax import lax
from jax.experimental import pallas as pl
from jax.experimental.pallas import tpu as pltpu
from jax.experimental.pallas import tpu_sc as plsc

S = 256
F = 2048
NEAR = 0.1
FAR = 100.0
EPS = 1e-8
NCOEF = 48
BAND = 32
S2 = 272
BIGF = 1e30
CLIP = 1e18


def _coef_body(v_ref, c_ref):
    X0 = v_ref[0]; X1 = v_ref[1]; X2 = v_ref[2]
    Y0 = v_ref[3]; Y1 = v_ref[4]; Y2 = v_ref[5]
    Z0 = v_ref[6]; Z1 = v_ref[7]; Z2 = v_ref[8]
    a0 = Y1 - Y2; b0 = X2 - X1; c0 = X1 * Y2 - X2 * Y1
    a1 = Y2 - Y0; b1 = X0 - X2; c1 = X2 * Y0 - X0 * Y2
    a2 = Y0 - Y1; b2 = X1 - X0; c2 = X0 * Y1 - X1 * Y0
    det = c0 + c1 + c2
    sgn = jnp.where(det >= 0.0, 1.0, -1.0)
    adet = jnp.abs(det)
    valid = adet > EPS
    iZ0 = 1.0 / jnp.where(jnp.abs(Z0) > EPS, Z0, 1.0)
    iZ1 = 1.0 / jnp.where(jnp.abs(Z1) > EPS, Z1, 1.0)
    iZ2 = 1.0 / jnp.where(jnp.abs(Z2) > EPS, Z2, 1.0)
    ga = (a0 * iZ0 + a1 * iZ1 + a2 * iZ2) * sgn
    gb = (b0 * iZ0 + b1 * iZ1 + b2 * iZ2) * sgn
    gc = (c0 * iZ0 + c1 * iZ1 + c2 * iZ2) * sgn
    a0 = a0 * sgn; b0 = b0 * sgn; c0 = c0 * sgn
    a1 = a1 * sgn; b1 = b1 * sgn; c1 = c1 * sgn
    a2 = a2 * sgn; b2 = b2 * sgn; c2 = c2 * sgn
    glo = jnp.where(valid, adet * (1.0 / FAR), BIGF)
    ghi = jnp.where(valid, adet * (1.0 / NEAR), -BIGF)
    c_ref[0] = a0
    c_ref[1] = b0
    c_ref[2] = c0
    c_ref[3] = a1
    c_ref[4] = b1
    c_ref[5] = c1
    c_ref[6] = a2
    c_ref[7] = b2
    c_ref[8] = c2
    c_ref[9] = ga
    c_ref[10] = gb
    c_ref[11] = gc
    c_ref[12] = jnp.where(valid, 1.0 / adet, 0.0)
    c_ref[13] = glo
    c_ref[14] = ghi
    cons = (
        (a0, -b0 / a0, -c0 / a0),
        (a1, -b1 / a1, -c1 / a1),
        (a2, -b2 / a2, -c2 / a2),
        (ga, -gb / ga, (glo - gc) / ga),
        (-ga, -gb / ga, (ghi - gc) / ga),
    )
    z = jnp.zeros_like(det)
    for k, (A, p, q) in enumerate(cons):
        pc = jnp.clip(p, -CLIP, CLIP)
        qc = jnp.clip(q, -CLIP, CLIP)
        pc = jnp.where(jnp.isnan(pc), 0.0, pc)
        qc = jnp.where(jnp.isnan(qc), 0.0, qc)
        pos = A > 0.0
        neg = A < 0.0
        c_ref[16 + k] = jnp.where(pos, pc, z)
        c_ref[21 + k] = jnp.where(pos, qc, -BIGF)
        c_ref[32 + k] = jnp.where(neg, pc, z)
        c_ref[37 + k] = jnp.where(neg, qc, BIGF)
    pL = []; qL = []; pU = []; qU = []
    for k, (A, p, q) in enumerate(cons):
        pc = jnp.clip(p, -CLIP, CLIP)
        qc = jnp.clip(q, -CLIP, CLIP)
        pc = jnp.where(jnp.isnan(pc), 0.0, pc)
        qc = jnp.where(jnp.isnan(qc), 0.0, qc)
        pos = A > 0.0
        neg = A < 0.0
        pL.append(jnp.where(pos, pc, z))
        qL.append(jnp.where(pos, qc, -BIGF))
        pU.append(jnp.where(neg, pc, z))
        qU.append(jnp.where(neg, qc, BIGF))
    yA = jnp.full_like(det, -BIGF)
    yB = jnp.full_like(det, BIGF)
    for i in range(5):
        for j in range(5):
            dp = pL[i] - pU[j]
            dq = qU[j] - qL[i]
            t = dq / dp
            yB = jnp.where(dp > 0.0, jnp.minimum(yB, t), yB)
            yA = jnp.where(dp < 0.0, jnp.maximum(yA, t), yA)
            yA = jnp.where((dp == 0.0) & (dq < 0.0), BIGF, yA)
    qlo = jnp.clip((S * yA + (S - 1.0)) * 0.5, -2.0, 300.0)
    qhi = jnp.clip((S * yB + (S - 1.0)) * 0.5, -2.0, 300.0)
    c_ref[15] = jnp.where(valid, qlo, 300.0)
    c_ref[26] = jnp.where(valid, qhi, -2.0)
    for i in (27, 28, 29, 30, 31, 42, 43, 44, 45, 46, 47):
        c_ref[i] = z


def _sc_raster_body(coef_hbm, out_hbm, cvm, den, idx):
    cid = lax.axis_index("c")
    sid = lax.axis_index("s")
    wid = sid * 2 + cid
    b = wid >> 3
    rbase = wid & 7

    pltpu.sync_copy(coef_hbm.at[b], cvm)

    def _init(r, _):
        for k in range(S2 // 16):
            col = k * 16
            den[r, pl.ds(col, 16)] = jnp.full((16,), 1.0 / FAR, jnp.float32)
            idx[r, pl.ds(col, 16)] = jnp.full((16,), -1, jnp.int32)
        return 0
    lax.fori_loop(0, BAND, _init, 0)

    lane = lax.iota(jnp.int32, 16)
    lane_f = lane.astype(jnp.float32)
    rbase_f = rbase.astype(jnp.float32)
    inv_s = jnp.float32(1.0 / S)

    def face_body(f, _):
        v1 = cvm[pl.ds(pl.multiple_of(f * NCOEF, 16), 16)]
        v2 = cvm[pl.ds(pl.multiple_of(f * NCOEF + 16, 16), 16)]
        v3 = cvm[pl.ds(pl.multiple_of(f * NCOEF + 32, 16), 16)]
        a0 = v1[0]; b0 = v1[1]; c0 = v1[2]
        a1 = v1[3]; b1 = v1[4]; c1 = v1[5]
        a2 = v1[6]; b2 = v1[7]; c2 = v1[8]
        ga = v1[9]; gb = v1[10]; gc = v1[11]
        radet = v1[12]; glo = v1[13]; ghi = v1[14]
        qlo = v1[15]; qhi = v2[10]

        rlo_g = jnp.maximum(qlo.astype(jnp.int32) - 1, 0)
        rhi_g = jnp.minimum(qhi.astype(jnp.int32) + 1, S - 1)
        tlo = jnp.maximum((rlo_g - rbase + 7) >> 3, 0)
        thi = jnp.minimum((rhi_g - rbase) >> 3, BAND - 1)

        @pl.when(tlo <= thi)
        def _do_face():
            @plsc.parallel_loop(tlo, thi + 1, unroll=2)
            def row_body(r):
                yr = (2.0 * (rbase_f + 8.0 * r.astype(jnp.float32))
                      + (1.0 - S)) * inv_s
                xlo = v2[5] + v2[0] * yr
                xhi = v3[5] + v3[0] * yr
                xlo = jnp.maximum(xlo, v2[6] + v2[1] * yr)
                xhi = jnp.minimum(xhi, v3[6] + v3[1] * yr)
                xlo = jnp.maximum(xlo, v2[7] + v2[2] * yr)
                xhi = jnp.minimum(xhi, v3[7] + v3[2] * yr)
                xlo = jnp.maximum(xlo, v2[8] + v2[3] * yr)
                xhi = jnp.minimum(xhi, v3[8] + v3[3] * yr)
                xlo = jnp.maximum(xlo, v2[9] + v2[4] * yr)
                xhi = jnp.minimum(xhi, v3[9] + v3[4] * yr)
                qjl = jnp.clip((S * xlo + (S - 1.0)) * 0.5, -2.0, 300.0)
                qjh = jnp.clip((S * xhi + (S - 1.0)) * 0.5, -2.0, 300.0)
                jl = jnp.maximum(qjl.astype(jnp.int32) - 1, 0)
                jh = jnp.minimum(qjh.astype(jnp.int32) + 1, S - 1)

                @pl.when(jl <= jh)
                def _do_row():
                    b0r = b0 * yr + c0
                    b1r = b1 * yr + c1
                    b2r = b2 * yr + c2
                    bgr = gb * yr + gc
                    base = jl & (-16)
                    nch = ((jh - base) >> 5) + 1

                    @plsc.parallel_loop(0, nch, unroll=2)
                    def ch_body(k):
                        c32 = base + k * 32
                        for h in range(2):
                            col = pl.multiple_of(c32 + h * 16, 16)
                            iv = lane + col
                            xv = (2.0 * iv.astype(jnp.float32)
                                  + (1.0 - S)) * inv_s
                            w0 = a0 * xv + b0r
                            w1 = a1 * xv + b1r
                            w2 = a2 * xv + b2r
                            g = ga * xv + bgr
                            dn = g * radet
                            dold = den[r, pl.ds(col, 16)]
                            m = ((w0 >= 0.0) & (w1 >= 0.0) & (w2 >= 0.0)
                                 & (g > glo) & (g < ghi) & (dn > dold))
                            if h == 1:
                                m = m & (iv < S)
                            den[r, pl.ds(col, 16)] = jnp.where(m, dn, dold)
                            iold = idx[r, pl.ds(col, 16)]
                            idx[r, pl.ds(col, 16)] = jnp.where(m, f, iold)

        return 0

    lax.fori_loop(0, F, face_body, 0)

    pltpu.sync_copy(idx.at[:, pl.ds(0, S)], out_hbm.at[b, rbase])


def kernel(inputs):
    B = inputs.shape[0]
    v = jnp.transpose(inputs, (3, 2, 0, 1)).reshape(9, B, F)
    coef = pl.pallas_call(
        _coef_body,
        out_shape=jax.ShapeDtypeStruct((NCOEF, B, F), jnp.float32),
    )(v)
    coef = jnp.transpose(coef, (1, 2, 0)).reshape(B, F * NCOEF)

    mesh = plsc.VectorSubcoreMesh(core_axis_name="c", subcore_axis_name="s")
    sc = functools.partial(
        pl.kernel,
        mesh=mesh,
        out_type=jax.ShapeDtypeStruct((B, 8, BAND, S), jnp.int32),
        scratch_types=[
            pltpu.VMEM((F * NCOEF,), jnp.float32),
            pltpu.VMEM((BAND, S2), jnp.float32),
            pltpu.VMEM((BAND, S2), jnp.int32),
        ],
    )(_sc_raster_body)
    out_perm = sc(coef)
    return jnp.transpose(out_perm, (0, 2, 1, 3)).reshape(B, S, S)

# --- scband reference (transcript-rebuilt; emitter-appended) ---
"""Pipeline reference for scband-face-index-map-59665685676480 (READ-ONLY COPY).

The authoritative reference and input builder live on the scoring server;
editing this copy changes nothing except your own understanding.
"""

import jax, jax.numpy as jnp
import numpy as np

NUM_FACES = 2048
IMAGE_SIZE = 256
NEAR = 0.1
FAR = 100.0
DRAW_BACKSIDE = True
CHUNK = 16
EPS = 1e-8
BIG = 1e10


def setup_inputs(seed: int = 0) -> dict:
    key = jax.random.key(seed)
    faces = jax.random.normal(key, (4, NUM_FACES, 3, 3), dtype=jnp.float32)
    return {"inputs": faces}


def _step(carry, xs):
    fidx, depth = carry
    f, fid = xs  # f: [B, CHUNK, 3, 3], fid: [CHUNK]
    S = IMAGE_SIZE
    px = (2.0 * jnp.arange(S, dtype=jnp.float32) + 1.0 - S) / S
    xp = px[None, None, None, :]
    yp = px[None, None, :, None]
    X = f[..., 0]
    Y = f[..., 1]
    Z = f[..., 2]
    X0 = X[..., 0][..., None, None]; X1 = X[..., 1][..., None, None]; X2 = X[..., 2][..., None, None]
    Y0 = Y[..., 0][..., None, None]; Y1 = Y[..., 1][..., None, None]; Y2 = Y[..., 2][..., None, None]
    Z0 = Z[..., 0][..., None, None]; Z1 = Z[..., 1][..., None, None]; Z2 = Z[..., 2][..., None, None]
    # barycentric edge functions per pixel: [B, CHUNK, S, S]
    w0 = (X1 - xp) * (Y2 - yp) - (Y1 - yp) * (X2 - xp)
    w1 = (X2 - xp) * (Y0 - yp) - (Y2 - yp) * (X0 - xp)
    w2 = (X0 - xp) * (Y1 - yp) - (Y0 - yp) * (X1 - xp)
    det = w0 + w1 + w2
    valid = jnp.abs(det) > EPS
    if not DRAW_BACKSIDE:
        valid = valid & (det > 0)
    det_s = jnp.where(jnp.abs(det) > EPS, det, 1.0)
    wn0 = w0 / det_s
    wn1 = w1 / det_s
    wn2 = w2 / det_s
    inside = (wn0 >= 0) & (wn1 >= 0) & (wn2 >= 0) & (wn0 <= 1) & (wn1 <= 1) & (wn2 <= 1)
    Z0s = jnp.where(jnp.abs(Z0) > EPS, Z0, 1.0)
    Z1s = jnp.where(jnp.abs(Z1) > EPS, Z1, 1.0)
    Z2s = jnp.where(jnp.abs(Z2) > EPS, Z2, 1.0)
    den = wn0 / Z0s + wn1 / Z1s + wn2 / Z2s
    den_ok = jnp.abs(den) > EPS
    den_s = jnp.where(den_ok, den, 1.0)
    zp = 1.0 / den_s  # perspective-correct interpolated depth
    visible = valid & inside & den_ok & (zp > NEAR) & (zp < FAR)
    zm = jnp.where(visible, zp, BIG)
    best = jnp.argmin(zm, axis=1)  # [B, S, S] index within chunk
    best_z = jnp.take_along_axis(zm, best[:, None, :, :], axis=1)[:, 0]
    best_id = jnp.take(fid, best)
    upd = best_z < depth  # z-buffer depth test (scatter-overwrite)
    fidx = jnp.where(upd, best_id, fidx)
    depth = jnp.where(upd, best_z, depth)
    return (fidx, depth), None


def _rasterize(faces):
    B, F = faces.shape[0], faces.shape[1]
    S = IMAGE_SIZE
    nfc = F // CHUNK
    fc = jnp.transpose(faces.reshape(B, nfc, CHUNK, 3, 3), (1, 0, 2, 3, 4))
    ids = jnp.arange(F, dtype=jnp.int32).reshape(nfc, CHUNK)
    fidx0 = jnp.full((B, S, S), -1, dtype=jnp.int32)
    depth0 = jnp.full((B, S, S), FAR, dtype=jnp.float32)
    (fidx, depth), _ = jax.lax.scan(_step, (fidx0, depth0), (fc, ids))
    return fidx, depth


def reference(inputs):
    # faithful to FaceIndexMap.forward_gpu_safe: returns int32 face index map
    # [batch, image_size, image_size], -1 where no face covers the pixel.
    fidx, _ = _rasterize(inputs)
    return fidx

if __name__ == "__main__":
    import jax
    _d = setup_inputs()
    print(jax.jit(kernel)(*tuple(_d.values())))

</pallas_src>

<mosaic_0001>
#map = affine_map<(d0, d1) -> (0, 0)>
#map1 = affine_map<(d0, d1) -> (0, 0, 0, 0)>
module attributes {stable_mosaic.version = 14 : i64} {
  func.func @_sc_raster_body(%arg0: i32, %arg1: i32, %arg2: memref<4x98304xf32, #tpu.memory_space<hbm>>, %arg3: memref<4x8x32x256xi32, #tpu.memory_space<hbm>>, %arg4: memref<98304xf32, #tpu.memory_space<vmem>>, %arg5: memref<32x272xf32, #tpu.memory_space<vmem>>, %arg6: memref<32x272xi32, #tpu.memory_space<vmem>>) attributes {dimension_semantics = [#tpu.dimension_semantics<core_parallel>, #tpu.dimension_semantics<subcore_parallel>], iteration_bounds = array<i64: 2, 16>, scalar_prefetch = 0 : i64, scratch_operands = 3 : i64, tpu.core_type = #tpu.core_type<sc_vector_subcore>, window_params = [{transform_indices = #map}, {transform_indices = #map1}]} {
    %mul3A = arith.constant 2 : i32
    %mul3A_0 = arith.muli %arg1, %mul3A : i32
    %add3A = arith.addi %mul3A_0, %arg0 : i32
    %shift_right_arithmetic3A = arith.constant 3 : i32
    %shift_right_arithmetic3A_1 = arith.shrsi %add3A, %shift_right_arithmetic3A : i32
    %and3A = arith.constant 7 : i32
    %and3A_2 = arith.andi %add3A, %and3A : i32
    "tpu.region"() ({
      %run_scoped3A = tpu.sem_alloc : memref<!tpu.dma_semaphore, #tpu.memory_space<semaphore_mem>>
      %dma_start3A = arith.constant 0 : i32
      %dma_start3A_18 = tpu.memref_slice %arg2[%shift_right_arithmetic3A_1, %dma_start3A] : memref<4x98304xf32, #tpu.memory_space<hbm>> -> memref<1x98304xf32, #tpu.memory_space<hbm>>
      %dma_start3A_19 = tpu.memref_squeeze %dma_start3A_18 : memref<1x98304xf32, #tpu.memory_space<hbm>> -> memref<98304xf32, #tpu.memory_space<hbm>>
      %dma_start3A_20 = arith.constant 0 : i32
      %dma_start3A_21 = tpu.memref_slice %arg2[%shift_right_arithmetic3A_1, %dma_start3A_20] : memref<4x98304xf32, #tpu.memory_space<hbm>> -> memref<1x98304xf32, #tpu.memory_space<hbm>>
      %dma_start3A_22 = tpu.memref_squeeze %dma_start3A_21 : memref<1x98304xf32, #tpu.memory_space<hbm>> -> memref<98304xf32, #tpu.memory_space<hbm>>
      tpu.enqueue_dma source(%dma_start3A_22 : memref<98304xf32, #tpu.memory_space<hbm>>) target(%arg4 : memref<98304xf32, #tpu.memory_space<vmem>>) target_semaphore(%run_scoped3A : memref<!tpu.dma_semaphore, #tpu.memory_space<semaphore_mem>>)
      %dma_wait3A = arith.constant 0 : i32
      %dma_wait3A_23 = tpu.memref_slice %arg2[%shift_right_arithmetic3A_1, %dma_wait3A] : memref<4x98304xf32, #tpu.memory_space<hbm>> -> memref<1x98304xf32, #tpu.memory_space<hbm>>
      %dma_wait3A_24 = tpu.memref_squeeze %dma_wait3A_23 : memref<1x98304xf32, #tpu.memory_space<hbm>> -> memref<98304xf32, #tpu.memory_space<hbm>>
      %dma_wait3A_25 = arith.constant 0 : i32
      %dma_wait3A_26 = tpu.memref_slice %arg2[%shift_right_arithmetic3A_1, %dma_wait3A_25] : memref<4x98304xf32, #tpu.memory_space<hbm>> -> memref<1x98304xf32, #tpu.memory_space<hbm>>
      %dma_wait3A_27 = tpu.memref_squeeze %dma_wait3A_26 : memref<1x98304xf32, #tpu.memory_space<hbm>> -> memref<98304xf32, #tpu.memory_space<hbm>>
      tpu.wait_dma2 semaphore(%run_scoped3A : memref<!tpu.dma_semaphore, #tpu.memory_space<semaphore_mem>>) src(%dma_wait3A_27 : memref<98304xf32, #tpu.memory_space<hbm>>) dst(%arg4 : memref<98304xf32, #tpu.memory_space<vmem>>)
      tpu.yield
    }) : () -> ()
    %scan3A = arith.constant 0 : i32
    %scan3A_3 = arith.constant 0 : i32
    %scan3A_4 = arith.constant 32 : i32
    %scan3A_5 = arith.addi %scan3A_3, %scan3A_4 : i32
    %scan3A_6 = arith.constant 1 : i32
    %scan3A_7 = scf.for %scan3A_18 = %scan3A_3 to %scan3A_5 step %scan3A_6 iter_args(%scan3A_19 = %scan3A) -> (i32)  : i32 {
      %broadcast_in_dim3A = arith.constant 0.00999999977 : f32
      %broadcast_in_dim3A_20 = vector.broadcast %broadcast_in_dim3A : f32 to vector<16xf32>
      %swap3A = arith.index_cast %scan3A_18 : i32 to index
      %swap3A_21 = arith.constant 0 : index
      %swap3A_22 = tpu.vector_load %arg5[%swap3A, %swap3A_21] {strides = array<i32>} : memref<32x272xf32, #tpu.memory_space<vmem>>, vector<1x16xf32>,
      %swap3A_23 = vector.shape_cast %swap3A_22 : vector<1x16xf32> to vector<16xf32>
      %swap3A_24 = vector.shape_cast %broadcast_in_dim3A_20 : vector<16xf32> to vector<1x16xf32>
      tpu.vector_store %arg5[%swap3A, %swap3A_21], %swap3A_24 {strides = array<i32>} : memref<32x272xf32, #tpu.memory_space<vmem>>, vector<1x16xf32>,
      %broadcast_in_dim3A_25 = arith.constant -1 : i32
      %broadcast_in_dim3A_26 = vector.broadcast %broadcast_in_dim3A_25 : i32 to vector<16xi32>
      %swap3A_27 = arith.index_cast %scan3A_18 : i32 to index
      %swap3A_28 = arith.constant 0 : index
      %swap3A_29 = tpu.vector_load %arg6[%swap3A_27, %swap3A_28] {strides = array<i32>} : memref<32x272xi32, #tpu.memory_space<vmem>>, vector<1x16xi32>,
      %swap3A_30 = vector.shape_cast %swap3A_29 : vector<1x16xi32> to vector<16xi32>
      %swap3A_31 = vector.shape_cast %broadcast_in_dim3A_26 : vector<16xi32> to vector<1x16xi32>
      tpu.vector_store %arg6[%swap3A_27, %swap3A_28], %swap3A_31 {strides = array<i32>} : memref<32x272xi32, #tpu.memory_space<vmem>>, vector<1x16xi32>,
      %broadcast_in_dim3A_32 = arith.constant 0.00999999977 : f32
      %broadcast_in_dim3A_33 = vector.broadcast %broadcast_in_dim3A_32 : f32 to vector<16xf32>
      %swap3A_34 = arith.index_cast %scan3A_18 : i32 to index
      %swap3A_35 = arith.constant 16 : index
      %swap3A_36 = tpu.vector_load %arg5[%swap3A_34, %swap3A_35] {strides = array<i32>} : memref<32x272xf32, #tpu.memory_space<vmem>>, vector<1x16xf32>,
      %swap3A_37 = vector.shape_cast %swap3A_36 : vector<1x16xf32> to vector<16xf32>
      %swap3A_38 = vector.shape_cast %broadcast_in_dim3A_33 : vector<16xf32> to vector<1x16xf32>
      tpu.vector_store %arg5[%swap3A_34, %swap3A_35], %swap3A_38 {strides = array<i32>} : memref<32x272xf32, #tpu.memory_space<vmem>>, vector<1x16xf32>,
      %broadcast_in_dim3A_39 = arith.constant -1 : i32
      %broadcast_in_dim3A_40 = vector.broadcast %broadcast_in_dim3A_39 : i32 to vector<16xi32>
      %swap3A_41 = arith.index_cast %scan3A_18 : i32 to index
      %swap3A_42 = arith.constant 16 : index
      %swap3A_43 = tpu.vector_load %arg6[%swap3A_41, %swap3A_42] {strides = array<i32>} : memref<32x272xi32, #tpu.memory_space<vmem>>, vector<1x16xi32>,
      %swap3A_44 = vector.shape_cast %swap3A_43 : vector<1x16xi32> to vector<16xi32>
      %swap3A_45 = vector.shape_cast %broadcast_in_dim3A_40 : vector<16xi32> to vector<1x16xi32>
      tpu.vector_store %arg6[%swap3A_41, %swap3A_42], %swap3A_45 {strides = array<i32>} : memref<32x272xi32, #tpu.memory_space<vmem>>, vector<1x16xi32>,
      %broadcast_in_dim3A_46 = arith.constant 0.00999999977 : f32
      %broadcast_in_dim3A_47 = vector.broadcast %broadcast_in_dim3A_46 : f32 to vector<16xf32>
      %swap3A_48 = arith.index_cast %scan3A_18 : i32 to index
      %swap3A_49 = arith.constant 32 : index
      %swap3A_50 = tpu.vector_load %arg5[%swap3A_48, %swap3A_49] {strides = array<i32>} : memref<32x272xf32, #tpu.memory_space<vmem>>, vector<1x16xf32>,
      %swap3A_51 = vector.shape_cast %swap3A_50 : vector<1x16xf32> to vector<16xf32>
      %swap3A_52 = vector.shape_cast %broadcast_in_dim3A_47 : vector<16xf32> to vector<1x16xf32>
      tpu.vector_store %arg5[%swap3A_48, %swap3A_49], %swap3A_52 {strides = array<i32>} : memref<32x272xf32, #tpu.memory_space<vmem>>, vector<1x16xf32>,
      %broadcast_in_dim3A_53 = arith.constant -1 : i32
      %broadcast_in_dim3A_54 = vector.broadcast %broadcast_in_dim3A_53 : i32 to vector<16xi32>
      %swap3A_55 = arith.index_cast %scan3A_18 : i32 to index
      %swap3A_56 = arith.constant 32 : index
      %swap3A_57 = tpu.vector_load %arg6[%swap3A_55, %swap3A_56] {strides = array<i32>} : memref<32x272xi32, #tpu.memory_space<vmem>>, vector<1x16xi32>,
      %swap3A_58 = vector.shape_cast %swap3A_57 : vector<1x16xi32> to vector<16xi32>
      %swap3A_59 = vector.shape_cast %broadcast_in_dim3A_54 : vector<16xi32> to vector<1x16xi32>
      tpu.vector_store %arg6[%swap3A_55, %swap3A_56], %swap3A_59 {strides = array<i32>} : memref<32x272xi32, #tpu.memory_space<vmem>>, vector<1x16xi32>,
      %broadcast_in_dim3A_60 = arith.constant 0.00999999977 : f32
      %broadcast_in_dim3A_61 = vector.broadcast %broadcast_in_dim3A_60 : f32 to vector<16xf32>
      %swap3A_62 = arith.index_cast %scan3A_18 : i32 to index
      %swap3A_63 = arith.constant 48 : index
      %swap3A_64 = tpu.vector_load %arg5[%swap3A_62, %swap3A_63] {strides = array<i32>} : memref<32x272xf32, #tpu.memory_space<vmem>>, vector<1x16xf32>,
      %swap3A_65 = vector.shape_cast %swap3A_64 : vector<1x16xf32> to vector<16xf32>
      %swap3A_66 = vector.shape_cast %broadcast_in_dim3A_61 : vector<16xf32> to vector<1x16xf32>
      tpu.vector_store %arg5[%swap3A_62, %swap3A_63], %swap3A_66 {strides = array<i32>} : memref<32x272xf32, #tpu.memory_space<vmem>>, vector<1x16xf32>,
      %broadcast_in_dim3A_67 = arith.constant -1 : i32
      %broadcast_in_dim3A_68 = vector.broadcast %broadcast_in_dim3A_67 : i32 to vector<16xi32>
      %swap3A_69 = arith.index_cast %scan3A_18 : i32 to index
      %swap3A_70 = arith.constant 48 : index
      %swap3A_71 = tpu.vector_load %arg6[%swap3A_69, %swap3A_70] {strides = array<i32>} : memref<32x272xi32, #tpu.memory_space<vmem>>, vector<1x16xi32>,
      %swap3A_72 = vector.shape_cast %swap3A_71 : vector<1x16xi32> to vector<16xi32>
      %swap3A_73 = vector.shape_cast %broadcast_in_dim3A_68 : vector<16xi32> to vector<1x16xi32>
      tpu.vector_store %arg6[%swap3A_69, %swap3A_70], %swap3A_73 {strides = array<i32>} : memref<32x272xi32, #tpu.memory_space<vmem>>, vector<1x16xi32>,
      %broadcast_in_dim3A_74 = arith.constant 0.00999999977 : f32
      %broadcast_in_dim3A_75 = vector.broadcast %broadcast_in_dim3A_74 : f32 to vector<16xf32>
      %swap3A_76 = arith.index_cast %scan3A_18 : i32 to index
      %swap3A_77 = arith.constant 64 : index
      %swap3A_78 = tpu.vector_load %arg5[%swap3A_76, %swap3A_77] {strides = array<i32>} : memref<32x272xf32, #tpu.memory_space<vmem>>, vector<1x16xf32>,
      %swap3A_79 = vector.shape_cast %swap3A_78 : vector<1x16xf32> to vector<16xf32>
      %swap3A_80 = vector.shape_cast %broadcast_in_dim3A_75 : vector<16xf32> to vector<1x16xf32>
      tpu.vector_store %arg5[%swap3A_76, %swap3A_77], %swap3A_80 {strides = array<i32>} : memref<32x272xf32, #tpu.memory_space<vmem>>, vector<1x16xf32>,
      %broadcast_in_dim3A_81 = arith.constant -1 : i32
      %broadcast_in_dim3A_82 = vector.broadcast %broadcast_in_dim3A_81 : i32 to vector<16xi32>
      %swap3A_83 = arith.index_cast %scan3A_18 : i32 to index
      %swap3A_84 = arith.constant 64 : index
      %swap3A_85 = tpu.vector_load %arg6[%swap3A_83, %swap3A_84] {strides = array<i32>} : memref<32x272xi32, #tpu.memory_space<vmem>>, vector<1x16xi32>,
      %swap3A_86 = vector.shape_cast %swap3A_85 : vector<1x16xi32> to vector<16xi32>
      %swap3A_87 = vector.shape_cast %broadcast_in_dim3A_82 : vector<16xi32> to vector<1x16xi32>
      tpu.vector_store %arg6[%swap3A_83, %swap3A_84], %swap3A_87 {strides = array<i32>} : memref<32x272xi32, #tpu.memory_space<vmem>>, vector<1x16xi32>,
      %broadcast_in_dim3A_88 = arith.constant 0.00999999977 : f32
      %broadcast_in_dim3A_89 = vector.broadcast %broadcast_in_dim3A_88 : f32 to vector<16xf32>
      %swap3A_90 = arith.index_cast %scan3A_18 : i32 to index
      %swap3A_91 = arith.constant 80 : index
      %swap3A_92 = tpu.vector_load %arg5[%swap3A_90, %swap3A_91] {strides = array<i32>} : memref<32x272xf32, #tpu.memory_space<vmem>>, vector<1x16xf32>,
      %swap3A_93 = vector.shape_cast %swap3A_92 : vector<1x16xf32> to vector<16xf32>
      %swap3A_94 = vector.shape_cast %broadcast_in_dim3A_89 : vector<16xf32> to vector<1x16xf32>
      tpu.vector_store %arg5[%swap3A_90, %swap3A_91], %swap3A_94 {strides = array<i32>} : memref<32x272xf32, #tpu.memory_space<vmem>>, vector<1x16xf32>,
      %broadcast_in_dim3A_95 = arith.constant -1 : i32
      %broadcast_in_dim3A_96 = vector.broadcast %broadcast_in_dim3A_95 : i32 to vector<16xi32>
      %swap3A_97 = arith.index_cast %scan3A_18 : i32 to index
      %swap3A_98 = arith.constant 80 : index
      %swap3A_99 = tpu.vector_load %arg6[%swap3A_97, %swap3A_98] {strides = array<i32>} : memref<32x272xi32, #tpu.memory_space<vmem>>, vector<1x16xi32>,
      %swap3A_100 = vector.shape_cast %swap3A_99 : vector<1x16xi32> to vector<16xi32>
      %swap3A_101 = vector.shape_cast %broadcast_in_dim3A_96 : vector<16xi32> to vector<1x16xi32>
      tpu.vector_store %arg6[%swap3A_97, %swap3A_98], %swap3A_101 {strides = array<i32>} : memref<32x272xi32, #tpu.memory_space<vmem>>, vector<1x16xi32>,
      %broadcast_in_dim3A_102 = arith.constant 0.00999999977 : f32
      %broadcast_in_dim3A_103 = vector.broadcast %broadcast_in_dim3A_102 : f32 to vector<16xf32>
      %swap3A_104 = arith.index_cast %scan3A_18 : i32 to index
      %swap3A_105 = arith.constant 96 : index
      %swap3A_106 = tpu.vector_load %arg5[%swap3A_104, %swap3A_105] {strides = array<i32>} : memref<32x272xf32, #tpu.memory_space<vmem>>, vector<1x16xf32>,
      %swap3A_107 = vector.shape_cast %swap3A_106 : vector<1x16xf32> to vector<16xf32>
      %swap3A_108 = vector.shape_cast %broadcast_in_dim3A_103 : vector<16xf32> to vector<1x16xf32>
      tpu.vector_store %arg5[%swap3A_104, %swap3A_105], %swap3A_108 {strides = array<i32>} : memref<32x272xf32, #tpu.memory_space<vmem>>, vector<1x16xf32>,
      %broadcast_in_dim3A_109 = arith.constant -1 : i32
      %broadcast_in_dim3A_110 = vector.broadcast %broadcast_in_dim3A_109 : i32 to vector<16xi32>
      %swap3A_111 = arith.index_cast %scan3A_18 : i32 to index
      %swap3A_112 = arith.constant 96 : index
      %swap3A_113 = tpu.vector_load %arg6[%swap3A_111, %swap3A_112] {strides = array<i32>} : memref<32x272xi32, #tpu.memory_space<vmem>>, vector<1x16xi32>,
      %swap3A_114 = vector.shape_cast %swap3A_113 : vector<1x16xi32> to vector<16xi32>
      %swap3A_115 = vector.shape_cast %broadcast_in_dim3A_110 : vector<16xi32> to vector<1x16xi32>
      tpu.vector_store %arg6[%swap3A_111, %swap3A_112], %swap3A_115 {strides = array<i32>} : memref<32x272xi32, #tpu.memory_space<vmem>>, vector<1x16xi32>,
      %broadcast_in_dim3A_116 = arith.constant 0.00999999977 : f32
      %broadcast_in_dim3A_117 = vector.broadcast %broadcast_in_dim3A_116 : f32 to vector<16xf32>
      %swap3A_118 = arith.index_cast %scan3A_18 : i32 to index
      %swap3A_119 = arith.constant 112 : index
      %swap3A_120 = tpu.vector_load %arg5[%swap3A_118, %swap3A_119] {strides = array<i32>} : memref<32x272xf32, #tpu.memory_space<vmem>>, vector<1x16xf32>,
      %swap3A_121 = vector.shape_cast %swap3A_120 : vector<1x16xf32> to vector<16xf32>
      %swap3A_122 = vector.shape_cast %broadcast_in_dim3A_117 : vector<16xf32> to vector<1x16xf32>
      tpu.vector_store %arg5[%swap3A_118, %swap3A_119], %swap3A_122 {strides = array<i32>} : memref<32x272xf32, #tpu.memory_space<vmem>>, vector<1x16xf32>,
      %broadcast_in_dim3A_123 = arith.constant -1 : i32
      %broadcast_in_dim3A_124 = vector.broadcast %broadcast_in_dim3A_123 : i32 to vector<16xi32>
      %swap3A_125 = arith.index_cast %scan3A_18 : i32 to index
      %swap3A_126 = arith.constant 112 : index
      %swap3A_127 = tpu.vector_load %arg6[%swap3A_125, %swap3A_126] {strides = array<i32>} : memref<32x272xi32, #tpu.memory_space<vmem>>, vector<1x16xi32>,
      %swap3A_128 = vector.shape_cast %swap3A_127 : vector<1x16xi32> to vector<16xi32>
      %swap3A_129 = vector.shape_cast %broadcast_in_dim3A_124 : vector<16xi32> to vector<1x16xi32>
      tpu.vector_store %arg6[%swap3A_125, %swap3A_126], %swap3A_129 {strides = array<i32>} : memref<32x272xi32, #tpu.memory_space<vmem>>, vector<1x16xi32>,
      %broadcast_in_dim3A_130 = arith.constant 0.00999999977 : f32
      %broadcast_in_dim3A_131 = vector.broadcast %broadcast_in_dim3A_130 : f32 to vector<16xf32>
      %swap3A_132 = arith.index_cast %scan3A_18 : i32 to index
      %swap3A_133 = arith.constant 128 : index
      %swap3A_134 = tpu.vector_load %arg5[%swap3A_132, %swap3A_133] {strides = array<i32>} : memref<32x272xf32, #tpu.memory_space<vmem>>, vector<1x16xf32>,
      %swap3A_135 = vector.shape_cast %swap3A_134 : vector<1x16xf32> to vector<16xf32>
      %swap3A_136 = vector.shape_cast %broadcast_in_dim3A_131 : vector<16xf32> to vector<1x16xf32>
      tpu.vector_store %arg5[%swap3A_132, %swap3A_133], %swap3A_136 {strides = array<i32>} : memref<32x272xf32, #tpu.memory_space<vmem>>, vector<1x16xf32>,
      %broadcast_in_dim3A_137 = arith.constant -1 : i32
      %broadcast_in_dim3A_138 = vector.broadcast %broadcast_in_dim3A_137 : i32 to vector<16xi32>
      %swap3A_139 = arith.index_cast %scan3A_18 : i32 to index
      %swap3A_140 = arith.constant 128 : index
      %swap3A_141 = tpu.vector_load %arg6[%swap3A_139, %swap3A_140] {strides = array<i32>} : memref<32x272xi32, #tpu.memory_space<vmem>>, vector<1x16xi32>,
      %swap3A_142 = vector.shape_cast %swap3A_141 : vector<1x16xi32> to vector<16xi32>
      %swap3A_143 = vector.shape_cast %broadcast_in_dim3A_138 : vector<16xi32> to vector<1x16xi32>
      tpu.vector_store %arg6[%swap3A_139, %swap3A_140], %swap3A_143 {strides = array<i32>} : memref<32x272xi32, #tpu.memory_space<vmem>>, vector<1x16xi32>,
      %broadcast_in_dim3A_144 = arith.constant 0.00999999977 : f32
      %broadcast_in_dim3A_145 = vector.broadcast %broadcast_in_dim3A_144 : f32 to vector<16xf32>
      %swap3A_146 = arith.index_cast %scan3A_18 : i32 to index
      %swap3A_147 = arith.constant 144 : index
      %swap3A_148 = tpu.vector_load %arg5[%swap3A_146, %swap3A_147] {strides = array<i32>} : memref<32x272xf32, #tpu.memory_space<vmem>>, vector<1x16xf32>,
      %swap3A_149 = vector.shape_cast %swap3A_148 : vector<1x16xf32> to vector<16xf32>
      %swap3A_150 = vector.shape_cast %broadcast_in_dim3A_145 : vector<16xf32> to vector<1x16xf32>
      tpu.vector_store %arg5[%swap3A_146, %swap3A_147], %swap3A_150 {strides = array<i32>} : memref<32x272xf32, #tpu.memory_space<vmem>>, vector<1x16xf32>,
      %broadcast_in_dim3A_151 = arith.constant -1 : i32
      %broadcast_in_dim3A_152 = vector.broadcast %broadcast_in_dim3A_151 : i32 to vector<16xi32>
      %swap3A_153 = arith.index_cast %scan3A_18 : i32 to index
      %swap3A_154 = arith.constant 144 : index
      %swap3A_155 = tpu.vector_load %arg6[%swap3A_153, %swap3A_154] {strides = array<i32>} : memref<32x272xi32, #tpu.memory_space<vmem>>, vector<1x16xi32>,
      %swap3A_156 = vector.shape_cast %swap3A_155 : vector<1x16xi32> to vector<16xi32>
      %swap3A_157 = vector.shape_cast %broadcast_in_dim3A_152 : vector<16xi32> to vector<1x16xi32>
      tpu.vector_store %arg6[%swap3A_153, %swap3A_154], %swap3A_157 {strides = array<i32>} : memref<32x272xi32, #tpu.memory_space<vmem>>, vector<1x16xi32>,
      %broadcast_in_dim3A_158 = arith.constant 0.00999999977 : f32
      %broadcast_in_dim3A_159 = vector.broadcast %broadcast_in_dim3A_158 : f32 to vector<16xf32>
      %swap3A_160 = arith.index_cast %scan3A_18 : i32 to index
      %swap3A_161 = arith.constant 160 : index
      %swap3A_162 = tpu.vector_load %arg5[%swap3A_160, %swap3A_161] {strides = array<i32>} : memref<32x272xf32, #tpu.memory_space<vmem>>, vector<1x16xf32>,
      %swap3A_163 = vector.shape_cast %swap3A_162 : vector<1x16xf32> to vector<16xf32>
      %swap3A_164 = vector.shape_cast %broadcast_in_dim3A_159 : vector<16xf32> to vector<1x16xf32>
      tpu.vector_store %arg5[%swap3A_160, %swap3A_161], %swap3A_164 {strides = array<i32>} : memref<32x272xf32, #tpu.memory_space<vmem>>, vector<1x16xf32>,
      %broadcast_in_dim3A_165 = arith.constant -1 : i32
      %broadcast_in_dim3A_166 = vector.broadcast %broadcast_in_dim3A_165 : i32 to vector<16xi32>
      %swap3A_167 = arith.index_cast %scan3A_18 : i32 to index
      %swap3A_168 = arith.constant 160 : index
      %swap3A_169 = tpu.vector_load %arg6[%swap3A_167, %swap3A_168] {strides = array<i32>} : memref<32x272xi32, #tpu.memory_space<vmem>>, vector<1x16xi32>,
      %swap3A_170 = vector.shape_cast %swap3A_169 : vector<1x16xi32> to vector<16xi32>
      %swap3A_171 = vector.shape_cast %broadcast_in_dim3A_166 : vector<16xi32> to vector<1x16xi32>
      tpu.vector_store %arg6[%swap3A_167, %swap3A_168], %swap3A_171 {strides = array<i32>} : memref<32x272xi32, #tpu.memory_space<vmem>>, vector<1x16xi32>,
      %broadcast_in_dim3A_172 = arith.constant 0.00999999977 : f32
      %broadcast_in_dim3A_173 = vector.broadcast %broadcast_in_dim3A_172 : f32 to vector<16xf32>
      %swap3A_174 = arith.index_cast %scan3A_18 : i32 to index
      %swap3A_175 = arith.constant 176 : index
      %swap3A_176 = tpu.vector_load %arg5[%swap3A_174, %swap3A_175] {strides = array<i32>} : memref<32x272xf32, #tpu.memory_space<vmem>>, vector<1x16xf32>,
      %swap3A_177 = vector.shape_cast %swap3A_176 : vector<1x16xf32> to vector<16xf32>
      %swap3A_178 = vector.shape_cast %broadcast_in_dim3A_173 : vector<16xf32> to vector<1x16xf32>
      tpu.vector_store %arg5[%swap3A_174, %swap3A_175], %swap3A_178 {strides = array<i32>} : memref<32x272xf32, #tpu.memory_space<vmem>>, vector<1x16xf32>,
      %broadcast_in_dim3A_179 = arith.constant -1 : i32
      %broadcast_in_dim3A_180 = vector.broadcast %broadcast_in_dim3A_179 : i32 to vector<16xi32>
      %swap3A_181 = arith.index_cast %scan3A_18 : i32 to index
      %swap3A_182 = arith.constant 176 : index
      %swap3A_183 = tpu.vector_load %arg6[%swap3A_181, %swap3A_182] {strides = array<i32>} : memref<32x272xi32, #tpu.memory_space<vmem>>, vector<1x16xi32>,
      %swap3A_184 = vector.shape_cast %swap3A_183 : vector<1x16xi32> to vector<16xi32>
      %swap3A_185 = vector.shape_cast %broadcast_in_dim3A_180 : vector<16xi32> to vector<1x16xi32>
      tpu.vector_store %arg6[%swap3A_181, %swap3A_182], %swap3A_185 {strides = array<i32>} : memref<32x272xi32, #tpu.memory_space<vmem>>, vector<1x16xi32>,
      %broadcast_in_dim3A_186 = arith.constant 0.00999999977 : f32
      %broadcast_in_dim3A_187 = vector.broadcast %broadcast_in_dim3A_186 : f32 to vector<16xf32>
      %swap3A_188 = arith.index_cast %scan3A_18 : i32 to index
      %swap3A_189 = arith.constant 192 : index
      %swap3A_190 = tpu.vector_load %arg5[%swap3A_188, %swap3A_189] {strides = array<i32>} : memref<32x272xf32, #tpu.memory_space<vmem>>, vector<1x16xf32>,
      %swap3A_191 = vector.shape_cast %swap3A_190 : vector<1x16xf32> to vector<16xf32>
      %swap3A_192 = vector.shape_cast %broadcast_in_dim3A_187 : vector<16xf32> to vector<1x16xf32>
      tpu.vector_store %arg5[%swap3A_188, %swap3A_189], %swap3A_192 {strides = array<i32>} : memref<32x272xf32, #tpu.memory_space<vmem>>, vector<1x16xf32>,
      %broadcast_in_dim3A_193 = arith.constant -1 : i32
      %broadcast_in_dim3A_194 = vector.broadcast %broadcast_in_dim3A_193 : i32 to vector<16xi32>
      %swap3A_195 = arith.index_cast %scan3A_18 : i32 to index
      %swap3A_196 = arith.constant 192 : index
      %swap3A_197 = tpu.vector_load %arg6[%swap3A_195, %swap3A_196] {strides = array<i32>} : memref<32x272xi32, #tpu.memory_space<vmem>>, vector<1x16xi32>,
      %swap3A_198 = vector.shape_cast %swap3A_197 : vector<1x16xi32> to vector<16xi32>
      %swap3A_199 = vector.shape_cast %broadcast_in_dim3A_194 : vector<16xi32> to vector<1x16xi32>
      tpu.vector_store %arg6[%swap3A_195, %swap3A_196], %swap3A_199 {strides = array<i32>} : memref<32x272xi32, #tpu.memory_space<vmem>>, vector<1x16xi32>,
      %broadcast_in_dim3A_200 = arith.constant 0.00999999977 : f32
      %broadcast_in_dim3A_201 = vector.broadcast %broadcast_in_dim3A_200 : f32 to vector<16xf32>
      %swap3A_202 = arith.index_cast %scan3A_18 : i32 to index
      %swap3A_203 = arith.constant 208 : index
      %swap3A_204 = tpu.vector_load %arg5[%swap3A_202, %swap3A_203] {strides = array<i32>} : memref<32x272xf32, #tpu.memory_space<vmem>>, vector<1x16xf32>,
      %swap3A_205 = vector.shape_cast %swap3A_204 : vector<1x16xf32> to vector<16xf32>
      %swap3A_206 = vector.shape_cast %broadcast_in_dim3A_201 : vector<16xf32> to vector<1x16xf32>
      tpu.vector_store %arg5[%swap3A_202, %swap3A_203], %swap3A_206 {strides = array<i32>} : memref<32x272xf32, #tpu.memory_space<vmem>>, vector<1x16xf32>,
      %broadcast_in_dim3A_207 = arith.constant -1 : i32
      %broadcast_in_dim3A_208 = vector.broadcast %broadcast_in_dim3A_207 : i32 to vector<16xi32>
      %swap3A_209 = arith.index_cast %scan3A_18 : i32 to index
      %swap3A_210 = arith.constant 208 : index
      %swap3A_211 = tpu.vector_load %arg6[%swap3A_209, %swap3A_210] {strides = array<i32>} : memref<32x272xi32, #tpu.memory_space<vmem>>, vector<1x16xi32>,
      %swap3A_212 = vector.shape_cast %swap3A_211 : vector<1x16xi32> to vector<16xi32>
      %swap3A_213 = vector.shape_cast %broadcast_in_dim3A_208 : vector<16xi32> to vector<1x16xi32>
      tpu.vector_store %arg6[%swap3A_209, %swap3A_210], %swap3A_213 {strides = array<i32>} : memref<32x272xi32, #tpu.memory_space<vmem>>, vector<1x16xi32>,
      %broadcast_in_dim3A_214 = arith.constant 0.00999999977 : f32
      %broadcast_in_dim3A_215 = vector.broadcast %broadcast_in_dim3A_214 : f32 to vector<16xf32>
      %swap3A_216 = arith.index_cast %scan3A_18 : i32 to index
      %swap3A_217 = arith.constant 224 : index
      %swap3A_218 = tpu.vector_load %arg5[%swap3A_216, %swap3A_217] {strides = array<i32>} : memref<32x272xf32, #tpu.memory_space<vmem>>, vector<1x16xf32>,
      %swap3A_219 = vector.shape_cast %swap3A_218 : vector<1x16xf32> to vector<16xf32>
      %swap3A_220 = vector.shape_cast %broadcast_in_dim3A_215 : vector<16xf32> to vector<1x16xf32>
      tpu.vector_store %arg5[%swap3A_216, %swap3A_217], %swap3A_220 {strides = array<i32>} : memref<32x272xf32, #tpu.memory_space<vmem>>, vector<1x16xf32>,
      %broadcast_in_dim3A_221 = arith.constant -1 : i32
      %broadcast_in_dim3A_222 = vector.broadcast %broadcast_in_dim3A_221 : i32 to vector<16xi32>
      %swap3A_223 = arith.index_cast %scan3A_18 : i32 to index
      %swap3A_224 = arith.constant 224 : index
      %swap3A_225 = tpu.vector_load %arg6[%swap3A_223, %swap3A_224] {strides = array<i32>} : memref<32x272xi32, #tpu.memory_space<vmem>>, vector<1x16xi32>,
      %swap3A_226 = vector.shape_cast %swap3A_225 : vector<1x16xi32> to vector<16xi32>
      %swap3A_227 = vector.shape_cast %broadcast_in_dim3A_222 : vector<16xi32> to vector<1x16xi32>
      tpu.vector_store %arg6[%swap3A_223, %swap3A_224], %swap3A_227 {strides = array<i32>} : memref<32x272xi32, #tpu.memory_space<vmem>>, vector<1x16xi32>,
      %broadcast_in_dim3A_228 = arith.constant 0.00999999977 : f32
      %broadcast_in_dim3A_229 = vector.broadcast %broadcast_in_dim3A_228 : f32 to vector<16xf32>
      %swap3A_230 = arith.index_cast %scan3A_18 : i32 to index
      %swap3A_231 = arith.constant 240 : index
      %swap3A_232 = tpu.vector_load %arg5[%swap3A_230, %swap3A_231] {strides = array<i32>} : memref<32x272xf32, #tpu.memory_space<vmem>>, vector<1x16xf32>,
      %swap3A_233 = vector.shape_cast %swap3A_232 : vector<1x16xf32> to vector<16xf32>
      %swap3A_234 = vector.shape_cast %broadcast_in_dim3A_229 : vector<16xf32> to vector<1x16xf32>
      tpu.vector_store %arg5[%swap3A_230, %swap3A_231], %swap3A_234 {strides = array<i32>} : memref<32x272xf32, #tpu.memory_space<vmem>>, vector<1x16xf32>,
      %broadcast_in_dim3A_235 = arith.constant -1 : i32
      %broadcast_in_dim3A_236 = vector.broadcast %broadcast_in_dim3A_235 : i32 to vector<16xi32>
      %swap3A_237 = arith.index_cast %scan3A_18 : i32 to index
      %swap3A_238 = arith.constant 240 : index
      %swap3A_239 = tpu.vector_load %arg6[%swap3A_237, %swap3A_238] {strides = array<i32>} : memref<32x272xi32, #tpu.memory_space<vmem>>, vector<1x16xi32>,
      %swap3A_240 = vector.shape_cast %swap3A_239 : vector<1x16xi32> to vector<16xi32>
      %swap3A_241 = vector.shape_cast %broadcast_in_dim3A_236 : vector<16xi32> to vector<1x16xi32>
      tpu.vector_store %arg6[%swap3A_237, %swap3A_238], %swap3A_241 {strides = array<i32>} : memref<32x272xi32, #tpu.memory_space<vmem>>, vector<1x16xi32>,
      %broadcast_in_dim3A_242 = arith.constant 0.00999999977 : f32
      %broadcast_in_dim3A_243 = vector.broadcast %broadcast_in_dim3A_242 : f32 to vector<16xf32>
      %swap3A_244 = arith.index_cast %scan3A_18 : i32 to index
      %swap3A_245 = arith.constant 256 : index
      %swap3A_246 = tpu.vector_load %arg5[%swap3A_244, %swap3A_245] {strides = array<i32>} : memref<32x272xf32, #tpu.memory_space<vmem>>, vector<1x16xf32>,
      %swap3A_247 = vector.shape_cast %swap3A_246 : vector<1x16xf32> to vector<16xf32>
      %swap3A_248 = vector.shape_cast %broadcast_in_dim3A_243 : vector<16xf32> to vector<1x16xf32>
      tpu.vector_store %arg5[%swap3A_244, %swap3A_245], %swap3A_248 {strides = array<i32>} : memref<32x272xf32, #tpu.memory_space<vmem>>, vector<1x16xf32>,
      %broadcast_in_dim3A_249 = arith.constant -1 : i32
      %broadcast_in_dim3A_250 = vector.broadcast %broadcast_in_dim3A_249 : i32 to vector<16xi32>
      %swap3A_251 = arith.index_cast %scan3A_18 : i32 to index
      %swap3A_252 = arith.constant 256 : index
      %swap3A_253 = tpu.vector_load %arg6[%swap3A_251, %swap3A_252] {strides = array<i32>} : memref<32x272xi32, #tpu.memory_space<vmem>>, vector<1x16xi32>,
      %swap3A_254 = vector.shape_cast %swap3A_253 : vector<1x16xi32> to vector<16xi32>
      %swap3A_255 = vector.shape_cast %broadcast_in_dim3A_250 : vector<16xi32> to vector<1x16xi32>
      tpu.vector_store %arg6[%swap3A_251, %swap3A_252], %swap3A_255 {strides = array<i32>} : memref<32x272xi32, #tpu.memory_space<vmem>>, vector<1x16xi32>,
      %scan3A_256 = arith.constant 0 : i32
      scf.yield %scan3A_256 : i32
    }
    %scan3A_8 = arith.constant 32 : i32
    %iota3A = tpu.iota {dimensions = array<i32: 0>} : vector<16xi32>
    %convert_element_type3A = arith.sitofp %iota3A : vector<16xi32> to vector<16xf32>
    %convert_element_type3A_9 = arith.sitofp %and3A_2 : i32 to f32
    %scan3A_10 = arith.constant 3.906250e-03 : f32
    %scan3A_11 = arith.constant 0 : i32
    %scan3A_12 = arith.constant 0 : i32
    %scan3A_13 = arith.constant 2048 : i32
    %scan3A_14 = arith.addi %scan3A_12, %scan3A_13 : i32
    %scan3A_15 = arith.constant 1 : i32
    %scan3A_16 = scf.for %scan3A_18 = %scan3A_12 to %scan3A_14 step %scan3A_15 iter_args(%scan3A_19 = %scan3A_11) -> (i32)  : i32 {
      %mul3A_20 = arith.constant 48 : i32
      %mul3A_21 = arith.muli %scan3A_18, %mul3A_20 : i32
      %multiple_of3A = tpu.assume_multiple %mul3A_21, 16 : i32
      %get3A = arith.index_cast %multiple_of3A : i32 to index
      %get3A_22 = tpu.vector_load %arg4[%get3A] {strides = array<i32>} : memref<98304xf32, #tpu.memory_space<vmem>>, vector<16xf32>,
      %get3A_23 = vector.shape_cast %get3A_22 : vector<16xf32> to vector<16xf32>
      %mul3A_24 = arith.constant 48 : i32
      %mul3A_25 = arith.muli %scan3A_18, %mul3A_24 : i32
      %add3A_26 = arith.constant 16 : i32
      %add3A_27 = arith.addi %mul3A_25, %add3A_26 : i32
      %multiple_of3A_28 = tpu.assume_multiple %add3A_27, 16 : i32
      %get3A_29 = arith.index_cast %multiple_of3A_28 : i32 to index
      %get3A_30 = tpu.vector_load %arg4[%get3A_29] {strides = array<i32>} : memref<98304xf32, #tpu.memory_space<vmem>>, vector<16xf32>,
      %get3A_31 = vector.shape_cast %get3A_30 : vector<16xf32> to vector<16xf32>
      %mul3A_32 = arith.constant 48 : i32
      %mul3A_33 = arith.muli %scan3A_18, %mul3A_32 : i32
      %add3A_34 = arith.constant 32 : i32
      %add3A_35 = arith.addi %mul3A_33, %add3A_34 : i32
      %multiple_of3A_36 = tpu.assume_multiple %add3A_35, 16 : i32
      %get3A_37 = arith.index_cast %multiple_of3A_36 : i32 to index
      %get3A_38 = tpu.vector_load %arg4[%get3A_37] {strides = array<i32>} : memref<98304xf32, #tpu.memory_space<vmem>>, vector<16xf32>,
      %get3A_39 = vector.shape_cast %get3A_38 : vector<16xf32> to vector<16xf32>
      %slice3A = vector.extract_strided_slice %get3A_23 {offsets = [0], sizes = [1], strides = [1]} : vector<16xf32> to vector<1xf32>
      %squeeze3A = vector.extract %slice3A[0] : f32 from vector<1xf32>
      %slice3A_40 = vector.extract_strided_slice %get3A_23 {offsets = [1], sizes = [1], strides = [1]} : vector<16xf32> to vector<1xf32>
      %squeeze3A_41 = vector.extract %slice3A_40[0] : f32 from vector<1xf32>
      %slice3A_42 = vector.extract_strided_slice %get3A_23 {offsets = [2], sizes = [1], strides = [1]} : vector<16xf32> to vector<1xf32>
      %squeeze3A_43 = vector.extract %slice3A_42[0] : f32 from vector<1xf32>
      %slice3A_44 = vector.extract_strided_slice %get3A_23 {offsets = [3], sizes = [1], strides = [1]} : vector<16xf32> to vector<1xf32>
      %squeeze3A_45 = vector.extract %slice3A_44[0] : f32 from vector<1xf32>
      %slice3A_46 = vector.extract_strided_slice %get3A_23 {offsets = [4], sizes = [1], strides = [1]} : vector<16xf32> to vector<1xf32>
      %squeeze3A_47 = vector.extract %slice3A_46[0] : f32 from vector<1xf32>
      %slice3A_48 = vector.extract_strided_slice %get3A_23 {offsets = [5], sizes = [1], strides = [1]} : vector<16xf32> to vector<1xf32>
      %squeeze3A_49 = vector.extract %slice3A_48[0] : f32 from vector<1xf32>
      %slice3A_50 = vector.extract_strided_slice %get3A_23 {offsets = [6], sizes = [1], strides = [1]} : vector<16xf32> to vector<1xf32>
      %squeeze3A_51 = vector.extract %slice3A_50[0] : f32 from vector<1xf32>
      %slice3A_52 = vector.extract_strided_slice %get3A_23 {offsets = [7], sizes = [1], strides = [1]} : vector<16xf32> to vector<1xf32>
      %squeeze3A_53 = vector.extract %slice3A_52[0] : f32 from vector<1xf32>
      %slice3A_54 = vector.extract_strided_slice %get3A_23 {offsets = [8], sizes = [1], strides = [1]} : vector<16xf32> to vector<1xf32>
      %squeeze3A_55 = vector.extract %slice3A_54[0] : f32 from vector<1xf32>
      %slice3A_56 = vector.extract_strided_slice %get3A_23 {offsets = [9], sizes = [1], strides = [1]} : vector<16xf32> to vector<1xf32>
      %squeeze3A_57 = vector.extract %slice3A_56[0] : f32 from vector<1xf32>
      %slice3A_58 = vector.extract_strided_slice %get3A_23 {offsets = [10], sizes = [1], strides = [1]} : vector<16xf32> to vector<1xf32>
      %squeeze3A_59 = vector.extract %slice3A_58[0] : f32 from vector<1xf32>
      %slice3A_60 = vector.extract_strided_slice %get3A_23 {offsets = [11], sizes = [1], strides = [1]} : vector<16xf32> to vector<1xf32>
      %squeeze3A_61 = vector.extract %slice3A_60[0] : f32 from vector<1xf32>
      %slice3A_62 = vector.extract_strided_slice %get3A_23 {offsets = [12], sizes = [1], strides = [1]} : vector<16xf32> to vector<1xf32>
      %squeeze3A_63 = vector.extract %slice3A_62[0] : f32 from vector<1xf32>
      %slice3A_64 = vector.extract_strided_slice %get3A_23 {offsets = [13], sizes = [1], strides = [1]} : vector<16xf32> to vector<1xf32>
      %squeeze3A_65 = vector.extract %slice3A_64[0] : f32 from vector<1xf32>
      %slice3A_66 = vector.extract_strided_slice %get3A_23 {offsets = [14], sizes = [1], strides = [1]} : vector<16xf32> to vector<1xf32>
      %squeeze3A_67 = vector.extract %slice3A_66[0] : f32 from vector<1xf32>
      %slice3A_68 = vector.extract_strided_slice %get3A_23 {offsets = [15], sizes = [1], strides = [1]} : vector<16xf32> to vector<1xf32>
      %squeeze3A_69 = vector.extract %slice3A_68[0] : f32 from vector<1xf32>
      %slice3A_70 = vector.extract_strided_slice %get3A_31 {offsets = [10], sizes = [1], strides = [1]} : vector<16xf32> to vector<1xf32>
      %squeeze3A_71 = vector.extract %slice3A_70[0] : f32 from vector<1xf32>
      %convert_element_type3A_72 = arith.fptosi %squeeze3A_69 : f32 to i32
      %sub3A = arith.constant 1 : i32
      %sub3A_73 = arith.subi %convert_element_type3A_72, %sub3A : i32
      %max3A = arith.constant 0 : i32
      %max3A_74 = arith.maxsi %sub3A_73, %max3A : i32
      %convert_element_type3A_75 = arith.fptosi %squeeze3A_71 : f32 to i32
      %add3A_76 = arith.constant 1 : i32
      %add3A_77 = arith.addi %convert_element_type3A_75, %add3A_76 : i32
      %min3A = arith.constant 255 : i32
      %min3A_78 = arith.minsi %add3A_77, %min3A : i32
      %sub3A_79 = arith.subi %max3A_74, %and3A_2 : i32
      %add3A_80 = arith.constant 7 : i32
      %add3A_81 = arith.addi %sub3A_79, %add3A_80 : i32
      %shift_right_arithmetic3A_82 = arith.constant 3 : i32
      %shift_right_arithmetic3A_83 = arith.shrsi %add3A_81, %shift_right_arithmetic3A_82 : i32
      %max3A_84 = arith.constant 0 : i32
      %max3A_85 = arith.maxsi %shift_right_arithmetic3A_83, %max3A_84 : i32
      %sub3A_86 = arith.subi %min3A_78, %and3A_2 : i32
      %shift_right_arithmetic3A_87 = arith.constant 3 : i32
      %shift_right_arithmetic3A_88 = arith.shrsi %sub3A_86, %shift_right_arithmetic3A_87 : i32
      %min3A_89 = arith.constant 31 : i32
      %min3A_90 = arith.minsi %shift_right_arithmetic3A_88, %min3A_89 : i32
      %le3A = arith.cmpi sle, %max3A_85, %min3A_90 : i32
      %convert_element_type3A_91 = arith.extui %le3A : i1 to i32
      %cond3A = arith.constant 0 : i32
      %cond3A_92 = arith.cmpi ne, %convert_element_type3A_91, %cond3A : i32
      scf.if %cond3A_92 {
        %add3A_94 = arith.constant 1 : i32
        %add3A_95 = arith.addi %min3A_90, %add3A_94 : i32
        %parallel_loop3A = arith.constant 1 : i32
        scf.for %parallel_loop3A_96 = %max3A_85 to %add3A_95 step %parallel_loop3A  : i32 {
          %parallel_loop3A_97 = arith.sitofp %parallel_loop3A_96 : i32 to f32
          %parallel_loop3A_98 = arith.constant 8.000000e+00 : f32
          %parallel_loop3A_99 = arith.mulf %parallel_loop3A_98, %parallel_loop3A_97 : f32
          %parallel_loop3A_100 = arith.addf %convert_element_type3A_9, %parallel_loop3A_99 : f32
          %parallel_loop3A_101 = arith.constant 2.000000e+00 : f32
          %parallel_loop3A_102 = arith.mulf %parallel_loop3A_101, %parallel_loop3A_100 : f32
          %parallel_loop3A_103 = arith.constant -2.550000e+02 : f32
          %parallel_loop3A_104 = arith.addf %parallel_loop3A_102, %parallel_loop3A_103 : f32
          %parallel_loop3A_105 = arith.mulf %parallel_loop3A_104, %scan3A_10 : f32
          %parallel_loop3A_106 = vector.extract_strided_slice %get3A_31 {offsets = [5], sizes = [1], strides = [1]} : vector<16xf32> to vector<1xf32>
          %parallel_loop3A_107 = vector.extract %parallel_loop3A_106[0] : f32 from vector<1xf32>
          %parallel_loop3A_108 = vector.extract_strided_slice %get3A_31 {offsets = [0], sizes = [1], strides = [1]} : vector<16xf32> to vector<1xf32>
          %parallel_loop3A_109 = vector.extract %parallel_loop3A_108[0] : f32 from vector<1xf32>
          %parallel_loop3A_110 = arith.mulf %parallel_loop3A_109, %parallel_loop3A_105 : f32
          %parallel_loop3A_111 = arith.addf %parallel_loop3A_107, %parallel_loop3A_110 : f32
          %parallel_loop3A_112 = vector.extract_strided_slice %get3A_39 {offsets = [5], sizes = [1], strides = [1]} : vector<16xf32> to vector<1xf32>
          %parallel_loop3A_113 = vector.extract %parallel_loop3A_112[0] : f32 from vector<1xf32>
          %parallel_loop3A_114 = vector.extract_strided_slice %get3A_39 {offsets = [0], sizes = [1], strides = [1]} : vector<16xf32> to vector<1xf32>
          %parallel_loop3A_115 = vector.extract %parallel_loop3A_114[0] : f32 from vector<1xf32>
          %parallel_loop3A_116 = arith.mulf %parallel_loop3A_115, %parallel_loop3A_105 : f32
          %parallel_loop3A_117 = arith.addf %parallel_loop3A_113, %parallel_loop3A_116 : f32
          %parallel_loop3A_118 = vector.extract_strided_slice %get3A_31 {offsets = [6], sizes = [1], strides = [1]} : vector<16xf32> to vector<1xf32>
          %parallel_loop3A_119 = vector.extract %parallel_loop3A_118[0] : f32 from vector<1xf32>
          %parallel_loop3A_120 = vector.extract_strided_slice %get3A_31 {offsets = [1], sizes = [1], strides = [1]} : vector<16xf32> to vector<1xf32>
          %parallel_loop3A_121 = vector.extract %parallel_loop3A_120[0] : f32 from vector<1xf32>
          %parallel_loop3A_122 = arith.mulf %parallel_loop3A_121, %parallel_loop3A_105 : f32
          %parallel_loop3A_123 = arith.addf %parallel_loop3A_119, %parallel_loop3A_122 : f32
          %parallel_loop3A_124 = arith.maximumf %parallel_loop3A_111, %parallel_loop3A_123 : f32
          %parallel_loop3A_125 = vector.extract_strided_slice %get3A_39 {offsets = [6], sizes = [1], strides = [1]} : vector<16xf32> to vector<1xf32>
          %parallel_loop3A_126 = vector.extract %parallel_loop3A_125[0] : f32 from vector<1xf32>
          %parallel_loop3A_127 = vector.extract_strided_slice %get3A_39 {offsets = [1], sizes = [1], strides = [1]} : vector<16xf32> to vector<1xf32>
          %parallel_loop3A_128 = vector.extract %parallel_loop3A_127[0] : f32 from vector<1xf32>
          %parallel_loop3A_129 = arith.mulf %parallel_loop3A_128, %parallel_loop3A_105 : f32
          %parallel_loop3A_130 = arith.addf %parallel_loop3A_126, %parallel_loop3A_129 : f32
          %parallel_loop3A_131 = arith.minimumf %parallel_loop3A_117, %parallel_loop3A_130 : f32
          %parallel_loop3A_132 = vector.extract_strided_slice %get3A_31 {offsets = [7], sizes = [1], strides = [1]} : vector<16xf32> to vector<1xf32>
          %parallel_loop3A_133 = vector.extract %parallel_loop3A_132[0] : f32 from vector<1xf32>
          %parallel_loop3A_134 = vector.extract_strided_slice %get3A_31 {offsets = [2], sizes = [1], strides = [1]} : vector<16xf32> to vector<1xf32>
          %parallel_loop3A_135 = vector.extract %parallel_loop3A_134[0] : f32 from vector<1xf32>
          %parallel_loop3A_136 = arith.mulf %parallel_loop3A_135, %parallel_loop3A_105 : f32
          %parallel_loop3A_137 = arith.addf %parallel_loop3A_133, %parallel_loop3A_136 : f32
          %parallel_loop3A_138 = arith.maximumf %parallel_loop3A_124, %parallel_loop3A_137 : f32
          %parallel_loop3A_139 = vector.extract_strided_slice %get3A_39 {offsets = [7], sizes = [1], strides = [1]} : vector<16xf32> to vector<1xf32>
          %parallel_loop3A_140 = vector.extract %parallel_loop3A_139[0] : f32 from vector<1xf32>
          %parallel_loop3A_141 = vector.extract_strided_slice %get3A_39 {offsets = [2], sizes = [1], strides = [1]} : vector<16xf32> to vector<1xf32>
          %parallel_loop3A_142 = vector.extract %parallel_loop3A_141[0] : f32 from vector<1xf32>
          %parallel_loop3A_143 = arith.mulf %parallel_loop3A_142, %parallel_loop3A_105 : f32
          %parallel_loop3A_144 = arith.addf %parallel_loop3A_140, %parallel_loop3A_143 : f32
          %parallel_loop3A_145 = arith.minimumf %parallel_loop3A_131, %parallel_loop3A_144 : f32
          %parallel_loop3A_146 = vector.extract_strided_slice %get3A_31 {offsets = [8], sizes = [1], strides = [1]} : vector<16xf32> to vector<1xf32>
          %parallel_loop3A_147 = vector.extract %parallel_loop3A_146[0] : f32 from vector<1xf32>
          %parallel_loop3A_148 = vector.extract_strided_slice %get3A_31 {offsets = [3], sizes = [1], strides = [1]} : vector<16xf32> to vector<1xf32>
          %parallel_loop3A_149 = vector.extract %parallel_loop3A_148[0] : f32 from vector<1xf32>
          %parallel_loop3A_150 = arith.mulf %parallel_loop3A_149, %parallel_loop3A_105 : f32
          %parallel_loop3A_151 = arith.addf %parallel_loop3A_147, %parallel_loop3A_150 : f32
          %parallel_loop3A_152 = arith.maximumf %parallel_loop3A_138, %parallel_loop3A_151 : f32
          %parallel_loop3A_153 = vector.extract_strided_slice %get3A_39 {offsets = [8], sizes = [1], strides = [1]} : vector<16xf32> to vector<1xf32>
          %parallel_loop3A_154 = vector.extract %parallel_loop3A_153[0] : f32 from vector<1xf32>
          %parallel_loop3A_155 = vector.extract_strided_slice %get3A_39 {offsets = [3], sizes = [1], strides = [1]} : vector<16xf32> to vector<1xf32>
          %parallel_loop3A_156 = vector.extract %parallel_loop3A_155[0] : f32 from vector<1xf32>
          %parallel_loop3A_157 = arith.mulf %parallel_loop3A_156, %parallel_loop3A_105 : f32
          %parallel_loop3A_158 = arith.addf %parallel_loop3A_154, %parallel_loop3A_157 : f32
          %parallel_loop3A_159 = arith.minimumf %parallel_loop3A_145, %parallel_loop3A_158 : f32
          %parallel_loop3A_160 = vector.extract_strided_slice %get3A_31 {offsets = [9], sizes = [1], strides = [1]} : vector<16xf32> to vector<1xf32>
          %parallel_loop3A_161 = vector.extract %parallel_loop3A_160[0] : f32 from vector<1xf32>
          %parallel_loop3A_162 = vector.extract_strided_slice %get3A_31 {offsets = [4], sizes = [1], strides = [1]} : vector<16xf32> to vector<1xf32>
          %parallel_loop3A_163 = vector.extract %parallel_loop3A_162[0] : f32 from vector<1xf32>
          %parallel_loop3A_164 = arith.mulf %parallel_loop3A_163, %parallel_loop3A_105 : f32
          %parallel_loop3A_165 = arith.addf %parallel_loop3A_161, %parallel_loop3A_164 : f32
          %parallel_loop3A_166 = arith.maximumf %parallel_loop3A_152, %parallel_loop3A_165 : f32
          %parallel_loop3A_167 = vector.extract_strided_slice %get3A_39 {offsets = [9], sizes = [1], strides = [1]} : vector<16xf32> to vector<1xf32>
          %parallel_loop3A_168 = vector.extract %parallel_loop3A_167[0] : f32 from vector<1xf32>
          %parallel_loop3A_169 = vector.extract_strided_slice %get3A_39 {offsets = [4], sizes = [1], strides = [1]} : vector<16xf32> to vector<1xf32>
          %parallel_loop3A_170 = vector.extract %parallel_loop3A_169[0] : f32 from vector<1xf32>
          %parallel_loop3A_171 = arith.mulf %parallel_loop3A_170, %parallel_loop3A_105 : f32
          %parallel_loop3A_172 = arith.addf %parallel_loop3A_168, %parallel_loop3A_171 : f32
          %parallel_loop3A_173 = arith.minimumf %parallel_loop3A_159, %parallel_loop3A_172 : f32
          %parallel_loop3A_174 = arith.constant 2.560000e+02 : f32
          %parallel_loop3A_175 = arith.mulf %parallel_loop3A_174, %parallel_loop3A_166 : f32
          %parallel_loop3A_176 = arith.constant 2.550000e+02 : f32
          %parallel_loop3A_177 = arith.addf %parallel_loop3A_175, %parallel_loop3A_176 : f32
          %parallel_loop3A_178 = arith.constant 5.000000e-01 : f32
          %parallel_loop3A_179 = arith.mulf %parallel_loop3A_177, %parallel_loop3A_178 : f32
          %parallel_loop3A_180 = arith.constant -2.000000e+00 : f32
          %parallel_loop3A_181 = arith.constant 3.000000e+02 : f32
          %parallel_loop3A_182 = arith.maximumf %parallel_loop3A_180, %parallel_loop3A_179 : f32
          %parallel_loop3A_183 = arith.minimumf %parallel_loop3A_181, %parallel_loop3A_182 : f32
          %parallel_loop3A_184 = arith.constant 2.560000e+02 : f32
          %parallel_loop3A_185 = arith.mulf %parallel_loop3A_184, %parallel_loop3A_173 : f32
          %parallel_loop3A_186 = arith.constant 2.550000e+02 : f32
          %parallel_loop3A_187 = arith.addf %parallel_loop3A_185, %parallel_loop3A_186 : f32
          %parallel_loop3A_188 = arith.constant 5.000000e-01 : f32
          %parallel_loop3A_189 = arith.mulf %parallel_loop3A_187, %parallel_loop3A_188 : f32
          %parallel_loop3A_190 = arith.constant -2.000000e+00 : f32
          %parallel_loop3A_191 = arith.constant 3.000000e+02 : f32
          %parallel_loop3A_192 = arith.maximumf %parallel_loop3A_190, %parallel_loop3A_189 : f32
          %parallel_loop3A_193 = arith.minimumf %parallel_loop3A_191, %parallel_loop3A_192 : f32
          %parallel_loop3A_194 = arith.fptosi %parallel_loop3A_183 : f32 to i32
          %parallel_loop3A_195 = arith.constant 1 : i32
          %parallel_loop3A_196 = arith.subi %parallel_loop3A_194, %parallel_loop3A_195 : i32
          %parallel_loop3A_197 = arith.constant 0 : i32
          %parallel_loop3A_198 = arith.maxsi %parallel_loop3A_196, %parallel_loop3A_197 : i32
          %parallel_loop3A_199 = arith.fptosi %parallel_loop3A_193 : f32 to i32
          %parallel_loop3A_200 = arith.constant 1 : i32
          %parallel_loop3A_201 = arith.addi %parallel_loop3A_199, %parallel_loop3A_200 : i32
          %parallel_loop3A_202 = arith.constant 255 : i32
          %parallel_loop3A_203 = arith.minsi %parallel_loop3A_201, %parallel_loop3A_202 : i32
          %parallel_loop3A_204 = arith.cmpi sle, %parallel_loop3A_198, %parallel_loop3A_203 : i32
          %parallel_loop3A_205 = arith.extui %parallel_loop3A_204 : i1 to i32
          %parallel_loop3A_206 = arith.constant 0 : i32
          %parallel_loop3A_207 = arith.cmpi ne, %parallel_loop3A_205, %parallel_loop3A_206 : i32
          scf.if %parallel_loop3A_207 {
            %parallel_loop3A_208 = arith.mulf %squeeze3A_41, %parallel_loop3A_105 : f32
            %parallel_loop3A_209 = arith.addf %parallel_loop3A_208, %squeeze3A_43 : f32
            %parallel_loop3A_210 = arith.mulf %squeeze3A_47, %parallel_loop3A_105 : f32
            %parallel_loop3A_211 = arith.addf %parallel_loop3A_210, %squeeze3A_49 : f32
            %parallel_loop3A_212 = arith.mulf %squeeze3A_53, %parallel_loop3A_105 : f32
            %parallel_loop3A_213 = arith.addf %parallel_loop3A_212, %squeeze3A_55 : f32
            %parallel_loop3A_214 = arith.mulf %squeeze3A_59, %parallel_loop3A_105 : f32
            %parallel_loop3A_215 = arith.addf %parallel_loop3A_214, %squeeze3A_61 : f32
            %parallel_loop3A_216 = arith.constant -16 : i32
            %parallel_loop3A_217 = arith.andi %parallel_loop3A_198, %parallel_loop3A_216 : i32
            %parallel_loop3A_218 = arith.subi %parallel_loop3A_203, %parallel_loop3A_217 : i32
            %parallel_loop3A_219 = arith.constant 5 : i32
            %parallel_loop3A_220 = arith.shrsi %parallel_loop3A_218, %parallel_loop3A_219 : i32
            %parallel_loop3A_221 = arith.constant 1 : i32
            %parallel_loop3A_222 = arith.addi %parallel_loop3A_220, %parallel_loop3A_221 : i32
            %parallel_loop3A_223 = arith.constant 0 : i32
            %parallel_loop3A_224 = arith.constant 1 : i32
            scf.for %parallel_loop3A_225 = %parallel_loop3A_223 to %parallel_loop3A_222 step %parallel_loop3A_224  : i32 {
              %parallel_loop3A_226 = arith.constant 32 : i32
              %parallel_loop3A_227 = arith.muli %parallel_loop3A_225, %parallel_loop3A_226 : i32
              %parallel_loop3A_228 = arith.addi %parallel_loop3A_217, %parallel_loop3A_227 : i32
              %parallel_loop3A_229 = arith.constant 0 : i32
              %parallel_loop3A_230 = arith.addi %parallel_loop3A_228, %parallel_loop3A_229 : i32
              %parallel_loop3A_231 = tpu.assume_multiple %parallel_loop3A_230, 16 : i32
              %parallel_loop3A_232 = vector.broadcast %parallel_loop3A_231 : i32 to vector<16xi32>
              %parallel_loop3A_233 = arith.addi %iota3A, %parallel_loop3A_232 : vector<16xi32>
              %parallel_loop3A_234 = arith.sitofp %parallel_loop3A_233 : vector<16xi32> to vector<16xf32>
              %parallel_loop3A_235 = arith.constant 2.000000e+00 : f32
              %parallel_loop3A_236 = vector.broadcast %parallel_loop3A_235 : f32 to vector<16xf32>
              %parallel_loop3A_237 = arith.mulf %parallel_loop3A_236, %parallel_loop3A_234 : vector<16xf32>
              %parallel_loop3A_238 = arith.constant -2.550000e+02 : f32
              %parallel_loop3A_239 = vector.broadcast %parallel_loop3A_238 : f32 to vector<16xf32>
              %parallel_loop3A_240 = arith.addf %parallel_loop3A_237, %parallel_loop3A_239 : vector<16xf32>
              %parallel_loop3A_241 = vector.broadcast %scan3A_10 : f32 to vector<16xf32>
              %parallel_loop3A_242 = arith.mulf %parallel_loop3A_240, %parallel_loop3A_241 : vector<16xf32>
              %parallel_loop3A_243 = vector.broadcast %squeeze3A : f32 to vector<16xf32>
              %parallel_loop3A_244 = arith.mulf %parallel_loop3A_243, %parallel_loop3A_242 : vector<16xf32>
              %parallel_loop3A_245 = vector.broadcast %parallel_loop3A_209 : f32 to vector<16xf32>
              %parallel_loop3A_246 = arith.addf %parallel_loop3A_244, %parallel_loop3A_245 : vector<16xf32>
              %parallel_loop3A_247 = vector.broadcast %squeeze3A_45 : f32 to vector<16xf32>
              %parallel_loop3A_248 = arith.mulf %parallel_loop3A_247, %parallel_loop3A_242 : vector<16xf32>
              %parallel_loop3A_249 = vector.broadcast %parallel_loop3A_211 : f32 to vector<16xf32>
              %parallel_loop3A_250 = arith.addf %parallel_loop3A_248, %parallel_loop3A_249 : vector<16xf32>
              %parallel_loop3A_251 = vector.broadcast %squeeze3A_51 : f32 to vector<16xf32>
              %parallel_loop3A_252 = arith.mulf %parallel_loop3A_251, %parallel_loop3A_242 : vector<16xf32>
              %parallel_loop3A_253 = vector.broadcast %parallel_loop3A_213 : f32 to vector<16xf32>
              %parallel_loop3A_254 = arith.addf %parallel_loop3A_252, %parallel_loop3A_253 : vector<16xf32>
              %parallel_loop3A_255 = vector.broadcast %squeeze3A_57 : f32 to vector<16xf32>
              %parallel_loop3A_256 = arith.mulf %parallel_loop3A_255, %parallel_loop3A_242 : vector<16xf32>
              %parallel_loop3A_257 = vector.broadcast %parallel_loop3A_215 : f32 to vector<16xf32>
              %parallel_loop3A_258 = arith.addf %parallel_loop3A_256, %parallel_loop3A_257 : vector<16xf32>
              %parallel_loop3A_259 = vector.broadcast %squeeze3A_63 : f32 to vector<16xf32>
              %parallel_loop3A_260 = arith.mulf %parallel_loop3A_258, %parallel_loop3A_259 : vector<16xf32>
              %parallel_loop3A_261 = arith.index_cast %parallel_loop3A_96 : i32 to index
              %parallel_loop3A_262 = arith.index_cast %parallel_loop3A_231 : i32 to index
              %parallel_loop3A_263 = tpu.vector_load %arg5[%parallel_loop3A_261, %parallel_loop3A_262] {strides = array<i32>} : memref<32x272xf32, #tpu.memory_space<vmem>>, vector<1x16xf32>,
              %parallel_loop3A_264 = vector.shape_cast %parallel_loop3A_263 : vector<1x16xf32> to vector<16xf32>
              %parallel_loop3A_265 = arith.constant 0.000000e+00 : f32
              %parallel_loop3A_266 = vector.broadcast %parallel_loop3A_265 : f32 to vector<16xf32>
              %parallel_loop3A_267 = arith.cmpf oge, %parallel_loop3A_246, %parallel_loop3A_266 : vector<16xf32>
              %parallel_loop3A_268 = arith.constant 0.000000e+00 : f32
              %parallel_loop3A_269 = vector.broadcast %parallel_loop3A_268 : f32 to vector<16xf32>
              %parallel_loop3A_270 = arith.cmpf oge, %parallel_loop3A_250, %parallel_loop3A_269 : vector<16xf32>
              %parallel_loop3A_271 = arith.andi %parallel_loop3A_267, %parallel_loop3A_270 : vector<16xi1>
              %parallel_loop3A_272 = arith.constant 0.000000e+00 : f32
              %parallel_loop3A_273 = vector.broadcast %parallel_loop3A_272 : f32 to vector<16xf32>
              %parallel_loop3A_274 = arith.cmpf oge, %parallel_loop3A_254, %parallel_loop3A_273 : vector<16xf32>
              %parallel_loop3A_275 = arith.andi %parallel_loop3A_271, %parallel_loop3A_274 : vector<16xi1>
              %parallel_loop3A_276 = vector.broadcast %squeeze3A_65 : f32 to vector<16xf32>
              %parallel_loop3A_277 = arith.cmpf ogt, %parallel_loop3A_258, %parallel_loop3A_276 : vector<16xf32>
              %parallel_loop3A_278 = arith.andi %parallel_loop3A_275, %parallel_loop3A_277 : vector<16xi1>
              %parallel_loop3A_279 = vector.broadcast %squeeze3A_67 : f32 to vector<16xf32>
              %parallel_loop3A_280 = arith.cmpf olt, %parallel_loop3A_258, %parallel_loop3A_279 : vector<16xf32>
              %parallel_loop3A_281 = arith.andi %parallel_loop3A_278, %parallel_loop3A_280 : vector<16xi1>
              %parallel_loop3A_282 = arith.cmpf ogt, %parallel_loop3A_260, %parallel_loop3A_264 : vector<16xf32>
              %parallel_loop3A_283 = arith.andi %parallel_loop3A_281, %parallel_loop3A_282 : vector<16xi1>
              %parallel_loop3A_284 = arith.select %parallel_loop3A_283, %parallel_loop3A_260, %parallel_loop3A_264 : vector<16xi1>, vector<16xf32>
              %parallel_loop3A_285 = arith.index_cast %parallel_loop3A_96 : i32 to index
              %parallel_loop3A_286 = arith.index_cast %parallel_loop3A_231 : i32 to index
              %parallel_loop3A_287 = tpu.vector_load %arg5[%parallel_loop3A_285, %parallel_loop3A_286] {strides = array<i32>} : memref<32x272xf32, #tpu.memory_space<vmem>>, vector<1x16xf32>,
              %parallel_loop3A_288 = vector.shape_cast %parallel_loop3A_287 : vector<1x16xf32> to vector<16xf32>
              %parallel_loop3A_289 = vector.shape_cast %parallel_loop3A_284 : vector<16xf32> to vector<1x16xf32>
              tpu.vector_store %arg5[%parallel_loop3A_285, %parallel_loop3A_286], %parallel_loop3A_289 {strides = array<i32>} : memref<32x272xf32, #tpu.memory_space<vmem>>, vector<1x16xf32>,
              %parallel_loop3A_290 = arith.index_cast %parallel_loop3A_96 : i32 to index
              %parallel_loop3A_291 = arith.index_cast %parallel_loop3A_231 : i32 to index
              %parallel_loop3A_292 = tpu.vector_load %arg6[%parallel_loop3A_290, %parallel_loop3A_291] {strides = array<i32>} : memref<32x272xi32, #tpu.memory_space<vmem>>, vector<1x16xi32>,
              %parallel_loop3A_293 = vector.shape_cast %parallel_loop3A_292 : vector<1x16xi32> to vector<16xi32>
              %parallel_loop3A_294 = vector.broadcast %scan3A_18 : i32 to vector<16xi32>
              %parallel_loop3A_295 = arith.select %parallel_loop3A_283, %parallel_loop3A_294, %parallel_loop3A_293 : vector<16xi1>, vector<16xi32>
              %parallel_loop3A_296 = arith.index_cast %parallel_loop3A_96 : i32 to index
              %parallel_loop3A_297 = arith.index_cast %parallel_loop3A_231 : i32 to index
              %parallel_loop3A_298 = tpu.vector_load %arg6[%parallel_loop3A_296, %parallel_loop3A_297] {strides = array<i32>} : memref<32x272xi32, #tpu.memory_space<vmem>>, vector<1x16xi32>,
              %parallel_loop3A_299 = vector.shape_cast %parallel_loop3A_298 : vector<1x16xi32> to vector<16xi32>
              %parallel_loop3A_300 = vector.shape_cast %parallel_loop3A_295 : vector<16xi32> to vector<1x16xi32>
              tpu.vector_store %arg6[%parallel_loop3A_296, %parallel_loop3A_297], %parallel_loop3A_300 {strides = array<i32>} : memref<32x272xi32, #tpu.memory_space<vmem>>, vector<1x16xi32>,
              %parallel_loop3A_301 = arith.constant 16 : i32
              %parallel_loop3A_302 = arith.addi %parallel_loop3A_228, %parallel_loop3A_301 : i32
              %parallel_loop3A_303 = tpu.assume_multiple %parallel_loop3A_302, 16 : i32
              %parallel_loop3A_304 = vector.broadcast %parallel_loop3A_303 : i32 to vector<16xi32>
              %parallel_loop3A_305 = arith.addi %iota3A, %parallel_loop3A_304 : vector<16xi32>
              %parallel_loop3A_306 = arith.sitofp %parallel_loop3A_305 : vector<16xi32> to vector<16xf32>
              %parallel_loop3A_307 = arith.constant 2.000000e+00 : f32
              %parallel_loop3A_308 = vector.broadcast %parallel_loop3A_307 : f32 to vector<16xf32>
              %parallel_loop3A_309 = arith.mulf %parallel_loop3A_308, %parallel_loop3A_306 : vector<16xf32>
              %parallel_loop3A_310 = arith.constant -2.550000e+02 : f32
              %parallel_loop3A_311 = vector.broadcast %parallel_loop3A_310 : f32 to vector<16xf32>
              %parallel_loop3A_312 = arith.addf %parallel_loop3A_309, %parallel_loop3A_311 : vector<16xf32>
              %parallel_loop3A_313 = vector.broadcast %scan3A_10 : f32 to vector<16xf32>
              %parallel_loop3A_314 = arith.mulf %parallel_loop3A_312, %parallel_loop3A_313 : vector<16xf32>
              %parallel_loop3A_315 = vector.broadcast %squeeze3A : f32 to vector<16xf32>
              %parallel_loop3A_316 = arith.mulf %parallel_loop3A_315, %parallel_loop3A_314 : vector<16xf32>
              %parallel_loop3A_317 = vector.broadcast %parallel_loop3A_209 : f32 to vector<16xf32>
              %parallel_loop3A_318 = arith.addf %parallel_loop3A_316, %parallel_loop3A_317 : vector<16xf32>
              %parallel_loop3A_319 = vector.broadcast %squeeze3A_45 : f32 to vector<16xf32>
              %parallel_loop3A_320 = arith.mulf %parallel_loop3A_319, %parallel_loop3A_314 : vector<16xf32>
              %parallel_loop3A_321 = vector.broadcast %parallel_loop3A_211 : f32 to vector<16xf32>
              %parallel_loop3A_322 = arith.addf %parallel_loop3A_320, %parallel_loop3A_321 : vector<16xf32>
              %parallel_loop3A_323 = vector.broadcast %squeeze3A_51 : f32 to vector<16xf32>
              %parallel_loop3A_324 = arith.mulf %parallel_loop3A_323, %parallel_loop3A_314 : vector<16xf32>
              %parallel_loop3A_325 = vector.broadcast %parallel_loop3A_213 : f32 to vector<16xf32>
              %parallel_loop3A_326 = arith.addf %parallel_loop3A_324, %parallel_loop3A_325 : vector<16xf32>
              %parallel_loop3A_327 = vector.broadcast %squeeze3A_57 : f32 to vector<16xf32>
              %parallel_loop3A_328 = arith.mulf %parallel_loop3A_327, %parallel_loop3A_314 : vector<16xf32>
              %parallel_loop3A_329 = vector.broadcast %parallel_loop3A_215 : f32 to vector<16xf32>
              %parallel_loop3A_330 = arith.addf %parallel_loop3A_328, %parallel_loop3A_329 : vector<16xf32>
              %parallel_loop3A_331 = vector.broadcast %squeeze3A_63 : f32 to vector<16xf32>
              %parallel_loop3A_332 = arith.mulf %parallel_loop3A_330, %parallel_loop3A_331 : vector<16xf32>
              %parallel_loop3A_333 = arith.index_cast %parallel_loop3A_96 : i32 to index
              %parallel_loop3A_334 = arith.index_cast %parallel_loop3A_303 : i32 to index
              %parallel_loop3A_335 = tpu.vector_load %arg5[%parallel_loop3A_333, %parallel_loop3A_334] {strides = array<i32>} : memref<32x272xf32, #tpu.memory_space<vmem>>, vector<1x16xf32>,
              %parallel_loop3A_336 = vector.shape_cast %parallel_loop3A_335 : vector<1x16xf32> to vector<16xf32>
              %parallel_loop3A_337 = arith.constant 0.000000e+00 : f32
              %parallel_loop3A_338 = vector.broadcast %parallel_loop3A_337 : f32 to vector<16xf32>
              %parallel_loop3A_339 = arith.cmpf oge, %parallel_loop3A_318, %parallel_loop3A_338 : vector<16xf32>
              %parallel_loop3A_340 = arith.constant 0.000000e+00 : f32
              %parallel_loop3A_341 = vector.broadcast %parallel_loop3A_340 : f32 to vector<16xf32>
              %parallel_loop3A_342 = arith.cmpf oge, %parallel_loop3A_322, %parallel_loop3A_341 : vector<16xf32>
              %parallel_loop3A_343 = arith.andi %parallel_loop3A_339, %parallel_loop3A_342 : vector<16xi1>
              %parallel_loop3A_344 = arith.constant 0.000000e+00 : f32
              %parallel_loop3A_345 = vector.broadcast %parallel_loop3A_344 : f32 to vector<16xf32>
              %parallel_loop3A_346 = arith.cmpf oge, %parallel_loop3A_326, %parallel_loop3A_345 : vector<16xf32>
              %parallel_loop3A_347 = arith.andi %parallel_loop3A_343, %parallel_loop3A_346 : vector<16xi1>
              %parallel_loop3A_348 = vector.broadcast %squeeze3A_65 : f32 to vector<16xf32>
              %parallel_loop3A_349 = arith.cmpf ogt, %parallel_loop3A_330, %parallel_loop3A_348 : vector<16xf32>
              %parallel_loop3A_350 = arith.andi %parallel_loop3A_347, %parallel_loop3A_349 : vector<16xi1>
              %parallel_loop3A_351 = vector.broadcast %squeeze3A_67 : f32 to vector<16xf32>
              %parallel_loop3A_352 = arith.cmpf olt, %parallel_loop3A_330, %parallel_loop3A_351 : vector<16xf32>
              %parallel_loop3A_353 = arith.andi %parallel_loop3A_350, %parallel_loop3A_352 : vector<16xi1>
              %parallel_loop3A_354 = arith.cmpf ogt, %parallel_loop3A_332, %parallel_loop3A_336 : vector<16xf32>
              %parallel_loop3A_355 = arith.andi %parallel_loop3A_353, %parallel_loop3A_354 : vector<16xi1>
              %parallel_loop3A_356 = arith.constant 256 : i32
              %parallel_loop3A_357 = vector.broadcast %parallel_loop3A_356 : i32 to vector<16xi32>
              %parallel_loop3A_358 = arith.cmpi slt, %parallel_loop3A_305, %parallel_loop3A_357 : vector<16xi32>
              %parallel_loop3A_359 = arith.andi %parallel_loop3A_355, %parallel_loop3A_358 : vector<16xi1>
              %parallel_loop3A_360 = arith.select %parallel_loop3A_359, %parallel_loop3A_332, %parallel_loop3A_336 : vector<16xi1>, vector<16xf32>
              %parallel_loop3A_361 = arith.index_cast %parallel_loop3A_96 : i32 to index
              %parallel_loop3A_362 = arith.index_cast %parallel_loop3A_303 : i32 to index
              %parallel_loop3A_363 = tpu.vector_load %arg5[%parallel_loop3A_361, %parallel_loop3A_362] {strides = array<i32>} : memref<32x272xf32, #tpu.memory_space<vmem>>, vector<1x16xf32>,
              %parallel_loop3A_364 = vector.shape_cast %parallel_loop3A_363 : vector<1x16xf32> to vector<16xf32>
              %parallel_loop3A_365 = vector.shape_cast %parallel_loop3A_360 : vector<16xf32> to vector<1x16xf32>
              tpu.vector_store %arg5[%parallel_loop3A_361, %parallel_loop3A_362], %parallel_loop3A_365 {strides = array<i32>} : memref<32x272xf32, #tpu.memory_space<vmem>>, vector<1x16xf32>,
              %parallel_loop3A_366 = arith.index_cast %parallel_loop3A_96 : i32 to index
              %parallel_loop3A_367 = arith.index_cast %parallel_loop3A_303 : i32 to index
              %parallel_loop3A_368 = tpu.vector_load %arg6[%parallel_loop3A_366, %parallel_loop3A_367] {strides = array<i32>} : memref<32x272xi32, #tpu.memory_space<vmem>>, vector<1x16xi32>,
              %parallel_loop3A_369 = vector.shape_cast %parallel_loop3A_368 : vector<1x16xi32> to vector<16xi32>
              %parallel_loop3A_370 = vector.broadcast %scan3A_18 : i32 to vector<16xi32>
              %parallel_loop3A_371 = arith.select %parallel_loop3A_359, %parallel_loop3A_370, %parallel_loop3A_369 : vector<16xi1>, vector<16xi32>
              %parallel_loop3A_372 = arith.index_cast %parallel_loop3A_96 : i32 to index
              %parallel_loop3A_373 = arith.index_cast %parallel_loop3A_303 : i32 to index
              %parallel_loop3A_374 = tpu.vector_load %arg6[%parallel_loop3A_372, %parallel_loop3A_373] {strides = array<i32>} : memref<32x272xi32, #tpu.memory_space<vmem>>, vector<1x16xi32>,
              %parallel_loop3A_375 = vector.shape_cast %parallel_loop3A_374 : vector<1x16xi32> to vector<16xi32>
              %parallel_loop3A_376 = vector.shape_cast %parallel_loop3A_371 : vector<16xi32> to vector<1x16xi32>
              tpu.vector_store %arg6[%parallel_loop3A_372, %parallel_loop3A_373], %parallel_loop3A_376 {strides = array<i32>} : memref<32x272xi32, #tpu.memory_space<vmem>>, vector<1x16xi32>,
            } {sc.loop_unroll_factor = 2 : i64, sc.parallel_access}
          } else {
          }
        } {sc.loop_unroll_factor = 2 : i64, sc.parallel_access}
      } else {
      }
      %scan3A_93 = arith.constant 0 : i32
      scf.yield %scan3A_93 : i32
    }
    %scan3A_17 = arith.constant 2048 : i32
    "tpu.region"() ({
      %run_scoped3A = tpu.sem_alloc : memref<!tpu.dma_semaphore, #tpu.memory_space<semaphore_mem>>
      %dma_start3A = arith.constant 0 : i32
      %dma_start3A_18 = arith.constant 0 : i32
      %dma_start3A_19 = tpu.memref_slice %arg6[%dma_start3A, %dma_start3A_18] : memref<32x272xi32, #tpu.memory_space<vmem>> -> memref<32x256xi32, #tpu.memory_space<vmem>>
      %dma_start3A_20 = arith.constant 0 : i32
      %dma_start3A_21 = arith.constant 0 : i32
      %dma_start3A_22 = tpu.memref_slice %arg3[%shift_right_arithmetic3A_1, %and3A_2, %dma_start3A_20, %dma_start3A_21] : memref<4x8x32x256xi32, #tpu.memory_space<hbm>> -> memref<1x1x32x256xi32, #tpu.memory_space<hbm>>
      %dma_start3A_23 = tpu.memref_squeeze %dma_start3A_22 : memref<1x1x32x256xi32, #tpu.memory_space<hbm>> -> memref<32x256xi32, #tpu.memory_space<hbm>>
      %dma_start3A_24 = arith.constant 0 : i32
      %dma_start3A_25 = arith.constant 0 : i32
      %dma_start3A_26 = tpu.memref_slice %arg3[%shift_right_arithmetic3A_1, %and3A_2, %dma_start3A_24, %dma_start3A_25] : memref<4x8x32x256xi32, #tpu.memory_space<hbm>> -> memref<1x1x32x256xi32, #tpu.memory_space<hbm>>
      %dma_start3A_27 = tpu.memref_squeeze %dma_start3A_26 : memref<1x1x32x256xi32, #tpu.memory_space<hbm>> -> memref<32x256xi32, #tpu.memory_space<hbm>>
      %dma_start3A_28 = arith.constant 0 : i32
      %dma_start3A_29 = arith.constant 0 : i32
      %dma_start3A_30 = tpu.memref_slice %arg6[%dma_start3A_28, %dma_start3A_29] : memref<32x272xi32, #tpu.memory_space<vmem>> -> memref<32x256xi32, #tpu.memory_space<vmem>>
      tpu.enqueue_dma source(%dma_start3A_30 : memref<32x256xi32, #tpu.memory_space<vmem>>) target(%dma_start3A_27 : memref<32x256xi32, #tpu.memory_space<hbm>>) target_semaphore(%run_scoped3A : memref<!tpu.dma_semaphore, #tpu.memory_space<semaphore_mem>>)
      %dma_wait3A = arith.constant 0 : i32
      %dma_wait3A_31 = arith.constant 0 : i32
      %dma_wait3A_32 = tpu.memref_slice %arg6[%dma_wait3A, %dma_wait3A_31] : memref<32x272xi32, #tpu.memory_space<vmem>> -> memref<32x256xi32, #tpu.memory_space<vmem>>
      %dma_wait3A_33 = arith.constant 0 : i32
      %dma_wait3A_34 = arith.constant 0 : i32
      %dma_wait3A_35 = tpu.memref_slice %arg3[%shift_right_arithmetic3A_1, %and3A_2, %dma_wait3A_33, %dma_wait3A_34] : memref<4x8x32x256xi32, #tpu.memory_space<hbm>> -> memref<1x1x32x256xi32, #tpu.memory_space<hbm>>
      %dma_wait3A_36 = tpu.memref_squeeze %dma_wait3A_35 : memref<1x1x32x256xi32, #tpu.memory_space<hbm>> -> memref<32x256xi32, #tpu.memory_space<hbm>>
      %dma_wait3A_37 = arith.constant 0 : i32
      %dma_wait3A_38 = arith.constant 0 : i32
      %dma_wait3A_39 = tpu.memref_slice %arg3[%shift_right_arithmetic3A_1, %and3A_2, %dma_wait3A_37, %dma_wait3A_38] : memref<4x8x32x256xi32, #tpu.memory_space<hbm>> -> memref<1x1x32x256xi32, #tpu.memory_space<hbm>>
      %dma_wait3A_40 = tpu.memref_squeeze %dma_wait3A_39 : memref<1x1x32x256xi32, #tpu.memory_space<hbm>> -> memref<32x256xi32, #tpu.memory_space<hbm>>
      %dma_wait3A_41 = arith.constant 0 : i32
      %dma_wait3A_42 = arith.constant 0 : i32
      %dma_wait3A_43 = tpu.memref_slice %arg6[%dma_wait3A_41, %dma_wait3A_42] : memref<32x272xi32, #tpu.memory_space<vmem>> -> memref<32x256xi32, #tpu.memory_space<vmem>>
      tpu.wait_dma2 semaphore(%run_scoped3A : memref<!tpu.dma_semaphore, #tpu.memory_space<semaphore_mem>>) src(%dma_wait3A_43 : memref<32x256xi32, #tpu.memory_space<vmem>>) dst(%dma_wait3A_40 : memref<32x256xi32, #tpu.memory_space<hbm>>)
      tpu.yield
    }) : () -> ()
    return
  }
}

module attributes {stable_mosaic.version = 14 : i64} {
  func.func @_coef_body(%arg0: memref<9x4x2048xf32, #tpu.memory_space<vmem>>, %arg1: memref<48x4x2048xf32, #tpu.memory_space<vmem>>) attributes {dimension_semantics = [], scalar_prefetch = 0 : i64, scratch_operands = 0 : i64, tpu.core_type = #tpu.core_type<tc>} {
    %get3A = arith.constant 0 : index
    %get3A_0 = arith.constant 0 : index
    %get3A_1 = arith.constant 0 : index
    %get3A_2 = vector.load %arg0[%get3A, %get3A_0, %get3A_1] : memref<9x4x2048xf32, #tpu.memory_space<vmem>>, vector<1x4x2048xf32>
    %get3A_3 = vector.shape_cast %get3A_2 : vector<1x4x2048xf32> to vector<4x2048xf32>
    %get3A_4 = arith.constant 1 : index
    %get3A_5 = arith.constant 0 : index
    %get3A_6 = arith.constant 0 : index
    %get3A_7 = vector.load %arg0[%get3A_4, %get3A_5, %get3A_6] : memref<9x4x2048xf32, #tpu.memory_space<vmem>>, vector<1x4x2048xf32>
    %get3A_8 = vector.shape_cast %get3A_7 : vector<1x4x2048xf32> to vector<4x2048xf32>
    %get3A_9 = arith.constant 2 : index
    %get3A_10 = arith.constant 0 : index
    %get3A_11 = arith.constant 0 : index
    %get3A_12 = vector.load %arg0[%get3A_9, %get3A_10, %get3A_11] : memref<9x4x2048xf32, #tpu.memory_space<vmem>>, vector<1x4x2048xf32>
    %get3A_13 = vector.shape_cast %get3A_12 : vector<1x4x2048xf32> to vector<4x2048xf32>
    %get3A_14 = arith.constant 3 : index
    %get3A_15 = arith.constant 0 : index
    %get3A_16 = arith.constant 0 : index
    %get3A_17 = vector.load %arg0[%get3A_14, %get3A_15, %get3A_16] : memref<9x4x2048xf32, #tpu.memory_space<vmem>>, vector<1x4x2048xf32>
    %get3A_18 = vector.shape_cast %get3A_17 : vector<1x4x2048xf32> to vector<4x2048xf32>
    %get3A_19 = arith.constant 4 : index
    %get3A_20 = arith.constant 0 : index
    %get3A_21 = arith.constant 0 : index
    %get3A_22 = vector.load %arg0[%get3A_19, %get3A_20, %get3A_21] : memref<9x4x2048xf32, #tpu.memory_space<vmem>>, vector<1x4x2048xf32>
    %get3A_23 = vector.shape_cast %get3A_22 : vector<1x4x2048xf32> to vector<4x2048xf32>
    %get3A_24 = arith.constant 5 : index
    %get3A_25 = arith.constant 0 : index
    %get3A_26 = arith.constant 0 : index
    %get3A_27 = vector.load %arg0[%get3A_24, %get3A_25, %get3A_26] : memref<9x4x2048xf32, #tpu.memory_space<vmem>>, vector<1x4x2048xf32>
    %get3A_28 = vector.shape_cast %get3A_27 : vector<1x4x2048xf32> to vector<4x2048xf32>
    %get3A_29 = arith.constant 6 : index
    %get3A_30 = arith.constant 0 : index
    %get3A_31 = arith.constant 0 : index
    %get3A_32 = vector.load %arg0[%get3A_29, %get3A_30, %get3A_31] : memref<9x4x2048xf32, #tpu.memory_space<vmem>>, vector<1x4x2048xf32>
    %get3A_33 = vector.shape_cast %get3A_32 : vector<1x4x2048xf32> to vector<4x2048xf32>
    %get3A_34 = arith.constant 7 : index
    %get3A_35 = arith.constant 0 : index
    %get3A_36 = arith.constant 0 : index
    %get3A_37 = vector.load %arg0[%get3A_34, %get3A_35, %get3A_36] : memref<9x4x2048xf32, #tpu.memory_space<vmem>>, vector<1x4x2048xf32>
    %get3A_38 = vector.shape_cast %get3A_37 : vector<1x4x2048xf32> to vector<4x2048xf32>
    %get3A_39 = arith.constant 8 : index
    %get3A_40 = arith.constant 0 : index
    %get3A_41 = arith.constant 0 : index
    %get3A_42 = vector.load %arg0[%get3A_39, %get3A_40, %get3A_41] : memref<9x4x2048xf32, #tpu.memory_space<vmem>>, vector<1x4x2048xf32>
    %get3A_43 = vector.shape_cast %get3A_42 : vector<1x4x2048xf32> to vector<4x2048xf32>
    %sub3A = arith.subf %get3A_23, %get3A_28 : vector<4x2048xf32>
    %sub3A_44 = arith.subf %get3A_13, %get3A_8 : vector<4x2048xf32>
    %mul3A = arith.mulf %get3A_8, %get3A_28 : vector<4x2048xf32>
    %mul3A_45 = arith.mulf %get3A_13, %get3A_23 : vector<4x2048xf32>
    %sub3A_46 = arith.subf %mul3A, %mul3A_45 : vector<4x2048xf32>
    %sub3A_47 = arith.subf %get3A_28, %get3A_18 : vector<4x2048xf32>
    %sub3A_48 = arith.subf %get3A_3, %get3A_13 : vector<4x2048xf32>
    %mul3A_49 = arith.mulf %get3A_13, %get3A_18 : vector<4x2048xf32>
    %mul3A_50 = arith.mulf %get3A_3, %get3A_28 : vector<4x2048xf32>
    %sub3A_51 = arith.subf %mul3A_49, %mul3A_50 : vector<4x2048xf32>
    %sub3A_52 = arith.subf %get3A_18, %get3A_23 : vector<4x2048xf32>
    %sub3A_53 = arith.subf %get3A_8, %get3A_3 : vector<4x2048xf32>
    %mul3A_54 = arith.mulf %get3A_3, %get3A_23 : vector<4x2048xf32>
    %mul3A_55 = arith.mulf %get3A_8, %get3A_18 : vector<4x2048xf32>
    %sub3A_56 = arith.subf %mul3A_54, %mul3A_55 : vector<4x2048xf32>
    %add3A = arith.addf %sub3A_46, %sub3A_51 : vector<4x2048xf32>
    %add3A_57 = arith.addf %add3A, %sub3A_56 : vector<4x2048xf32>
    %ge3A = arith.constant 0.000000e+00 : f32
    %ge3A_58 = vector.broadcast %ge3A : f32 to vector<4x2048xf32>
    %ge3A_59 = arith.cmpf oge, %add3A_57, %ge3A_58 : vector<4x2048xf32>
    %jit3A = arith.constant 1.000000e+00 : f32
    %jit3A_60 = arith.constant -1.000000e+00 : f32
    %broadcast_in_dim3A = vector.broadcast %jit3A : f32 to vector<4x2048xf32>
    %broadcast_in_dim3A_61 = vector.broadcast %jit3A_60 : f32 to vector<4x2048xf32>
    %select_n3A = arith.select %ge3A_59, %broadcast_in_dim3A, %broadcast_in_dim3A_61 : vector<4x2048xi1>, vector<4x2048xf32>
    %abs3A = math.absf %add3A_57 : vector<4x2048xf32>
    %gt3A = arith.constant 9.99999993E-9 : f32
    %gt3A_62 = vector.broadcast %gt3A : f32 to vector<4x2048xf32>
    %gt3A_63 = arith.cmpf ogt, %abs3A, %gt3A_62 : vector<4x2048xf32>
    %abs3A_64 = math.absf %get3A_33 : vector<4x2048xf32>
    %gt3A_65 = arith.constant 9.99999993E-9 : f32
    %gt3A_66 = vector.broadcast %gt3A_65 : f32 to vector<4x2048xf32>
    %gt3A_67 = arith.cmpf ogt, %abs3A_64, %gt3A_66 : vector<4x2048xf32>
    %jit3A_68 = arith.constant 1.000000e+00 : f32
    %broadcast_in_dim3A_69 = vector.broadcast %jit3A_68 : f32 to vector<4x2048xf32>
    %select_n3A_70 = arith.select %gt3A_67, %get3A_33, %broadcast_in_dim3A_69 : vector<4x2048xi1>, vector<4x2048xf32>
    %div3A = arith.constant 1.000000e+00 : f32
    %div3A_71 = vector.broadcast %div3A : f32 to vector<4x2048xf32>
    %div3A_72 = arith.divf %div3A_71, %select_n3A_70 : vector<4x2048xf32>
    %abs3A_73 = math.absf %get3A_38 : vector<4x2048xf32>
    %gt3A_74 = arith.constant 9.99999993E-9 : f32
    %gt3A_75 = vector.broadcast %gt3A_74 : f32 to vector<4x2048xf32>
    %gt3A_76 = arith.cmpf ogt, %abs3A_73, %gt3A_75 : vector<4x2048xf32>
    %jit3A_77 = arith.constant 1.000000e+00 : f32
    %broadcast_in_dim3A_78 = vector.broadcast %jit3A_77 : f32 to vector<4x2048xf32>
    %select_n3A_79 = arith.select %gt3A_76, %get3A_38, %broadcast_in_dim3A_78 : vector<4x2048xi1>, vector<4x2048xf32>
    %div3A_80 = arith.constant 1.000000e+00 : f32
    %div3A_81 = vector.broadcast %div3A_80 : f32 to vector<4x2048xf32>
    %div3A_82 = arith.divf %div3A_81, %select_n3A_79 : vector<4x2048xf32>
    %abs3A_83 = math.absf %get3A_43 : vector<4x2048xf32>
    %gt3A_84 = arith.constant 9.99999993E-9 : f32
    %gt3A_85 = vector.broadcast %gt3A_84 : f32 to vector<4x2048xf32>
    %gt3A_86 = arith.cmpf ogt, %abs3A_83, %gt3A_85 : vector<4x2048xf32>
    %jit3A_87 = arith.constant 1.000000e+00 : f32
    %broadcast_in_dim3A_88 = vector.broadcast %jit3A_87 : f32 to vector<4x2048xf32>
    %select_n3A_89 = arith.select %gt3A_86, %get3A_43, %broadcast_in_dim3A_88 : vector<4x2048xi1>, vector<4x2048xf32>
    %div3A_90 = arith.constant 1.000000e+00 : f32
    %div3A_91 = vector.broadcast %div3A_90 : f32 to vector<4x2048xf32>
    %div3A_92 = arith.divf %div3A_91, %select_n3A_89 : vector<4x2048xf32>
    %mul3A_93 = arith.mulf %sub3A, %div3A_72 : vector<4x2048xf32>
    %mul3A_94 = arith.mulf %sub3A_47, %div3A_82 : vector<4x2048xf32>
    %add3A_95 = arith.addf %mul3A_93, %mul3A_94 : vector<4x2048xf32>
    %mul3A_96 = arith.mulf %sub3A_52, %div3A_92 : vector<4x2048xf32>
    %add3A_97 = arith.addf %add3A_95, %mul3A_96 : vector<4x2048xf32>
    %mul3A_98 = arith.mulf %add3A_97, %select_n3A : vector<4x2048xf32>
    %mul3A_99 = arith.mulf %sub3A_44, %div3A_72 : vector<4x2048xf32>
    %mul3A_100 = arith.mulf %sub3A_48, %div3A_82 : vector<4x2048xf32>
    %add3A_101 = arith.addf %mul3A_99, %mul3A_100 : vector<4x2048xf32>
    %mul3A_102 = arith.mulf %sub3A_53, %div3A_92 : vector<4x2048xf32>
    %add3A_103 = arith.addf %add3A_101, %mul3A_102 : vector<4x2048xf32>
    %mul3A_104 = arith.mulf %add3A_103, %select_n3A : vector<4x2048xf32>
    %mul3A_105 = arith.mulf %sub3A_46, %div3A_72 : vector<4x2048xf32>
    %mul3A_106 = arith.mulf %sub3A_51, %div3A_82 : vector<4x2048xf32>
    %add3A_107 = arith.addf %mul3A_105, %mul3A_106 : vector<4x2048xf32>
    %mul3A_108 = arith.mulf %sub3A_56, %div3A_92 : vector<4x2048xf32>
    %add3A_109 = arith.addf %add3A_107, %mul3A_108 : vector<4x2048xf32>
    %mul3A_110 = arith.mulf %add3A_109, %select_n3A : vector<4x2048xf32>
    %mul3A_111 = arith.mulf %sub3A, %select_n3A : vector<4x2048xf32>
    %mul3A_112 = arith.mulf %sub3A_44, %select_n3A : vector<4x2048xf32>
    %mul3A_113 = arith.mulf %sub3A_46, %select_n3A : vector<4x2048xf32>
    %mul3A_114 = arith.mulf %sub3A_47, %select_n3A : vector<4x2048xf32>
    %mul3A_115 = arith.mulf %sub3A_48, %select_n3A : vector<4x2048xf32>
    %mul3A_116 = arith.mulf %sub3A_51, %select_n3A : vector<4x2048xf32>
    %mul3A_117 = arith.mulf %sub3A_52, %select_n3A : vector<4x2048xf32>
    %mul3A_118 = arith.mulf %sub3A_53, %select_n3A : vector<4x2048xf32>
    %mul3A_119 = arith.mulf %sub3A_56, %select_n3A : vector<4x2048xf32>
    %mul3A_120 = arith.constant 0.00999999977 : f32
    %mul3A_121 = vector.broadcast %mul3A_120 : f32 to vector<4x2048xf32>
    %mul3A_122 = arith.mulf %abs3A, %mul3A_121 : vector<4x2048xf32>
    %jit3A_123 = arith.constant 1.000000e+30 : f32
    %broadcast_in_dim3A_124 = vector.broadcast %jit3A_123 : f32 to vector<4x2048xf32>
    %select_n3A_125 = arith.select %gt3A_63, %mul3A_122, %broadcast_in_dim3A_124 : vector<4x2048xi1>, vector<4x2048xf32>
    %mul3A_126 = arith.constant 1.000000e+01 : f32
    %mul3A_127 = vector.broadcast %mul3A_126 : f32 to vector<4x2048xf32>
    %mul3A_128 = arith.mulf %abs3A, %mul3A_127 : vector<4x2048xf32>
    %jit3A_129 = arith.constant -1.000000e+30 : f32
    %broadcast_in_dim3A_130 = vector.broadcast %jit3A_129 : f32 to vector<4x2048xf32>
    %select_n3A_131 = arith.select %gt3A_63, %mul3A_128, %broadcast_in_dim3A_130 : vector<4x2048xi1>, vector<4x2048xf32>
    %swap3A = arith.constant 0 : index
    %swap3A_132 = arith.constant 0 : index
    %swap3A_133 = arith.constant 0 : index
    %swap3A_134 = vector.load %arg1[%swap3A, %swap3A_132, %swap3A_133] : memref<48x4x2048xf32, #tpu.memory_space<vmem>>, vector<1x4x2048xf32>
    %swap3A_135 = vector.shape_cast %swap3A_134 : vector<1x4x2048xf32> to vector<4x2048xf32>
    %swap3A_136 = vector.shape_cast %mul3A_111 : vector<4x2048xf32> to vector<1x4x2048xf32>
    tpu.vector_store %arg1[%swap3A, %swap3A_132, %swap3A_133], %swap3A_136 {strides = array<i32>} : memref<48x4x2048xf32, #tpu.memory_space<vmem>>, vector<1x4x2048xf32>,
    %swap3A_137 = arith.constant 1 : index
    %swap3A_138 = arith.constant 0 : index
    %swap3A_139 = arith.constant 0 : index
    %swap3A_140 = vector.load %arg1[%swap3A_137, %swap3A_138, %swap3A_139] : memref<48x4x2048xf32, #tpu.memory_space<vmem>>, vector<1x4x2048xf32>
    %swap3A_141 = vector.shape_cast %swap3A_140 : vector<1x4x2048xf32> to vector<4x2048xf32>
    %swap3A_142 = vector.shape_cast %mul3A_112 : vector<4x2048xf32> to vector<1x4x2048xf32>
    tpu.vector_store %arg1[%swap3A_137, %swap3A_138, %swap3A_139], %swap3A_142 {strides = array<i32>} : memref<48x4x2048xf32, #tpu.memory_space<vmem>>, vector<1x4x2048xf32>,
    %swap3A_143 = arith.constant 2 : index
    %swap3A_144 = arith.constant 0 : index
    %swap3A_145 = arith.constant 0 : index
    %swap3A_146 = vector.load %arg1[%swap3A_143, %swap3A_144, %swap3A_145] : memref<48x4x2048xf32, #tpu.memory_space<vmem>>, vector<1x4x2048xf32>
    %swap3A_147 = vector.shape_cast %swap3A_146 : vector<1x4x2048xf32> to vector<4x2048xf32>
    %swap3A_148 = vector.shape_cast %mul3A_113 : vector<4x2048xf32> to vector<1x4x2048xf32>
    tpu.vector_store %arg1[%swap3A_143, %swap3A_144, %swap3A_145], %swap3A_148 {strides = array<i32>} : memref<48x4x2048xf32, #tpu.memory_space<vmem>>, vector<1x4x2048xf32>,
    %swap3A_149 = arith.constant 3 : index
    %swap3A_150 = arith.constant 0 : index
    %swap3A_151 = arith.constant 0 : index
    %swap3A_152 = vector.load %arg1[%swap3A_149, %swap3A_150, %swap3A_151] : memref<48x4x2048xf32, #tpu.memory_space<vmem>>, vector<1x4x2048xf32>
    %swap3A_153 = vector.shape_cast %swap3A_152 : vector<1x4x2048xf32> to vector<4x2048xf32>
    %swap3A_154 = vector.shape_cast %mul3A_114 : vector<4x2048xf32> to vector<1x4x2048xf32>
    tpu.vector_store %arg1[%swap3A_149, %swap3A_150, %swap3A_151], %swap3A_154 {strides = array<i32>} : memref<48x4x2048xf32, #tpu.memory_space<vmem>>, vector<1x4x2048xf32>,
    %swap3A_155 = arith.constant 4 : index
    %swap3A_156 = arith.constant 0 : index
    %swap3A_157 = arith.constant 0 : index
    %swap3A_158 = vector.load %arg1[%swap3A_155, %swap3A_156, %swap3A_157] : memref<48x4x2048xf32, #tpu.memory_space<vmem>>, vector<1x4x2048xf32>
    %swap3A_159 = vector.shape_cast %swap3A_158 : vector<1x4x2048xf32> to vector<4x2048xf32>
    %swap3A_160 = vector.shape_cast %mul3A_115 : vector<4x2048xf32> to vector<1x4x2048xf32>
    tpu.vector_store %arg1[%swap3A_155, %swap3A_156, %swap3A_157], %swap3A_160 {strides = array<i32>} : memref<48x4x2048xf32, #tpu.memory_space<vmem>>, vector<1x4x2048xf32>,
    %swap3A_161 = arith.constant 5 : index
    %swap3A_162 = arith.constant 0 : index
    %swap3A_163 = arith.constant 0 : index
    %swap3A_164 = vector.load %arg1[%swap3A_161, %swap3A_162, %swap3A_163] : memref<48x4x2048xf32, #tpu.memory_space<vmem>>, vector<1x4x2048xf32>
    %swap3A_165 = vector.shape_cast %swap3A_164 : vector<1x4x2048xf32> to vector<4x2048xf32>
    %swap3A_166 = vector.shape_cast %mul3A_116 : vector<4x2048xf32> to vector<1x4x2048xf32>
    tpu.vector_store %arg1[%swap3A_161, %swap3A_162, %swap3A_163], %swap3A_166 {strides = array<i32>} : memref<48x4x2048xf32, #tpu.memory_space<vmem>>, vector<1x4x2048xf32>,
    %swap3A_167 = arith.constant 6 : index
    %swap3A_168 = arith.constant 0 : index
    %swap3A_169 = arith.constant 0 : index
    %swap3A_170 = vector.load %arg1[%swap3A_167, %swap3A_168, %swap3A_169] : memref<48x4x2048xf32, #tpu.memory_space<vmem>>, vector<1x4x2048xf32>
    %swap3A_171 = vector.shape_cast %swap3A_170 : vector<1x4x2048xf32> to vector<4x2048xf32>
    %swap3A_172 = vector.shape_cast %mul3A_117 : vector<4x2048xf32> to vector<1x4x2048xf32>
    tpu.vector_store %arg1[%swap3A_167, %swap3A_168, %swap3A_169], %swap3A_172 {strides = array<i32>} : memref<48x4x2048xf32, #tpu.memory_space<vmem>>, vector<1x4x2048xf32>,
    %swap3A_173 = arith.constant 7 : index
    %swap3A_174 = arith.constant 0 : index
    %swap3A_175 = arith.constant 0 : index
    %swap3A_176 = vector.load %arg1[%swap3A_173, %swap3A_174, %swap3A_175] : memref<48x4x2048xf32, #tpu.memory_space<vmem>>, vector<1x4x2048xf32>
    %swap3A_177 = vector.shape_cast %swap3A_176 : vector<1x4x2048xf32> to vector<4x2048xf32>
    %swap3A_178 = vector.shape_cast %mul3A_118 : vector<4x2048xf32> to vector<1x4x2048xf32>
    tpu.vector_store %arg1[%swap3A_173, %swap3A_174, %swap3A_175], %swap3A_178 {strides = array<i32>} : memref<48x4x2048xf32, #tpu.memory_space<vmem>>, vector<1x4x2048xf32>,
    %swap3A_179 = arith.constant 8 : index
    %swap3A_180 = arith.constant 0 : index
    %swap3A_181 = arith.constant 0 : index
    %swap3A_182 = vector.load %arg1[%swap3A_179, %swap3A_180, %swap3A_181] : memref<48x4x2048xf32, #tpu.memory_space<vmem>>, vector<1x4x2048xf32>
    %swap3A_183 = vector.shape_cast %swap3A_182 : vector<1x4x2048xf32> to vector<4x2048xf32>
    %swap3A_184 = vector.shape_cast %mul3A_119 : vector<4x2048xf32> to vector<1x4x2048xf32>
    tpu.vector_store %arg1[%swap3A_179, %swap3A_180, %swap3A_181], %swap3A_184 {strides = array<i32>} : memref<48x4x2048xf32, #tpu.memory_space<vmem>>, vector<1x4x2048xf32>,
    %swap3A_185 = arith.constant 9 : index
    %swap3A_186 = arith.constant 0 : index
    %swap3A_187 = arith.constant 0 : index
    %swap3A_188 = vector.load %arg1[%swap3A_185, %swap3A_186, %swap3A_187] : memref<48x4x2048xf32, #tpu.memory_space<vmem>>, vector<1x4x2048xf32>
    %swap3A_189 = vector.shape_cast %swap3A_188 : vector<1x4x2048xf32> to vector<4x2048xf32>
    %swap3A_190 = vector.shape_cast %mul3A_98 : vector<4x2048xf32> to vector<1x4x2048xf32>
    tpu.vector_store %arg1[%swap3A_185, %swap3A_186, %swap3A_187], %swap3A_190 {strides = array<i32>} : memref<48x4x2048xf32, #tpu.memory_space<vmem>>, vector<1x4x2048xf32>,
    %swap3A_191 = arith.constant 10 : index
    %swap3A_192 = arith.constant 0 : index
    %swap3A_193 = arith.constant 0 : index
    %swap3A_194 = vector.load %arg1[%swap3A_191, %swap3A_192, %swap3A_193] : memref<48x4x2048xf32, #tpu.memory_space<vmem>>, vector<1x4x2048xf32>
    %swap3A_195 = vector.shape_cast %swap3A_194 : vector<1x4x2048xf32> to vector<4x2048xf32>
    %swap3A_196 = vector.shape_cast %mul3A_104 : vector<4x2048xf32> to vector<1x4x2048xf32>
    tpu.vector_store %arg1[%swap3A_191, %swap3A_192, %swap3A_193], %swap3A_196 {strides = array<i32>} : memref<48x4x2048xf32, #tpu.memory_space<vmem>>, vector<1x4x2048xf32>,
    %swap3A_197 = arith.constant 11 : index
    %swap3A_198 = arith.constant 0 : index
    %swap3A_199 = arith.constant 0 : index
    %swap3A_200 = vector.load %arg1[%swap3A_197, %swap3A_198, %swap3A_199] : memref<48x4x2048xf32, #tpu.memory_space<vmem>>, vector<1x4x2048xf32>
    %swap3A_201 = vector.shape_cast %swap3A_200 : vector<1x4x2048xf32> to vector<4x2048xf32>
    %swap3A_202 = vector.shape_cast %mul3A_110 : vector<4x2048xf32> to vector<1x4x2048xf32>
    tpu.vector_store %arg1[%swap3A_197, %swap3A_198, %swap3A_199], %swap3A_202 {strides = array<i32>} : memref<48x4x2048xf32, #tpu.memory_space<vmem>>, vector<1x4x2048xf32>,
    %div3A_203 = arith.constant 1.000000e+00 : f32
    %div3A_204 = vector.broadcast %div3A_203 : f32 to vector<4x2048xf32>
    %div3A_205 = arith.divf %div3A_204, %abs3A : vector<4x2048xf32>
    %jit3A_206 = arith.constant 0.000000e+00 : f32
    %broadcast_in_dim3A_207 = vector.broadcast %jit3A_206 : f32 to vector<4x2048xf32>
    %select_n3A_208 = arith.select %gt3A_63, %div3A_205, %broadcast_in_dim3A_207 : vector<4x2048xi1>, vector<4x2048xf32>
    %swap3A_209 = arith.constant 12 : index
    %swap3A_210 = arith.constant 0 : index
    %swap3A_211 = arith.constant 0 : index
    %swap3A_212 = vector.load %arg1[%swap3A_209, %swap3A_210, %swap3A_211] : memref<48x4x2048xf32, #tpu.memory_space<vmem>>, vector<1x4x2048xf32>
    %swap3A_213 = vector.shape_cast %swap3A_212 : vector<1x4x2048xf32> to vector<4x2048xf32>
    %swap3A_214 = vector.shape_cast %select_n3A_208 : vector<4x2048xf32> to vector<1x4x2048xf32>
    tpu.vector_store %arg1[%swap3A_209, %swap3A_210, %swap3A_211], %swap3A_214 {strides = array<i32>} : memref<48x4x2048xf32, #tpu.memory_space<vmem>>, vector<1x4x2048xf32>,
    %swap3A_215 = arith.constant 13 : index
    %swap3A_216 = arith.constant 0 : index
    %swap3A_217 = arith.constant 0 : index
    %swap3A_218 = vector.load %arg1[%swap3A_215, %swap3A_216, %swap3A_217] : memref<48x4x2048xf32, #tpu.memory_space<vmem>>, vector<1x4x2048xf32>
    %swap3A_219 = vector.shape_cast %swap3A_218 : vector<1x4x2048xf32> to vector<4x2048xf32>
    %swap3A_220 = vector.shape_cast %select_n3A_125 : vector<4x2048xf32> to vector<1x4x2048xf32>
    tpu.vector_store %arg1[%swap3A_215, %swap3A_216, %swap3A_217], %swap3A_220 {strides = array<i32>} : memref<48x4x2048xf32, #tpu.memory_space<vmem>>, vector<1x4x2048xf32>,
    %swap3A_221 = arith.constant 14 : index
    %swap3A_222 = arith.constant 0 : index
    %swap3A_223 = arith.constant 0 : index
    %swap3A_224 = vector.load %arg1[%swap3A_221, %swap3A_222, %swap3A_223] : memref<48x4x2048xf32, #tpu.memory_space<vmem>>, vector<1x4x2048xf32>
    %swap3A_225 = vector.shape_cast %swap3A_224 : vector<1x4x2048xf32> to vector<4x2048xf32>
    %swap3A_226 = vector.shape_cast %select_n3A_131 : vector<4x2048xf32> to vector<1x4x2048xf32>
    tpu.vector_store %arg1[%swap3A_221, %swap3A_222, %swap3A_223], %swap3A_226 {strides = array<i32>} : memref<48x4x2048xf32, #tpu.memory_space<vmem>>, vector<1x4x2048xf32>,
    %neg3A = arith.constant 0.000000e+00 : f32
    %neg3A_227 = vector.broadcast %neg3A : f32 to vector<4x2048xf32>
    %neg3A_228 = arith.subf %neg3A_227, %mul3A_112 : vector<4x2048xf32>
    %div3A_229 = arith.divf %neg3A_228, %mul3A_111 : vector<4x2048xf32>
    %neg3A_230 = arith.constant 0.000000e+00 : f32
    %neg3A_231 = vector.broadcast %neg3A_230 : f32 to vector<4x2048xf32>
    %neg3A_232 = arith.subf %neg3A_231, %mul3A_113 : vector<4x2048xf32>
    %div3A_233 = arith.divf %neg3A_232, %mul3A_111 : vector<4x2048xf32>
    %neg3A_234 = arith.constant 0.000000e+00 : f32
    %neg3A_235 = vector.broadcast %neg3A_234 : f32 to vector<4x2048xf32>
    %neg3A_236 = arith.subf %neg3A_235, %mul3A_115 : vector<4x2048xf32>
    %div3A_237 = arith.divf %neg3A_236, %mul3A_114 : vector<4x2048xf32>
    %neg3A_238 = arith.constant 0.000000e+00 : f32
    %neg3A_239 = vector.broadcast %neg3A_238 : f32 to vector<4x2048xf32>
    %neg3A_240 = arith.subf %neg3A_239, %mul3A_116 : vector<4x2048xf32>
    %div3A_241 = arith.divf %neg3A_240, %mul3A_114 : vector<4x2048xf32>
    %neg3A_242 = arith.constant 0.000000e+00 : f32
    %neg3A_243 = vector.broadcast %neg3A_242 : f32 to vector<4x2048xf32>
    %neg3A_244 = arith.subf %neg3A_243, %mul3A_118 : vector<4x2048xf32>
    %div3A_245 = arith.divf %neg3A_244, %mul3A_117 : vector<4x2048xf32>
    %neg3A_246 = arith.constant 0.000000e+00 : f32
    %neg3A_247 = vector.broadcast %neg3A_246 : f32 to vector<4x2048xf32>
    %neg3A_248 = arith.subf %neg3A_247, %mul3A_119 : vector<4x2048xf32>
    %div3A_249 = arith.divf %neg3A_248, %mul3A_117 : vector<4x2048xf32>
    %neg3A_250 = arith.constant 0.000000e+00 : f32
    %neg3A_251 = vector.broadcast %neg3A_250 : f32 to vector<4x2048xf32>
    %neg3A_252 = arith.subf %neg3A_251, %mul3A_104 : vector<4x2048xf32>
    %div3A_253 = arith.divf %neg3A_252, %mul3A_98 : vector<4x2048xf32>
    %sub3A_254 = arith.subf %select_n3A_125, %mul3A_110 : vector<4x2048xf32>
    %div3A_255 = arith.divf %sub3A_254, %mul3A_98 : vector<4x2048xf32>
    %neg3A_256 = arith.constant 0.000000e+00 : f32
    %neg3A_257 = vector.broadcast %neg3A_256 : f32 to vector<4x2048xf32>
    %neg3A_258 = arith.subf %neg3A_257, %mul3A_98 : vector<4x2048xf32>
    %neg3A_259 = arith.constant 0.000000e+00 : f32
    %neg3A_260 = vector.broadcast %neg3A_259 : f32 to vector<4x2048xf32>
    %neg3A_261 = arith.subf %neg3A_260, %mul3A_104 : vector<4x2048xf32>
    %div3A_262 = arith.divf %neg3A_261, %mul3A_98 : vector<4x2048xf32>
    %sub3A_263 = arith.subf %select_n3A_131, %mul3A_110 : vector<4x2048xf32>
    %div3A_264 = arith.divf %sub3A_263, %mul3A_98 : vector<4x2048xf32>
    %broadcast_in_dim3A_265 = arith.constant 0.000000e+00 : f32
    %broadcast_in_dim3A_266 = vector.broadcast %broadcast_in_dim3A_265 : f32 to vector<4x2048xf32>
    %jit3A_267 = arith.constant -9.99999984E+17 : f32
    %jit3A_268 = arith.constant 9.99999984E+17 : f32
    %max3A = vector.broadcast %jit3A_267 : f32 to vector<4x2048xf32>
    %max3A_269 = arith.maximumf %max3A, %div3A_229 : vector<4x2048xf32>
    %min3A = vector.broadcast %jit3A_268 : f32 to vector<4x2048xf32>
    %min3A_270 = arith.minimumf %min3A, %max3A_269 : vector<4x2048xf32>
    %jit3A_271 = arith.constant -9.99999984E+17 : f32
    %jit3A_272 = arith.constant 9.99999984E+17 : f32
    %max3A_273 = vector.broadcast %jit3A_271 : f32 to vector<4x2048xf32>
    %max3A_274 = arith.maximumf %max3A_273, %div3A_233 : vector<4x2048xf32>
    %min3A_275 = vector.broadcast %jit3A_272 : f32 to vector<4x2048xf32>
    %min3A_276 = arith.minimumf %min3A_275, %max3A_274 : vector<4x2048xf32>
    %ne3A = arith.cmpf one, %min3A_270, %min3A_270 : vector<4x2048xf32>
    %jit3A_277 = arith.constant 0.000000e+00 : f32
    %broadcast_in_dim3A_278 = vector.broadcast %jit3A_277 : f32 to vector<4x2048xf32>
    %select_n3A_279 = arith.select %ne3A, %broadcast_in_dim3A_278, %min3A_270 : vector<4x2048xi1>, vector<4x2048xf32>
    %ne3A_280 = arith.cmpf one, %min3A_276, %min3A_276 : vector<4x2048xf32>
    %jit3A_281 = arith.constant 0.000000e+00 : f32
    %broadcast_in_dim3A_282 = vector.broadcast %jit3A_281 : f32 to vector<4x2048xf32>
    %select_n3A_283 = arith.select %ne3A_280, %broadcast_in_dim3A_282, %min3A_276 : vector<4x2048xi1>, vector<4x2048xf32>
    %gt3A_284 = arith.constant 0.000000e+00 : f32
    %gt3A_285 = vector.broadcast %gt3A_284 : f32 to vector<4x2048xf32>
    %gt3A_286 = arith.cmpf ogt, %mul3A_111, %gt3A_285 : vector<4x2048xf32>
    %lt3A = arith.constant 0.000000e+00 : f32
    %lt3A_287 = vector.broadcast %lt3A : f32 to vector<4x2048xf32>
    %lt3A_288 = arith.cmpf olt, %mul3A_111, %lt3A_287 : vector<4x2048xf32>
    %select_n3A_289 = arith.select %gt3A_286, %select_n3A_279, %broadcast_in_dim3A_266 : vector<4x2048xi1>, vector<4x2048xf32>
    %swap3A_290 = arith.constant 16 : index
    %swap3A_291 = arith.constant 0 : index
    %swap3A_292 = arith.constant 0 : index
    %swap3A_293 = vector.load %arg1[%swap3A_290, %swap3A_291, %swap3A_292] : memref<48x4x2048xf32, #tpu.memory_space<vmem>>, vector<1x4x2048xf32>
    %swap3A_294 = vector.shape_cast %swap3A_293 : vector<1x4x2048xf32> to vector<4x2048xf32>
    %swap3A_295 = vector.shape_cast %select_n3A_289 : vector<4x2048xf32> to vector<1x4x2048xf32>
    tpu.vector_store %arg1[%swap3A_290, %swap3A_291, %swap3A_292], %swap3A_295 {strides = array<i32>} : memref<48x4x2048xf32, #tpu.memory_space<vmem>>, vector<1x4x2048xf32>,
    %jit3A_296 = arith.constant -1.000000e+30 : f32
    %broadcast_in_dim3A_297 = vector.broadcast %jit3A_296 : f32 to vector<4x2048xf32>
    %select_n3A_298 = arith.select %gt3A_286, %select_n3A_283, %broadcast_in_dim3A_297 : vector<4x2048xi1>, vector<4x2048xf32>
    %swap3A_299 = arith.constant 21 : index
    %swap3A_300 = arith.constant 0 : index
    %swap3A_301 = arith.constant 0 : index
    %swap3A_302 = vector.load %arg1[%swap3A_299, %swap3A_300, %swap3A_301] : memref<48x4x2048xf32, #tpu.memory_space<vmem>>, vector<1x4x2048xf32>
    %swap3A_303 = vector.shape_cast %swap3A_302 : vector<1x4x2048xf32> to vector<4x2048xf32>
    %swap3A_304 = vector.shape_cast %select_n3A_298 : vector<4x2048xf32> to vector<1x4x2048xf32>
    tpu.vector_store %arg1[%swap3A_299, %swap3A_300, %swap3A_301], %swap3A_304 {strides = array<i32>} : memref<48x4x2048xf32, #tpu.memory_space<vmem>>, vector<1x4x2048xf32>,
    %select_n3A_305 = arith.select %lt3A_288, %select_n3A_279, %broadcast_in_dim3A_266 : vector<4x2048xi1>, vector<4x2048xf32>
    %swap3A_306 = arith.constant 32 : index
    %swap3A_307 = arith.constant 0 : index
    %swap3A_308 = arith.constant 0 : index
    %swap3A_309 = vector.load %arg1[%swap3A_306, %swap3A_307, %swap3A_308] : memref<48x4x2048xf32, #tpu.memory_space<vmem>>, vector<1x4x2048xf32>
    %swap3A_310 = vector.shape_cast %swap3A_309 : vector<1x4x2048xf32> to vector<4x2048xf32>
    %swap3A_311 = vector.shape_cast %select_n3A_305 : vector<4x2048xf32> to vector<1x4x2048xf32>
    tpu.vector_store %arg1[%swap3A_306, %swap3A_307, %swap3A_308], %swap3A_311 {strides = array<i32>} : memref<48x4x2048xf32, #tpu.memory_space<vmem>>, vector<1x4x2048xf32>,
    %jit3A_312 = arith.constant 1.000000e+30 : f32
    %broadcast_in_dim3A_313 = vector.broadcast %jit3A_312 : f32 to vector<4x2048xf32>
    %select_n3A_314 = arith.select %lt3A_288, %select_n3A_283, %broadcast_in_dim3A_313 : vector<4x2048xi1>, vector<4x2048xf32>
    %swap3A_315 = arith.constant 37 : index
    %swap3A_316 = arith.constant 0 : index
    %swap3A_317 = arith.constant 0 : index
    %swap3A_318 = vector.load %arg1[%swap3A_315, %swap3A_316, %swap3A_317] : memref<48x4x2048xf32, #tpu.memory_space<vmem>>, vector<1x4x2048xf32>
    %swap3A_319 = vector.shape_cast %swap3A_318 : vector<1x4x2048xf32> to vector<4x2048xf32>
    %swap3A_320 = vector.shape_cast %select_n3A_314 : vector<4x2048xf32> to vector<1x4x2048xf32>
    tpu.vector_store %arg1[%swap3A_315, %swap3A_316, %swap3A_317], %swap3A_320 {strides = array<i32>} : memref<48x4x2048xf32, #tpu.memory_space<vmem>>, vector<1x4x2048xf32>,
    %jit3A_321 = arith.constant -9.99999984E+17 : f32
    %jit3A_322 = arith.constant 9.99999984E+17 : f32
    %max3A_323 = vector.broadcast %jit3A_321 : f32 to vector<4x2048xf32>
    %max3A_324 = arith.maximumf %max3A_323, %div3A_237 : vector<4x2048xf32>
    %min3A_325 = vector.broadcast %jit3A_322 : f32 to vector<4x2048xf32>
    %min3A_326 = arith.minimumf %min3A_325, %max3A_324 : vector<4x2048xf32>
    %jit3A_327 = arith.constant -9.99999984E+17 : f32
    %jit3A_328 = arith.constant 9.99999984E+17 : f32
    %max3A_329 = vector.broadcast %jit3A_327 : f32 to vector<4x2048xf32>
    %max3A_330 = arith.maximumf %max3A_329, %div3A_241 : vector<4x2048xf32>
    %min3A_331 = vector.broadcast %jit3A_328 : f32 to vector<4x2048xf32>
    %min3A_332 = arith.minimumf %min3A_331, %max3A_330 : vector<4x2048xf32>
    %ne3A_333 = arith.cmpf one, %min3A_326, %min3A_326 : vector<4x2048xf32>
    %jit3A_334 = arith.constant 0.000000e+00 : f32
    %broadcast_in_dim3A_335 = vector.broadcast %jit3A_334 : f32 to vector<4x2048xf32>
    %select_n3A_336 = arith.select %ne3A_333, %broadcast_in_dim3A_335, %min3A_326 : vector<4x2048xi1>, vector<4x2048xf32>
    %ne3A_337 = arith.cmpf one, %min3A_332, %min3A_332 : vector<4x2048xf32>
    %jit3A_338 = arith.constant 0.000000e+00 : f32
    %broadcast_in_dim3A_339 = vector.broadcast %jit3A_338 : f32 to vector<4x2048xf32>
    %select_n3A_340 = arith.select %ne3A_337, %broadcast_in_dim3A_339, %min3A_332 : vector<4x2048xi1>, vector<4x2048xf32>
    %gt3A_341 = arith.constant 0.000000e+00 : f32
    %gt3A_342 = vector.broadcast %gt3A_341 : f32 to vector<4x2048xf32>
    %gt3A_343 = arith.cmpf ogt, %mul3A_114, %gt3A_342 : vector<4x2048xf32>
    %lt3A_344 = arith.constant 0.000000e+00 : f32
    %lt3A_345 = vector.broadcast %lt3A_344 : f32 to vector<4x2048xf32>
    %lt3A_346 = arith.cmpf olt, %mul3A_114, %lt3A_345 : vector<4x2048xf32>
    %select_n3A_347 = arith.select %gt3A_343, %select_n3A_336, %broadcast_in_dim3A_266 : vector<4x2048xi1>, vector<4x2048xf32>
    %swap3A_348 = arith.constant 17 : index
    %swap3A_349 = arith.constant 0 : index
    %swap3A_350 = arith.constant 0 : index
    %swap3A_351 = vector.load %arg1[%swap3A_348, %swap3A_349, %swap3A_350] : memref<48x4x2048xf32, #tpu.memory_space<vmem>>, vector<1x4x2048xf32>
    %swap3A_352 = vector.shape_cast %swap3A_351 : vector<1x4x2048xf32> to vector<4x2048xf32>
    %swap3A_353 = vector.shape_cast %select_n3A_347 : vector<4x2048xf32> to vector<1x4x2048xf32>
    tpu.vector_store %arg1[%swap3A_348, %swap3A_349, %swap3A_350], %swap3A_353 {strides = array<i32>} : memref<48x4x2048xf32, #tpu.memory_space<vmem>>, vector<1x4x2048xf32>,
    %jit3A_354 = arith.constant -1.000000e+30 : f32
    %broadcast_in_dim3A_355 = vector.broadcast %jit3A_354 : f32 to vector<4x2048xf32>
    %select_n3A_356 = arith.select %gt3A_343, %select_n3A_340, %broadcast_in_dim3A_355 : vector<4x2048xi1>, vector<4x2048xf32>
    %swap3A_357 = arith.constant 22 : index
    %swap3A_358 = arith.constant 0 : index
    %swap3A_359 = arith.constant 0 : index
    %swap3A_360 = vector.load %arg1[%swap3A_357, %swap3A_358, %swap3A_359] : memref<48x4x2048xf32, #tpu.memory_space<vmem>>, vector<1x4x2048xf32>
    %swap3A_361 = vector.shape_cast %swap3A_360 : vector<1x4x2048xf32> to vector<4x2048xf32>
    %swap3A_362 = vector.shape_cast %select_n3A_356 : vector<4x2048xf32> to vector<1x4x2048xf32>
    tpu.vector_store %arg1[%swap3A_357, %swap3A_358, %swap3A_359], %swap3A_362 {strides = array<i32>} : memref<48x4x2048xf32, #tpu.memory_space<vmem>>, vector<1x4x2048xf32>,
    %select_n3A_363 = arith.select %lt3A_346, %select_n3A_336, %broadcast_in_dim3A_266 : vector<4x2048xi1>, vector<4x2048xf32>
    %swap3A_364 = arith.constant 33 : index
    %swap3A_365 = arith.constant 0 : index
    %swap3A_366 = arith.constant 0 : index
    %swap3A_367 = vector.load %arg1[%swap3A_364, %swap3A_365, %swap3A_366] : memref<48x4x2048xf32, #tpu.memory_space<vmem>>, vector<1x4x2048xf32>
    %swap3A_368 = vector.shape_cast %swap3A_367 : vector<1x4x2048xf32> to vector<4x2048xf32>
    %swap3A_369 = vector.shape_cast %select_n3A_363 : vector<4x2048xf32> to vector<1x4x2048xf32>
    tpu.vector_store %arg1[%swap3A_364, %swap3A_365, %swap3A_366], %swap3A_369 {strides = array<i32>} : memref<48x4x2048xf32, #tpu.memory_space<vmem>>, vector<1x4x2048xf32>,
    %jit3A_370 = arith.constant 1.000000e+30 : f32
    %broadcast_in_dim3A_371 = vector.broadcast %jit3A_370 : f32 to vector<4x2048xf32>
    %select_n3A_372 = arith.select %lt3A_346, %select_n3A_340, %broadcast_in_dim3A_371 : vector<4x2048xi1>, vector<4x2048xf32>
    %swap3A_373 = arith.constant 38 : index
    %swap3A_374 = arith.constant 0 : index
    %swap3A_375 = arith.constant 0 : index
    %swap3A_376 = vector.load %arg1[%swap3A_373, %swap3A_374, %swap3A_375] : memref<48x4x2048xf32, #tpu.memory_space<vmem>>, vector<1x4x2048xf32>
    %swap3A_377 = vector.shape_cast %swap3A_376 : vector<1x4x2048xf32> to vector<4x2048xf32>
    %swap3A_378 = vector.shape_cast %select_n3A_372 : vector<4x2048xf32> to vector<1x4x2048xf32>
    tpu.vector_store %arg1[%swap3A_373, %swap3A_374, %swap3A_375], %swap3A_378 {strides = array<i32>} : memref<48x4x2048xf32, #tpu.memory_space<vmem>>, vector<1x4x2048xf32>,
    %jit3A_379 = arith.constant -9.99999984E+17 : f32
    %jit3A_380 = arith.constant 9.99999984E+17 : f32
    %max3A_381 = vector.broadcast %jit3A_379 : f32 to vector<4x2048xf32>
    %max3A_382 = arith.maximumf %max3A_381, %div3A_245 : vector<4x2048xf32>
    %min3A_383 = vector.broadcast %jit3A_380 : f32 to vector<4x2048xf32>
    %min3A_384 = arith.minimumf %min3A_383, %max3A_382 : vector<4x2048xf32>
    %jit3A_385 = arith.constant -9.99999984E+17 : f32
    %jit3A_386 = arith.constant 9.99999984E+17 : f32
    %max3A_387 = vector.broadcast %jit3A_385 : f32 to vector<4x2048xf32>
    %max3A_388 = arith.maximumf %max3A_387, %div3A_249 : vector<4x2048xf32>
    %min3A_389 = vector.broadcast %jit3A_386 : f32 to vector<4x2048xf32>
    %min3A_390 = arith.minimumf %min3A_389, %max3A_388 : vector<4x2048xf32>
    %ne3A_391 = arith.cmpf one, %min3A_384, %min3A_384 : vector<4x2048xf32>
    %jit3A_392 = arith.constant 0.000000e+00 : f32
    %broadcast_in_dim3A_393 = vector.broadcast %jit3A_392 : f32 to vector<4x2048xf32>
    %select_n3A_394 = arith.select %ne3A_391, %broadcast_in_dim3A_393, %min3A_384 : vector<4x2048xi1>, vector<4x2048xf32>
    %ne3A_395 = arith.cmpf one, %min3A_390, %min3A_390 : vector<4x2048xf32>
    %jit3A_396 = arith.constant 0.000000e+00 : f32
    %broadcast_in_dim3A_397 = vector.broadcast %jit3A_396 : f32 to vector<4x2048xf32>
    %select_n3A_398 = arith.select %ne3A_395, %broadcast_in_dim3A_397, %min3A_390 : vector<4x2048xi1>, vector<4x2048xf32>
    %gt3A_399 = arith.constant 0.000000e+00 : f32
    %gt3A_400 = vector.broadcast %gt3A_399 : f32 to vector<4x2048xf32>
    %gt3A_401 = arith.cmpf ogt, %mul3A_117, %gt3A_400 : vector<4x2048xf32>
    %lt3A_402 = arith.constant 0.000000e+00 : f32
    %lt3A_403 = vector.broadcast %lt3A_402 : f32 to vector<4x2048xf32>
    %lt3A_404 = arith.cmpf olt, %mul3A_117, %lt3A_403 : vector<4x2048xf32>
    %select_n3A_405 = arith.select %gt3A_401, %select_n3A_394, %broadcast_in_dim3A_266 : vector<4x2048xi1>, vector<4x2048xf32>
    %swap3A_406 = arith.constant 18 : index
    %swap3A_407 = arith.constant 0 : index
    %swap3A_408 = arith.constant 0 : index
    %swap3A_409 = vector.load %arg1[%swap3A_406, %swap3A_407, %swap3A_408] : memref<48x4x2048xf32, #tpu.memory_space<vmem>>, vector<1x4x2048xf32>
    %swap3A_410 = vector.shape_cast %swap3A_409 : vector<1x4x2048xf32> to vector<4x2048xf32>
    %swap3A_411 = vector.shape_cast %select_n3A_405 : vector<4x2048xf32> to vector<1x4x2048xf32>
    tpu.vector_store %arg1[%swap3A_406, %swap3A_407, %swap3A_408], %swap3A_411 {strides = array<i32>} : memref<48x4x2048xf32, #tpu.memory_space<vmem>>, vector<1x4x2048xf32>,
    %jit3A_412 = arith.constant -1.000000e+30 : f32
    %broadcast_in_dim3A_413 = vector.broadcast %jit3A_412 : f32 to vector<4x2048xf32>
    %select_n3A_414 = arith.select %gt3A_401, %select_n3A_398, %broadcast_in_dim3A_413 : vector<4x2048xi1>, vector<4x2048xf32>
    %swap3A_415 = arith.constant 23 : index
    %swap3A_416 = arith.constant 0 : index
    %swap3A_417 = arith.constant 0 : index
    %swap3A_418 = vector.load %arg1[%swap3A_415, %swap3A_416, %swap3A_417] : memref<48x4x2048xf32, #tpu.memory_space<vmem>>, vector<1x4x2048xf32>
    %swap3A_419 = vector.shape_cast %swap3A_418 : vector<1x4x2048xf32> to vector<4x2048xf32>
    %swap3A_420 = vector.shape_cast %select_n3A_414 : vector<4x2048xf32> to vector<1x4x2048xf32>
    tpu.vector_store %arg1[%swap3A_415, %swap3A_416, %swap3A_417], %swap3A_420 {strides = array<i32>} : memref<48x4x2048xf32, #tpu.memory_space<vmem>>, vector<1x4x2048xf32>,
    %select_n3A_421 = arith.select %lt3A_404, %select_n3A_394, %broadcast_in_dim3A_266 : vector<4x2048xi1>, vector<4x2048xf32>
    %swap3A_422 = arith.constant 34 : index
    %swap3A_423 = arith.constant 0 : index
    %swap3A_424 = arith.constant 0 : index
    %swap3A_425 = vector.load %arg1[%swap3A_422, %swap3A_423, %swap3A_424] : memref<48x4x2048xf32, #tpu.memory_space<vmem>>, vector<1x4x2048xf32>
    %swap3A_426 = vector.shape_cast %swap3A_425 : vector<1x4x2048xf32> to vector<4x2048xf32>
    %swap3A_427 = vector.shape_cast %select_n3A_421 : vector<4x2048xf32> to vector<1x4x2048xf32>
    tpu.vector_store %arg1[%swap3A_422, %swap3A_423, %swap3A_424], %swap3A_427 {strides = array<i32>} : memref<48x4x2048xf32, #tpu.memory_space<vmem>>, vector<1x4x2048xf32>,
    %jit3A_428 = arith.constant 1.000000e+30 : f32
    %broadcast_in_dim3A_429 = vector.broadcast %jit3A_428 : f32 to vector<4x2048xf32>
    %select_n3A_430 = arith.select %lt3A_404, %select_n3A_398, %broadcast_in_dim3A_429 : vector<4x2048xi1>, vector<4x2048xf32>
    %swap3A_431 = arith.constant 39 : index
    %swap3A_432 = arith.constant 0 : index
    %swap3A_433 = arith.constant 0 : index
    %swap3A_434 = vector.load %arg1[%swap3A_431, %swap3A_432, %swap3A_433] : memref<48x4x2048xf32, #tpu.memory_space<vmem>>, vector<1x4x2048xf32>
    %swap3A_435 = vector.shape_cast %swap3A_434 : vector<1x4x2048xf32> to vector<4x2048xf32>
    %swap3A_436 = vector.shape_cast %select_n3A_430 : vector<4x2048xf32> to vector<1x4x2048xf32>
    tpu.vector_store %arg1[%swap3A_431, %swap3A_432, %swap3A_433], %swap3A_436 {strides = array<i32>} : memref<48x4x2048xf32, #tpu.memory_space<vmem>>, vector<1x4x2048xf32>,
    %jit3A_437 = arith.constant -9.99999984E+17 : f32
    %jit3A_438 = arith.constant 9.99999984E+17 : f32
    %max3A_439 = vector.broadcast %jit3A_437 : f32 to vector<4x2048xf32>
    %max3A_440 = arith.maximumf %max3A_439, %div3A_253 : vector<4x2048xf32>
    %min3A_441 = vector.broadcast %jit3A_438 : f32 to vector<4x2048xf32>
    %min3A_442 = arith.minimumf %min3A_441, %max3A_440 : vector<4x2048xf32>
    %jit3A_443 = arith.constant -9.99999984E+17 : f32
    %jit3A_444 = arith.constant 9.99999984E+17 : f32
    %max3A_445 = vector.broadcast %jit3A_443 : f32 to vector<4x2048xf32>
    %max3A_446 = arith.maximumf %max3A_445, %div3A_255 : vector<4x2048xf32>
    %min3A_447 = vector.broadcast %jit3A_444 : f32 to vector<4x2048xf32>
    %min3A_448 = arith.minimumf %min3A_447, %max3A_446 : vector<4x2048xf32>
    %ne3A_449 = arith.cmpf one, %min3A_442, %min3A_442 : vector<4x2048xf32>
    %jit3A_450 = arith.constant 0.000000e+00 : f32
    %broadcast_in_dim3A_451 = vector.broadcast %jit3A_450 : f32 to vector<4x2048xf32>
    %select_n3A_452 = arith.select %ne3A_449, %broadcast_in_dim3A_451, %min3A_442 : vector<4x2048xi1>, vector<4x2048xf32>
    %ne3A_453 = arith.cmpf one, %min3A_448, %min3A_448 : vector<4x2048xf32>
    %jit3A_454 = arith.constant 0.000000e+00 : f32
    %broadcast_in_dim3A_455 = vector.broadcast %jit3A_454 : f32 to vector<4x2048xf32>
    %select_n3A_456 = arith.select %ne3A_453, %broadcast_in_dim3A_455, %min3A_448 : vector<4x2048xi1>, vector<4x2048xf32>
    %gt3A_457 = arith.constant 0.000000e+00 : f32
    %gt3A_458 = vector.broadcast %gt3A_457 : f32 to vector<4x2048xf32>
    %gt3A_459 = arith.cmpf ogt, %mul3A_98, %gt3A_458 : vector<4x2048xf32>
    %lt3A_460 = arith.constant 0.000000e+00 : f32
    %lt3A_461 = vector.broadcast %lt3A_460 : f32 to vector<4x2048xf32>
    %lt3A_462 = arith.cmpf olt, %mul3A_98, %lt3A_461 : vector<4x2048xf32>
    %select_n3A_463 = arith.select %gt3A_459, %select_n3A_452, %broadcast_in_dim3A_266 : vector<4x2048xi1>, vector<4x2048xf32>
    %swap3A_464 = arith.constant 19 : index
    %swap3A_465 = arith.constant 0 : index
    %swap3A_466 = arith.constant 0 : index
    %swap3A_467 = vector.load %arg1[%swap3A_464, %swap3A_465, %swap3A_466] : memref<48x4x2048xf32, #tpu.memory_space<vmem>>, vector<1x4x2048xf32>
    %swap3A_468 = vector.shape_cast %swap3A_467 : vector<1x4x2048xf32> to vector<4x2048xf32>
    %swap3A_469 = vector.shape_cast %select_n3A_463 : vector<4x2048xf32> to vector<1x4x2048xf32>
    tpu.vector_store %arg1[%swap3A_464, %swap3A_465, %swap3A_466], %swap3A_469 {strides = array<i32>} : memref<48x4x2048xf32, #tpu.memory_space<vmem>>, vector<1x4x2048xf32>,
    %jit3A_470 = arith.constant -1.000000e+30 : f32
    %broadcast_in_dim3A_471 = vector.broadcast %jit3A_470 : f32 to vector<4x2048xf32>
    %select_n3A_472 = arith.select %gt3A_459, %select_n3A_456, %broadcast_in_dim3A_471 : vector<4x2048xi1>, vector<4x2048xf32>
    %swap3A_473 = arith.constant 24 : index
    %swap3A_474 = arith.constant 0 : index
    %swap3A_475 = arith.constant 0 : index
    %swap3A_476 = vector.load %arg1[%swap3A_473, %swap3A_474, %swap3A_475] : memref<48x4x2048xf32, #tpu.memory_space<vmem>>, vector<1x4x2048xf32>
    %swap3A_477 = vector.shape_cast %swap3A_476 : vector<1x4x2048xf32> to vector<4x2048xf32>
    %swap3A_478 = vector.shape_cast %select_n3A_472 : vector<4x2048xf32> to vector<1x4x2048xf32>
    tpu.vector_store %arg1[%swap3A_473, %swap3A_474, %swap3A_475], %swap3A_478 {strides = array<i32>} : memref<48x4x2048xf32, #tpu.memory_space<vmem>>, vector<1x4x2048xf32>,
    %select_n3A_479 = arith.select %lt3A_462, %select_n3A_452, %broadcast_in_dim3A_266 : vector<4x2048xi1>, vector<4x2048xf32>
    %swap3A_480 = arith.constant 35 : index
    %swap3A_481 = arith.constant 0 : index
    %swap3A_482 = arith.constant 0 : index
    %swap3A_483 = vector.load %arg1[%swap3A_480, %swap3A_481, %swap3A_482] : memref<48x4x2048xf32, #tpu.memory_space<vmem>>, vector<1x4x2048xf32>
    %swap3A_484 = vector.shape_cast %swap3A_483 : vector<1x4x2048xf32> to vector<4x2048xf32>
    %swap3A_485 = vector.shape_cast %select_n3A_479 : vector<4x2048xf32> to vector<1x4x2048xf32>
    tpu.vector_store %arg1[%swap3A_480, %swap3A_481, %swap3A_482], %swap3A_485 {strides = array<i32>} : memref<48x4x2048xf32, #tpu.memory_space<vmem>>, vector<1x4x2048xf32>,
    %jit3A_486 = arith.constant 1.000000e+30 : f32
    %broadcast_in_dim3A_487 = vector.broadcast %jit3A_486 : f32 to vector<4x2048xf32>
    %select_n3A_488 = arith.select %lt3A_462, %select_n3A_456, %broadcast_in_dim3A_487 : vector<4x2048xi1>, vector<4x2048xf32>
    %swap3A_489 = arith.constant 40 : index
    %swap3A_490 = arith.constant 0 : index
    %swap3A_491 = arith.constant 0 : index
    %swap3A_492 = vector.load %arg1[%swap3A_489, %swap3A_490, %swap3A_491] : memref<48x4x2048xf32, #tpu.memory_space<vmem>>, vector<1x4x2048xf32>
    %swap3A_493 = vector.shape_cast %swap3A_492 : vector<1x4x2048xf32> to vector<4x2048xf32>
    %swap3A_494 = vector.shape_cast %select_n3A_488 : vector<4x2048xf32> to vector<1x4x2048xf32>
    tpu.vector_store %arg1[%swap3A_489, %swap3A_490, %swap3A_491], %swap3A_494 {strides = array<i32>} : memref<48x4x2048xf32, #tpu.memory_space<vmem>>, vector<1x4x2048xf32>,
    %jit3A_495 = arith.constant -9.99999984E+17 : f32
    %jit3A_496 = arith.constant 9.99999984E+17 : f32
    %max3A_497 = vector.broadcast %jit3A_495 : f32 to vector<4x2048xf32>
    %max3A_498 = arith.maximumf %max3A_497, %div3A_262 : vector<4x2048xf32>
    %min3A_499 = vector.broadcast %jit3A_496 : f32 to vector<4x2048xf32>
    %min3A_500 = arith.minimumf %min3A_499, %max3A_498 : vector<4x2048xf32>
    %jit3A_501 = arith.constant -9.99999984E+17 : f32
    %jit3A_502 = arith.constant 9.99999984E+17 : f32
    %max3A_503 = vector.broadcast %jit3A_501 : f32 to vector<4x2048xf32>
    %max3A_504 = arith.maximumf %max3A_503, %div3A_264 : vector<4x2048xf32>
    %min3A_505 = vector.broadcast %jit3A_502 : f32 to vector<4x2048xf32>
    %min3A_506 = arith.minimumf %min3A_505, %max3A_504 : vector<4x2048xf32>
    %ne3A_507 = arith.cmpf one, %min3A_500, %min3A_500 : vector<4x2048xf32>
    %jit3A_508 = arith.constant 0.000000e+00 : f32
    %broadcast_in_dim3A_509 = vector.broadcast %jit3A_508 : f32 to vector<4x2048xf32>
    %select_n3A_510 = arith.select %ne3A_507, %broadcast_in_dim3A_509, %min3A_500 : vector<4x2048xi1>, vector<4x2048xf32>
    %ne3A_511 = arith.cmpf one, %min3A_506, %min3A_506 : vector<4x2048xf32>
    %jit3A_512 = arith.constant 0.000000e+00 : f32
    %broadcast_in_dim3A_513 = vector.broadcast %jit3A_512 : f32 to vector<4x2048xf32>
    %select_n3A_514 = arith.select %ne3A_511, %broadcast_in_dim3A_513, %min3A_506 : vector<4x2048xi1>, vector<4x2048xf32>
    %gt3A_515 = arith.constant 0.000000e+00 : f32
    %gt3A_516 = vector.broadcast %gt3A_515 : f32 to vector<4x2048xf32>
    %gt3A_517 = arith.cmpf ogt, %neg3A_258, %gt3A_516 : vector<4x2048xf32>
    %lt3A_518 = arith.constant 0.000000e+00 : f32
    %lt3A_519 = vector.broadcast %lt3A_518 : f32 to vector<4x2048xf32>
    %lt3A_520 = arith.cmpf olt, %neg3A_258, %lt3A_519 : vector<4x2048xf32>
    %select_n3A_521 = arith.select %gt3A_517, %select_n3A_510, %broadcast_in_dim3A_266 : vector<4x2048xi1>, vector<4x2048xf32>
    %swap3A_522 = arith.constant 20 : index
    %swap3A_523 = arith.constant 0 : index
    %swap3A_524 = arith.constant 0 : index
    %swap3A_525 = vector.load %arg1[%swap3A_522, %swap3A_523, %swap3A_524] : memref<48x4x2048xf32, #tpu.memory_space<vmem>>, vector<1x4x2048xf32>
    %swap3A_526 = vector.shape_cast %swap3A_525 : vector<1x4x2048xf32> to vector<4x2048xf32>
    %swap3A_527 = vector.shape_cast %select_n3A_521 : vector<4x2048xf32> to vector<1x4x2048xf32>
    tpu.vector_store %arg1[%swap3A_522, %swap3A_523, %swap3A_524], %swap3A_527 {strides = array<i32>} : memref<48x4x2048xf32, #tpu.memory_space<vmem>>, vector<1x4x2048xf32>,
    %jit3A_528 = arith.constant -1.000000e+30 : f32
    %broadcast_in_dim3A_529 = vector.broadcast %jit3A_528 : f32 to vector<4x2048xf32>
    %select_n3A_530 = arith.select %gt3A_517, %select_n3A_514, %broadcast_in_dim3A_529 : vector<4x2048xi1>, vector<4x2048xf32>
    %swap3A_531 = arith.constant 25 : index
    %swap3A_532 = arith.constant 0 : index
    %swap3A_533 = arith.constant 0 : index
    %swap3A_534 = vector.load %arg1[%swap3A_531, %swap3A_532, %swap3A_533] : memref<48x4x2048xf32, #tpu.memory_space<vmem>>, vector<1x4x2048xf32>
    %swap3A_535 = vector.shape_cast %swap3A_534 : vector<1x4x2048xf32> to vector<4x2048xf32>
    %swap3A_536 = vector.shape_cast %select_n3A_530 : vector<4x2048xf32> to vector<1x4x2048xf32>
    tpu.vector_store %arg1[%swap3A_531, %swap3A_532, %swap3A_533], %swap3A_536 {strides = array<i32>} : memref<48x4x2048xf32, #tpu.memory_space<vmem>>, vector<1x4x2048xf32>,
    %select_n3A_537 = arith.select %lt3A_520, %select_n3A_510, %broadcast_in_dim3A_266 : vector<4x2048xi1>, vector<4x2048xf32>
    %swap3A_538 = arith.constant 36 : index
    %swap3A_539 = arith.constant 0 : index
    %swap3A_540 = arith.constant 0 : index
    %swap3A_541 = vector.load %arg1[%swap3A_538, %swap3A_539, %swap3A_540] : memref<48x4x2048xf32, #tpu.memory_space<vmem>>, vector<1x4x2048xf32>
    %swap3A_542 = vector.shape_cast %swap3A_541 : vector<1x4x2048xf32> to vector<4x2048xf32>
    %swap3A_543 = vector.shape_cast %select_n3A_537 : vector<4x2048xf32> to vector<1x4x2048xf32>
    tpu.vector_store %arg1[%swap3A_538, %swap3A_539, %swap3A_540], %swap3A_543 {strides = array<i32>} : memref<48x4x2048xf32, #tpu.memory_space<vmem>>, vector<1x4x2048xf32>,
    %jit3A_544 = arith.constant 1.000000e+30 : f32
    %broadcast_in_dim3A_545 = vector.broadcast %jit3A_544 : f32 to vector<4x2048xf32>
    %select_n3A_546 = arith.select %lt3A_520, %select_n3A_514, %broadcast_in_dim3A_545 : vector<4x2048xi1>, vector<4x2048xf32>
    %swap3A_547 = arith.constant 41 : index
    %swap3A_548 = arith.constant 0 : index
    %swap3A_549 = arith.constant 0 : index
    %swap3A_550 = vector.load %arg1[%swap3A_547, %swap3A_548, %swap3A_549] : memref<48x4x2048xf32, #tpu.memory_space<vmem>>, vector<1x4x2048xf32>
    %swap3A_551 = vector.shape_cast %swap3A_550 : vector<1x4x2048xf32> to vector<4x2048xf32>
    %swap3A_552 = vector.shape_cast %select_n3A_546 : vector<4x2048xf32> to vector<1x4x2048xf32>
    tpu.vector_store %arg1[%swap3A_547, %swap3A_548, %swap3A_549], %swap3A_552 {strides = array<i32>} : memref<48x4x2048xf32, #tpu.memory_space<vmem>>, vector<1x4x2048xf32>,
    %jit3A_553 = arith.constant -9.99999984E+17 : f32
    %jit3A_554 = arith.constant 9.99999984E+17 : f32
    %max3A_555 = vector.broadcast %jit3A_553 : f32 to vector<4x2048xf32>
    %max3A_556 = arith.maximumf %max3A_555, %div3A_229 : vector<4x2048xf32>
    %min3A_557 = vector.broadcast %jit3A_554 : f32 to vector<4x2048xf32>
    %min3A_558 = arith.minimumf %min3A_557, %max3A_556 : vector<4x2048xf32>
    %jit3A_559 = arith.constant -9.99999984E+17 : f32
    %jit3A_560 = arith.constant 9.99999984E+17 : f32
    %max3A_561 = vector.broadcast %jit3A_559 : f32 to vector<4x2048xf32>
    %max3A_562 = arith.maximumf %max3A_561, %div3A_233 : vector<4x2048xf32>
    %min3A_563 = vector.broadcast %jit3A_560 : f32 to vector<4x2048xf32>
    %min3A_564 = arith.minimumf %min3A_563, %max3A_562 : vector<4x2048xf32>
    %ne3A_565 = arith.cmpf one, %min3A_558, %min3A_558 : vector<4x2048xf32>
    %jit3A_566 = arith.constant 0.000000e+00 : f32
    %broadcast_in_dim3A_567 = vector.broadcast %jit3A_566 : f32 to vector<4x2048xf32>
    %select_n3A_568 = arith.select %ne3A_565, %broadcast_in_dim3A_567, %min3A_558 : vector<4x2048xi1>, vector<4x2048xf32>
    %ne3A_569 = arith.cmpf one, %min3A_564, %min3A_564 : vector<4x2048xf32>
    %jit3A_570 = arith.constant 0.000000e+00 : f32
    %broadcast_in_dim3A_571 = vector.broadcast %jit3A_570 : f32 to vector<4x2048xf32>
    %select_n3A_572 = arith.select %ne3A_569, %broadcast_in_dim3A_571, %min3A_564 : vector<4x2048xi1>, vector<4x2048xf32>
    %gt3A_573 = arith.constant 0.000000e+00 : f32
    %gt3A_574 = vector.broadcast %gt3A_573 : f32 to vector<4x2048xf32>
    %gt3A_575 = arith.cmpf ogt, %mul3A_111, %gt3A_574 : vector<4x2048xf32>
    %lt3A_576 = arith.constant 0.000000e+00 : f32
    %lt3A_577 = vector.broadcast %lt3A_576 : f32 to vector<4x2048xf32>
    %lt3A_578 = arith.cmpf olt, %mul3A_111, %lt3A_577 : vector<4x2048xf32>
    %select_n3A_579 = arith.select %gt3A_575, %select_n3A_568, %broadcast_in_dim3A_266 : vector<4x2048xi1>, vector<4x2048xf32>
    %jit3A_580 = arith.constant -1.000000e+30 : f32
    %broadcast_in_dim3A_581 = vector.broadcast %jit3A_580 : f32 to vector<4x2048xf32>
    %select_n3A_582 = arith.select %gt3A_575, %select_n3A_572, %broadcast_in_dim3A_581 : vector<4x2048xi1>, vector<4x2048xf32>
    %select_n3A_583 = arith.select %lt3A_578, %select_n3A_568, %broadcast_in_dim3A_266 : vector<4x2048xi1>, vector<4x2048xf32>
    %jit3A_584 = arith.constant 1.000000e+30 : f32
    %broadcast_in_dim3A_585 = vector.broadcast %jit3A_584 : f32 to vector<4x2048xf32>
    %select_n3A_586 = arith.select %lt3A_578, %select_n3A_572, %broadcast_in_dim3A_585 : vector<4x2048xi1>, vector<4x2048xf32>
    %jit3A_587 = arith.constant -9.99999984E+17 : f32
    %jit3A_588 = arith.constant 9.99999984E+17 : f32
    %max3A_589 = vector.broadcast %jit3A_587 : f32 to vector<4x2048xf32>
    %max3A_590 = arith.maximumf %max3A_589, %div3A_237 : vector<4x2048xf32>
    %min3A_591 = vector.broadcast %jit3A_588 : f32 to vector<4x2048xf32>
    %min3A_592 = arith.minimumf %min3A_591, %max3A_590 : vector<4x2048xf32>
    %jit3A_593 = arith.constant -9.99999984E+17 : f32
    %jit3A_594 = arith.constant 9.99999984E+17 : f32
    %max3A_595 = vector.broadcast %jit3A_593 : f32 to vector<4x2048xf32>
    %max3A_596 = arith.maximumf %max3A_595, %div3A_241 : vector<4x2048xf32>
    %min3A_597 = vector.broadcast %jit3A_594 : f32 to vector<4x2048xf32>
    %min3A_598 = arith.minimumf %min3A_597, %max3A_596 : vector<4x2048xf32>
    %ne3A_599 = arith.cmpf one, %min3A_592, %min3A_592 : vector<4x2048xf32>
    %jit3A_600 = arith.constant 0.000000e+00 : f32
    %broadcast_in_dim3A_601 = vector.broadcast %jit3A_600 : f32 to vector<4x2048xf32>
    %select_n3A_602 = arith.select %ne3A_599, %broadcast_in_dim3A_601, %min3A_592 : vector<4x2048xi1>, vector<4x2048xf32>
    %ne3A_603 = arith.cmpf one, %min3A_598, %min3A_598 : vector<4x2048xf32>
    %jit3A_604 = arith.constant 0.000000e+00 : f32
    %broadcast_in_dim3A_605 = vector.broadcast %jit3A_604 : f32 to vector<4x2048xf32>
    %select_n3A_606 = arith.select %ne3A_603, %broadcast_in_dim3A_605, %min3A_598 : vector<4x2048xi1>, vector<4x2048xf32>
    %gt3A_607 = arith.constant 0.000000e+00 : f32
    %gt3A_608 = vector.broadcast %gt3A_607 : f32 to vector<4x2048xf32>
    %gt3A_609 = arith.cmpf ogt, %mul3A_114, %gt3A_608 : vector<4x2048xf32>
    %lt3A_610 = arith.constant 0.000000e+00 : f32
    %lt3A_611 = vector.broadcast %lt3A_610 : f32 to vector<4x2048xf32>
    %lt3A_612 = arith.cmpf olt, %mul3A_114, %lt3A_611 : vector<4x2048xf32>
    %select_n3A_613 = arith.select %gt3A_609, %select_n3A_602, %broadcast_in_dim3A_266 : vector<4x2048xi1>, vector<4x2048xf32>
    %jit3A_614 = arith.constant -1.000000e+30 : f32
    %broadcast_in_dim3A_615 = vector.broadcast %jit3A_614 : f32 to vector<4x2048xf32>
    %select_n3A_616 = arith.select %gt3A_609, %select_n3A_606, %broadcast_in_dim3A_615 : vector<4x2048xi1>, vector<4x2048xf32>
    %select_n3A_617 = arith.select %lt3A_612, %select_n3A_602, %broadcast_in_dim3A_266 : vector<4x2048xi1>, vector<4x2048xf32>
    %jit3A_618 = arith.constant 1.000000e+30 : f32
    %broadcast_in_dim3A_619 = vector.broadcast %jit3A_618 : f32 to vector<4x2048xf32>
    %select_n3A_620 = arith.select %lt3A_612, %select_n3A_606, %broadcast_in_dim3A_619 : vector<4x2048xi1>, vector<4x2048xf32>
    %jit3A_621 = arith.constant -9.99999984E+17 : f32
    %jit3A_622 = arith.constant 9.99999984E+17 : f32
    %max3A_623 = vector.broadcast %jit3A_621 : f32 to vector<4x2048xf32>
    %max3A_624 = arith.maximumf %max3A_623, %div3A_245 : vector<4x2048xf32>
    %min3A_625 = vector.broadcast %jit3A_622 : f32 to vector<4x2048xf32>
    %min3A_626 = arith.minimumf %min3A_625, %max3A_624 : vector<4x2048xf32>
    %jit3A_627 = arith.constant -9.99999984E+17 : f32
    %jit3A_628 = arith.constant 9.99999984E+17 : f32
    %max3A_629 = vector.broadcast %jit3A_627 : f32 to vector<4x2048xf32>
    %max3A_630 = arith.maximumf %max3A_629, %div3A_249 : vector<4x2048xf32>
    %min3A_631 = vector.broadcast %jit3A_628 : f32 to vector<4x2048xf32>
    %min3A_632 = arith.minimumf %min3A_631, %max3A_630 : vector<4x2048xf32>
    %ne3A_633 = arith.cmpf one, %min3A_626, %min3A_626 : vector<4x2048xf32>
    %jit3A_634 = arith.constant 0.000000e+00 : f32
    %broadcast_in_dim3A_635 = vector.broadcast %jit3A_634 : f32 to vector<4x2048xf32>
    %select_n3A_636 = arith.select %ne3A_633, %broadcast_in_dim3A_635, %min3A_626 : vector<4x2048xi1>, vector<4x2048xf32>
    %ne3A_637 = arith.cmpf one, %min3A_632, %min3A_632 : vector<4x2048xf32>
    %jit3A_638 = arith.constant 0.000000e+00 : f32
    %broadcast_in_dim3A_639 = vector.broadcast %jit3A_638 : f32 to vector<4x2048xf32>
    %select_n3A_640 = arith.select %ne3A_637, %broadcast_in_dim3A_639, %min3A_632 : vector<4x2048xi1>, vector<4x2048xf32>
    %gt3A_641 = arith.constant 0.000000e+00 : f32
    %gt3A_642 = vector.broadcast %gt3A_641 : f32 to vector<4x2048xf32>
    %gt3A_643 = arith.cmpf ogt, %mul3A_117, %gt3A_642 : vector<4x2048xf32>
    %lt3A_644 = arith.constant 0.000000e+00 : f32
    %lt3A_645 = vector.broadcast %lt3A_644 : f32 to vector<4x2048xf32>
    %lt3A_646 = arith.cmpf olt, %mul3A_117, %lt3A_645 : vector<4x2048xf32>
    %select_n3A_647 = arith.select %gt3A_643, %select_n3A_636, %broadcast_in_dim3A_266 : vector<4x2048xi1>, vector<4x2048xf32>
    %jit3A_648 = arith.constant -1.000000e+30 : f32
    %broadcast_in_dim3A_649 = vector.broadcast %jit3A_648 : f32 to vector<4x2048xf32>
    %select_n3A_650 = arith.select %gt3A_643, %select_n3A_640, %broadcast_in_dim3A_649 : vector<4x2048xi1>, vector<4x2048xf32>
    %select_n3A_651 = arith.select %lt3A_646, %select_n3A_636, %broadcast_in_dim3A_266 : vector<4x2048xi1>, vector<4x2048xf32>
    %jit3A_652 = arith.constant 1.000000e+30 : f32
    %broadcast_in_dim3A_653 = vector.broadcast %jit3A_652 : f32 to vector<4x2048xf32>
    %select_n3A_654 = arith.select %lt3A_646, %select_n3A_640, %broadcast_in_dim3A_653 : vector<4x2048xi1>, vector<4x2048xf32>
    %jit3A_655 = arith.constant -9.99999984E+17 : f32
    %jit3A_656 = arith.constant 9.99999984E+17 : f32
    %max3A_657 = vector.broadcast %jit3A_655 : f32 to vector<4x2048xf32>
    %max3A_658 = arith.maximumf %max3A_657, %div3A_253 : vector<4x2048xf32>
    %min3A_659 = vector.broadcast %jit3A_656 : f32 to vector<4x2048xf32>
    %min3A_660 = arith.minimumf %min3A_659, %max3A_658 : vector<4x2048xf32>
    %jit3A_661 = arith.constant -9.99999984E+17 : f32
    %jit3A_662 = arith.constant 9.99999984E+17 : f32
    %max3A_663 = vector.broadcast %jit3A_661 : f32 to vector<4x2048xf32>
    %max3A_664 = arith.maximumf %max3A_663, %div3A_255 : vector<4x2048xf32>
    %min3A_665 = vector.broadcast %jit3A_662 : f32 to vector<4x2048xf32>
    %min3A_666 = arith.minimumf %min3A_665, %max3A_664 : vector<4x2048xf32>
    %ne3A_667 = arith.cmpf one, %min3A_660, %min3A_660 : vector<4x2048xf32>
    %jit3A_668 = arith.constant 0.000000e+00 : f32
    %broadcast_in_dim3A_669 = vector.broadcast %jit3A_668 : f32 to vector<4x2048xf32>
    %select_n3A_670 = arith.select %ne3A_667, %broadcast_in_dim3A_669, %min3A_660 : vector<4x2048xi1>, vector<4x2048xf32>
    %ne3A_671 = arith.cmpf one, %min3A_666, %min3A_666 : vector<4x2048xf32>
    %jit3A_672 = arith.constant 0.000000e+00 : f32
    %broadcast_in_dim3A_673 = vector.broadcast %jit3A_672 : f32 to vector<4x2048xf32>
    %select_n3A_674 = arith.select %ne3A_671, %broadcast_in_dim3A_673, %min3A_666 : vector<4x2048xi1>, vector<4x2048xf32>
    %gt3A_675 = arith.constant 0.000000e+00 : f32
    %gt3A_676 = vector.broadcast %gt3A_675 : f32 to vector<4x2048xf32>
    %gt3A_677 = arith.cmpf ogt, %mul3A_98, %gt3A_676 : vector<4x2048xf32>
    %lt3A_678 = arith.constant 0.000000e+00 : f32
    %lt3A_679 = vector.broadcast %lt3A_678 : f32 to vector<4x2048xf32>
    %lt3A_680 = arith.cmpf olt, %mul3A_98, %lt3A_679 : vector<4x2048xf32>
    %select_n3A_681 = arith.select %gt3A_677, %select_n3A_670, %broadcast_in_dim3A_266 : vector<4x2048xi1>, vector<4x2048xf32>
    %jit3A_682 = arith.constant -1.000000e+30 : f32
    %broadcast_in_dim3A_683 = vector.broadcast %jit3A_682 : f32 to vector<4x2048xf32>
    %select_n3A_684 = arith.select %gt3A_677, %select_n3A_674, %broadcast_in_dim3A_683 : vector<4x2048xi1>, vector<4x2048xf32>
    %select_n3A_685 = arith.select %lt3A_680, %select_n3A_670, %broadcast_in_dim3A_266 : vector<4x2048xi1>, vector<4x2048xf32>
    %jit3A_686 = arith.constant 1.000000e+30 : f32
    %broadcast_in_dim3A_687 = vector.broadcast %jit3A_686 : f32 to vector<4x2048xf32>
    %select_n3A_688 = arith.select %lt3A_680, %select_n3A_674, %broadcast_in_dim3A_687 : vector<4x2048xi1>, vector<4x2048xf32>
    %jit3A_689 = arith.constant -9.99999984E+17 : f32
    %jit3A_690 = arith.constant 9.99999984E+17 : f32
    %max3A_691 = vector.broadcast %jit3A_689 : f32 to vector<4x2048xf32>
    %max3A_692 = arith.maximumf %max3A_691, %div3A_262 : vector<4x2048xf32>
    %min3A_693 = vector.broadcast %jit3A_690 : f32 to vector<4x2048xf32>
    %min3A_694 = arith.minimumf %min3A_693, %max3A_692 : vector<4x2048xf32>
    %jit3A_695 = arith.constant -9.99999984E+17 : f32
    %jit3A_696 = arith.constant 9.99999984E+17 : f32
    %max3A_697 = vector.broadcast %jit3A_695 : f32 to vector<4x2048xf32>
    %max3A_698 = arith.maximumf %max3A_697, %div3A_264 : vector<4x2048xf32>
    %min3A_699 = vector.broadcast %jit3A_696 : f32 to vector<4x2048xf32>
    %min3A_700 = arith.minimumf %min3A_699, %max3A_698 : vector<4x2048xf32>
    %ne3A_701 = arith.cmpf one, %min3A_694, %min3A_694 : vector<4x2048xf32>
    %jit3A_702 = arith.constant 0.000000e+00 : f32
    %broadcast_in_dim3A_703 = vector.broadcast %jit3A_702 : f32 to vector<4x2048xf32>
    %select_n3A_704 = arith.select %ne3A_701, %broadcast_in_dim3A_703, %min3A_694 : vector<4x2048xi1>, vector<4x2048xf32>
    %ne3A_705 = arith.cmpf one, %min3A_700, %min3A_700 : vector<4x2048xf32>
    %jit3A_706 = arith.constant 0.000000e+00 : f32
    %broadcast_in_dim3A_707 = vector.broadcast %jit3A_706 : f32 to vector<4x2048xf32>
    %select_n3A_708 = arith.select %ne3A_705, %broadcast_in_dim3A_707, %min3A_700 : vector<4x2048xi1>, vector<4x2048xf32>
    %gt3A_709 = arith.constant 0.000000e+00 : f32
    %gt3A_710 = vector.broadcast %gt3A_709 : f32 to vector<4x2048xf32>
    %gt3A_711 = arith.cmpf ogt, %neg3A_258, %gt3A_710 : vector<4x2048xf32>
    %lt3A_712 = arith.constant 0.000000e+00 : f32
    %lt3A_713 = vector.broadcast %lt3A_712 : f32 to vector<4x2048xf32>
    %lt3A_714 = arith.cmpf olt, %neg3A_258, %lt3A_713 : vector<4x2048xf32>
    %select_n3A_715 = arith.select %gt3A_711, %select_n3A_704, %broadcast_in_dim3A_266 : vector<4x2048xi1>, vector<4x2048xf32>
    %jit3A_716 = arith.constant -1.000000e+30 : f32
    %broadcast_in_dim3A_717 = vector.broadcast %jit3A_716 : f32 to vector<4x2048xf32>
    %select_n3A_718 = arith.select %gt3A_711, %select_n3A_708, %broadcast_in_dim3A_717 : vector<4x2048xi1>, vector<4x2048xf32>
    %select_n3A_719 = arith.select %lt3A_714, %select_n3A_704, %broadcast_in_dim3A_266 : vector<4x2048xi1>, vector<4x2048xf32>
    %jit3A_720 = arith.constant 1.000000e+30 : f32
    %broadcast_in_dim3A_721 = vector.broadcast %jit3A_720 : f32 to vector<4x2048xf32>
    %select_n3A_722 = arith.select %lt3A_714, %select_n3A_708, %broadcast_in_dim3A_721 : vector<4x2048xi1>, vector<4x2048xf32>
    %broadcast_in_dim3A_723 = arith.constant -1.000000e+30 : f32
    %broadcast_in_dim3A_724 = vector.broadcast %broadcast_in_dim3A_723 : f32 to vector<4x2048xf32>
    %broadcast_in_dim3A_725 = arith.constant 1.000000e+30 : f32
    %broadcast_in_dim3A_726 = vector.broadcast %broadcast_in_dim3A_725 : f32 to vector<4x2048xf32>
    %sub3A_727 = arith.subf %select_n3A_579, %select_n3A_583 : vector<4x2048xf32>
    %sub3A_728 = arith.subf %select_n3A_586, %select_n3A_582 : vector<4x2048xf32>
    %div3A_729 = arith.divf %sub3A_728, %sub3A_727 : vector<4x2048xf32>
    %gt3A_730 = arith.constant 0.000000e+00 : f32
    %gt3A_731 = vector.broadcast %gt3A_730 : f32 to vector<4x2048xf32>
    %gt3A_732 = arith.cmpf ogt, %sub3A_727, %gt3A_731 : vector<4x2048xf32>
    %min3A_733 = arith.minimumf %broadcast_in_dim3A_726, %div3A_729 : vector<4x2048xf32>
    %select_n3A_734 = arith.select %gt3A_732, %min3A_733, %broadcast_in_dim3A_726 : vector<4x2048xi1>, vector<4x2048xf32>
    %lt3A_735 = arith.constant 0.000000e+00 : f32
    %lt3A_736 = vector.broadcast %lt3A_735 : f32 to vector<4x2048xf32>
    %lt3A_737 = arith.cmpf olt, %sub3A_727, %lt3A_736 : vector<4x2048xf32>
    %max3A_738 = arith.maximumf %broadcast_in_dim3A_724, %div3A_729 : vector<4x2048xf32>
    %select_n3A_739 = arith.select %lt3A_737, %max3A_738, %broadcast_in_dim3A_724 : vector<4x2048xi1>, vector<4x2048xf32>
    %eq3A = arith.constant 0.000000e+00 : f32
    %eq3A_740 = vector.broadcast %eq3A : f32 to vector<4x2048xf32>
    %eq3A_741 = arith.cmpf oeq, %sub3A_727, %eq3A_740 : vector<4x2048xf32>
    %lt3A_742 = arith.constant 0.000000e+00 : f32
    %lt3A_743 = vector.broadcast %lt3A_742 : f32 to vector<4x2048xf32>
    %lt3A_744 = arith.cmpf olt, %sub3A_728, %lt3A_743 : vector<4x2048xf32>
    %and3A = arith.andi %eq3A_741, %lt3A_744 : vector<4x2048xi1>
    %jit3A_745 = arith.constant 1.000000e+30 : f32
    %broadcast_in_dim3A_746 = vector.broadcast %jit3A_745 : f32 to vector<4x2048xf32>
    %select_n3A_747 = arith.select %and3A, %broadcast_in_dim3A_746, %select_n3A_739 : vector<4x2048xi1>, vector<4x2048xf32>
    %sub3A_748 = arith.subf %select_n3A_579, %select_n3A_617 : vector<4x2048xf32>
    %sub3A_749 = arith.subf %select_n3A_620, %select_n3A_582 : vector<4x2048xf32>
    %div3A_750 = arith.divf %sub3A_749, %sub3A_748 : vector<4x2048xf32>
    %gt3A_751 = arith.constant 0.000000e+00 : f32
    %gt3A_752 = vector.broadcast %gt3A_751 : f32 to vector<4x2048xf32>
    %gt3A_753 = arith.cmpf ogt, %sub3A_748, %gt3A_752 : vector<4x2048xf32>
    %min3A_754 = arith.minimumf %select_n3A_734, %div3A_750 : vector<4x2048xf32>
    %select_n3A_755 = arith.select %gt3A_753, %min3A_754, %select_n3A_734 : vector<4x2048xi1>, vector<4x2048xf32>
    %lt3A_756 = arith.constant 0.000000e+00 : f32
    %lt3A_757 = vector.broadcast %lt3A_756 : f32 to vector<4x2048xf32>
    %lt3A_758 = arith.cmpf olt, %sub3A_748, %lt3A_757 : vector<4x2048xf32>
    %max3A_759 = arith.maximumf %select_n3A_747, %div3A_750 : vector<4x2048xf32>
    %select_n3A_760 = arith.select %lt3A_758, %max3A_759, %select_n3A_747 : vector<4x2048xi1>, vector<4x2048xf32>
    %eq3A_761 = arith.constant 0.000000e+00 : f32
    %eq3A_762 = vector.broadcast %eq3A_761 : f32 to vector<4x2048xf32>
    %eq3A_763 = arith.cmpf oeq, %sub3A_748, %eq3A_762 : vector<4x2048xf32>
    %lt3A_764 = arith.constant 0.000000e+00 : f32
    %lt3A_765 = vector.broadcast %lt3A_764 : f32 to vector<4x2048xf32>
    %lt3A_766 = arith.cmpf olt, %sub3A_749, %lt3A_765 : vector<4x2048xf32>
    %and3A_767 = arith.andi %eq3A_763, %lt3A_766 : vector<4x2048xi1>
    %jit3A_768 = arith.constant 1.000000e+30 : f32
    %broadcast_in_dim3A_769 = vector.broadcast %jit3A_768 : f32 to vector<4x2048xf32>
    %select_n3A_770 = arith.select %and3A_767, %broadcast_in_dim3A_769, %select_n3A_760 : vector<4x2048xi1>, vector<4x2048xf32>
    %sub3A_771 = arith.subf %select_n3A_579, %select_n3A_651 : vector<4x2048xf32>
    %sub3A_772 = arith.subf %select_n3A_654, %select_n3A_582 : vector<4x2048xf32>
    %div3A_773 = arith.divf %sub3A_772, %sub3A_771 : vector<4x2048xf32>
    %gt3A_774 = arith.constant 0.000000e+00 : f32
    %gt3A_775 = vector.broadcast %gt3A_774 : f32 to vector<4x2048xf32>
    %gt3A_776 = arith.cmpf ogt, %sub3A_771, %gt3A_775 : vector<4x2048xf32>
    %min3A_777 = arith.minimumf %select_n3A_755, %div3A_773 : vector<4x2048xf32>
    %select_n3A_778 = arith.select %gt3A_776, %min3A_777, %select_n3A_755 : vector<4x2048xi1>, vector<4x2048xf32>
    %lt3A_779 = arith.constant 0.000000e+00 : f32
    %lt3A_780 = vector.broadcast %lt3A_779 : f32 to vector<4x2048xf32>
    %lt3A_781 = arith.cmpf olt, %sub3A_771, %lt3A_780 : vector<4x2048xf32>
    %max3A_782 = arith.maximumf %select_n3A_770, %div3A_773 : vector<4x2048xf32>
    %select_n3A_783 = arith.select %lt3A_781, %max3A_782, %select_n3A_770 : vector<4x2048xi1>, vector<4x2048xf32>
    %eq3A_784 = arith.constant 0.000000e+00 : f32
    %eq3A_785 = vector.broadcast %eq3A_784 : f32 to vector<4x2048xf32>
    %eq3A_786 = arith.cmpf oeq, %sub3A_771, %eq3A_785 : vector<4x2048xf32>
    %lt3A_787 = arith.constant 0.000000e+00 : f32
    %lt3A_788 = vector.broadcast %lt3A_787 : f32 to vector<4x2048xf32>
    %lt3A_789 = arith.cmpf olt, %sub3A_772, %lt3A_788 : vector<4x2048xf32>
    %and3A_790 = arith.andi %eq3A_786, %lt3A_789 : vector<4x2048xi1>
    %jit3A_791 = arith.constant 1.000000e+30 : f32
    %broadcast_in_dim3A_792 = vector.broadcast %jit3A_791 : f32 to vector<4x2048xf32>
    %select_n3A_793 = arith.select %and3A_790, %broadcast_in_dim3A_792, %select_n3A_783 : vector<4x2048xi1>, vector<4x2048xf32>
    %sub3A_794 = arith.subf %select_n3A_579, %select_n3A_685 : vector<4x2048xf32>
    %sub3A_795 = arith.subf %select_n3A_688, %select_n3A_582 : vector<4x2048xf32>
    %div3A_796 = arith.divf %sub3A_795, %sub3A_794 : vector<4x2048xf32>
    %gt3A_797 = arith.constant 0.000000e+00 : f32
    %gt3A_798 = vector.broadcast %gt3A_797 : f32 to vector<4x2048xf32>
    %gt3A_799 = arith.cmpf ogt, %sub3A_794, %gt3A_798 : vector<4x2048xf32>
    %min3A_800 = arith.minimumf %select_n3A_778, %div3A_796 : vector<4x2048xf32>
    %select_n3A_801 = arith.select %gt3A_799, %min3A_800, %select_n3A_778 : vector<4x2048xi1>, vector<4x2048xf32>
    %lt3A_802 = arith.constant 0.000000e+00 : f32
    %lt3A_803 = vector.broadcast %lt3A_802 : f32 to vector<4x2048xf32>
    %lt3A_804 = arith.cmpf olt, %sub3A_794, %lt3A_803 : vector<4x2048xf32>
    %max3A_805 = arith.maximumf %select_n3A_793, %div3A_796 : vector<4x2048xf32>
    %select_n3A_806 = arith.select %lt3A_804, %max3A_805, %select_n3A_793 : vector<4x2048xi1>, vector<4x2048xf32>
    %eq3A_807 = arith.constant 0.000000e+00 : f32
    %eq3A_808 = vector.broadcast %eq3A_807 : f32 to vector<4x2048xf32>
    %eq3A_809 = arith.cmpf oeq, %sub3A_794, %eq3A_808 : vector<4x2048xf32>
    %lt3A_810 = arith.constant 0.000000e+00 : f32
    %lt3A_811 = vector.broadcast %lt3A_810 : f32 to vector<4x2048xf32>
    %lt3A_812 = arith.cmpf olt, %sub3A_795, %lt3A_811 : vector<4x2048xf32>
    %and3A_813 = arith.andi %eq3A_809, %lt3A_812 : vector<4x2048xi1>
    %jit3A_814 = arith.constant 1.000000e+30 : f32
    %broadcast_in_dim3A_815 = vector.broadcast %jit3A_814 : f32 to vector<4x2048xf32>
    %select_n3A_816 = arith.select %and3A_813, %broadcast_in_dim3A_815, %select_n3A_806 : vector<4x2048xi1>, vector<4x2048xf32>
    %sub3A_817 = arith.subf %select_n3A_579, %select_n3A_719 : vector<4x2048xf32>
    %sub3A_818 = arith.subf %select_n3A_722, %select_n3A_582 : vector<4x2048xf32>
    %div3A_819 = arith.divf %sub3A_818, %sub3A_817 : vector<4x2048xf32>
    %gt3A_820 = arith.constant 0.000000e+00 : f32
    %gt3A_821 = vector.broadcast %gt3A_820 : f32 to vector<4x2048xf32>
    %gt3A_822 = arith.cmpf ogt, %sub3A_817, %gt3A_821 : vector<4x2048xf32>
    %min3A_823 = arith.minimumf %select_n3A_801, %div3A_819 : vector<4x2048xf32>
    %select_n3A_824 = arith.select %gt3A_822, %min3A_823, %select_n3A_801 : vector<4x2048xi1>, vector<4x2048xf32>
    %lt3A_825 = arith.constant 0.000000e+00 : f32
    %lt3A_826 = vector.broadcast %lt3A_825 : f32 to vector<4x2048xf32>
    %lt3A_827 = arith.cmpf olt, %sub3A_817, %lt3A_826 : vector<4x2048xf32>
    %max3A_828 = arith.maximumf %select_n3A_816, %div3A_819 : vector<4x2048xf32>
    %select_n3A_829 = arith.select %lt3A_827, %max3A_828, %select_n3A_816 : vector<4x2048xi1>, vector<4x2048xf32>
    %eq3A_830 = arith.constant 0.000000e+00 : f32
    %eq3A_831 = vector.broadcast %eq3A_830 : f32 to vector<4x2048xf32>
    %eq3A_832 = arith.cmpf oeq, %sub3A_817, %eq3A_831 : vector<4x2048xf32>
    %lt3A_833 = arith.constant 0.000000e+00 : f32
    %lt3A_834 = vector.broadcast %lt3A_833 : f32 to vector<4x2048xf32>
    %lt3A_835 = arith.cmpf olt, %sub3A_818, %lt3A_834 : vector<4x2048xf32>
    %and3A_836 = arith.andi %eq3A_832, %lt3A_835 : vector<4x2048xi1>
    %jit3A_837 = arith.constant 1.000000e+30 : f32
    %broadcast_in_dim3A_838 = vector.broadcast %jit3A_837 : f32 to vector<4x2048xf32>
    %select_n3A_839 = arith.select %and3A_836, %broadcast_in_dim3A_838, %select_n3A_829 : vector<4x2048xi1>, vector<4x2048xf32>
    %sub3A_840 = arith.subf %select_n3A_613, %select_n3A_583 : vector<4x2048xf32>
    %sub3A_841 = arith.subf %select_n3A_586, %select_n3A_616 : vector<4x2048xf32>
    %div3A_842 = arith.divf %sub3A_841, %sub3A_840 : vector<4x2048xf32>
    %gt3A_843 = arith.constant 0.000000e+00 : f32
    %gt3A_844 = vector.broadcast %gt3A_843 : f32 to vector<4x2048xf32>
    %gt3A_845 = arith.cmpf ogt, %sub3A_840, %gt3A_844 : vector<4x2048xf32>
    %min3A_846 = arith.minimumf %select_n3A_824, %div3A_842 : vector<4x2048xf32>
    %select_n3A_847 = arith.select %gt3A_845, %min3A_846, %select_n3A_824 : vector<4x2048xi1>, vector<4x2048xf32>
    %lt3A_848 = arith.constant 0.000000e+00 : f32
    %lt3A_849 = vector.broadcast %lt3A_848 : f32 to vector<4x2048xf32>
    %lt3A_850 = arith.cmpf olt, %sub3A_840, %lt3A_849 : vector<4x2048xf32>
    %max3A_851 = arith.maximumf %select_n3A_839, %div3A_842 : vector<4x2048xf32>
    %select_n3A_852 = arith.select %lt3A_850, %max3A_851, %select_n3A_839 : vector<4x2048xi1>, vector<4x2048xf32>
    %eq3A_853 = arith.constant 0.000000e+00 : f32
    %eq3A_854 = vector.broadcast %eq3A_853 : f32 to vector<4x2048xf32>
    %eq3A_855 = arith.cmpf oeq, %sub3A_840, %eq3A_854 : vector<4x2048xf32>
    %lt3A_856 = arith.constant 0.000000e+00 : f32
    %lt3A_857 = vector.broadcast %lt3A_856 : f32 to vector<4x2048xf32>
    %lt3A_858 = arith.cmpf olt, %sub3A_841, %lt3A_857 : vector<4x2048xf32>
    %and3A_859 = arith.andi %eq3A_855, %lt3A_858 : vector<4x2048xi1>
    %jit3A_860 = arith.constant 1.000000e+30 : f32
    %broadcast_in_dim3A_861 = vector.broadcast %jit3A_860 : f32 to vector<4x2048xf32>
    %select_n3A_862 = arith.select %and3A_859, %broadcast_in_dim3A_861, %select_n3A_852 : vector<4x2048xi1>, vector<4x2048xf32>
    %sub3A_863 = arith.subf %select_n3A_613, %select_n3A_617 : vector<4x2048xf32>
    %sub3A_864 = arith.subf %select_n3A_620, %select_n3A_616 : vector<4x2048xf32>
    %div3A_865 = arith.divf %sub3A_864, %sub3A_863 : vector<4x2048xf32>
    %gt3A_866 = arith.constant 0.000000e+00 : f32
    %gt3A_867 = vector.broadcast %gt3A_866 : f32 to vector<4x2048xf32>
    %gt3A_868 = arith.cmpf ogt, %sub3A_863, %gt3A_867 : vector<4x2048xf32>
    %min3A_869 = arith.minimumf %select_n3A_847, %div3A_865 : vector<4x2048xf32>
    %select_n3A_870 = arith.select %gt3A_868, %min3A_869, %select_n3A_847 : vector<4x2048xi1>, vector<4x2048xf32>
    %lt3A_871 = arith.constant 0.000000e+00 : f32
    %lt3A_872 = vector.broadcast %lt3A_871 : f32 to vector<4x2048xf32>
    %lt3A_873 = arith.cmpf olt, %sub3A_863, %lt3A_872 : vector<4x2048xf32>
    %max3A_874 = arith.maximumf %select_n3A_862, %div3A_865 : vector<4x2048xf32>
    %select_n3A_875 = arith.select %lt3A_873, %max3A_874, %select_n3A_862 : vector<4x2048xi1>, vector<4x2048xf32>
    %eq3A_876 = arith.constant 0.000000e+00 : f32
    %eq3A_877 = vector.broadcast %eq3A_876 : f32 to vector<4x2048xf32>
    %eq3A_878 = arith.cmpf oeq, %sub3A_863, %eq3A_877 : vector<4x2048xf32>
    %lt3A_879 = arith.constant 0.000000e+00 : f32
    %lt3A_880 = vector.broadcast %lt3A_879 : f32 to vector<4x2048xf32>
    %lt3A_881 = arith.cmpf olt, %sub3A_864, %lt3A_880 : vector<4x2048xf32>
    %and3A_882 = arith.andi %eq3A_878, %lt3A_881 : vector<4x2048xi1>
    %jit3A_883 = arith.constant 1.000000e+30 : f32
    %broadcast_in_dim3A_884 = vector.broadcast %jit3A_883 : f32 to vector<4x2048xf32>
    %select_n3A_885 = arith.select %and3A_882, %broadcast_in_dim3A_884, %select_n3A_875 : vector<4x2048xi1>, vector<4x2048xf32>
    %sub3A_886 = arith.subf %select_n3A_613, %select_n3A_651 : vector<4x2048xf32>
    %sub3A_887 = arith.subf %select_n3A_654, %select_n3A_616 : vector<4x2048xf32>
    %div3A_888 = arith.divf %sub3A_887, %sub3A_886 : vector<4x2048xf32>
    %gt3A_889 = arith.constant 0.000000e+00 : f32
    %gt3A_890 = vector.broadcast %gt3A_889 : f32 to vector<4x2048xf32>
    %gt3A_891 = arith.cmpf ogt, %sub3A_886, %gt3A_890 : vector<4x2048xf32>
    %min3A_892 = arith.minimumf %select_n3A_870, %div3A_888 : vector<4x2048xf32>
    %select_n3A_893 = arith.select %gt3A_891, %min3A_892, %select_n3A_870 : vector<4x2048xi1>, vector<4x2048xf32>
    %lt3A_894 = arith.constant 0.000000e+00 : f32
    %lt3A_895 = vector.broadcast %lt3A_894 : f32 to vector<4x2048xf32>
    %lt3A_896 = arith.cmpf olt, %sub3A_886, %lt3A_895 : vector<4x2048xf32>
    %max3A_897 = arith.maximumf %select_n3A_885, %div3A_888 : vector<4x2048xf32>
    %select_n3A_898 = arith.select %lt3A_896, %max3A_897, %select_n3A_885 : vector<4x2048xi1>, vector<4x2048xf32>
    %eq3A_899 = arith.constant 0.000000e+00 : f32
    %eq3A_900 = vector.broadcast %eq3A_899 : f32 to vector<4x2048xf32>
    %eq3A_901 = arith.cmpf oeq, %sub3A_886, %eq3A_900 : vector<4x2048xf32>
    %lt3A_902 = arith.constant 0.000000e+00 : f32
    %lt3A_903 = vector.broadcast %lt3A_902 : f32 to vector<4x2048xf32>
    %lt3A_904 = arith.cmpf olt, %sub3A_887, %lt3A_903 : vector<4x2048xf32>
    %and3A_905 = arith.andi %eq3A_901, %lt3A_904 : vector<4x2048xi1>
    %jit3A_906 = arith.constant 1.000000e+30 : f32
    %broadcast_in_dim3A_907 = vector.broadcast %jit3A_906 : f32 to vector<4x2048xf32>
    %select_n3A_908 = arith.select %and3A_905, %broadcast_in_dim3A_907, %select_n3A_898 : vector<4x2048xi1>, vector<4x2048xf32>
    %sub3A_909 = arith.subf %select_n3A_613, %select_n3A_685 : vector<4x2048xf32>
    %sub3A_910 = arith.subf %select_n3A_688, %select_n3A_616 : vector<4x2048xf32>
    %div3A_911 = arith.divf %sub3A_910, %sub3A_909 : vector<4x2048xf32>
    %gt3A_912 = arith.constant 0.000000e+00 : f32
    %gt3A_913 = vector.broadcast %gt3A_912 : f32 to vector<4x2048xf32>
    %gt3A_914 = arith.cmpf ogt, %sub3A_909, %gt3A_913 : vector<4x2048xf32>
    %min3A_915 = arith.minimumf %select_n3A_893, %div3A_911 : vector<4x2048xf32>
    %select_n3A_916 = arith.select %gt3A_914, %min3A_915, %select_n3A_893 : vector<4x2048xi1>, vector<4x2048xf32>
    %lt3A_917 = arith.constant 0.000000e+00 : f32
    %lt3A_918 = vector.broadcast %lt3A_917 : f32 to vector<4x2048xf32>
    %lt3A_919 = arith.cmpf olt, %sub3A_909, %lt3A_918 : vector<4x2048xf32>
    %max3A_920 = arith.maximumf %select_n3A_908, %div3A_911 : vector<4x2048xf32>
    %select_n3A_921 = arith.select %lt3A_919, %max3A_920, %select_n3A_908 : vector<4x2048xi1>, vector<4x2048xf32>
    %eq3A_922 = arith.constant 0.000000e+00 : f32
    %eq3A_923 = vector.broadcast %eq3A_922 : f32 to vector<4x2048xf32>
    %eq3A_924 = arith.cmpf oeq, %sub3A_909, %eq3A_923 : vector<4x2048xf32>
    %lt3A_925 = arith.constant 0.000000e+00 : f32
    %lt3A_926 = vector.broadcast %lt3A_925 : f32 to vector<4x2048xf32>
    %lt3A_927 = arith.cmpf olt, %sub3A_910, %lt3A_926 : vector<4x2048xf32>
    %and3A_928 = arith.andi %eq3A_924, %lt3A_927 : vector<4x2048xi1>
    %jit3A_929 = arith.constant 1.000000e+30 : f32
    %broadcast_in_dim3A_930 = vector.broadcast %jit3A_929 : f32 to vector<4x2048xf32>
    %select_n3A_931 = arith.select %and3A_928, %broadcast_in_dim3A_930, %select_n3A_921 : vector<4x2048xi1>, vector<4x2048xf32>
    %sub3A_932 = arith.subf %select_n3A_613, %select_n3A_719 : vector<4x2048xf32>
    %sub3A_933 = arith.subf %select_n3A_722, %select_n3A_616 : vector<4x2048xf32>
    %div3A_934 = arith.divf %sub3A_933, %sub3A_932 : vector<4x2048xf32>
    %gt3A_935 = arith.constant 0.000000e+00 : f32
    %gt3A_936 = vector.broadcast %gt3A_935 : f32 to vector<4x2048xf32>
    %gt3A_937 = arith.cmpf ogt, %sub3A_932, %gt3A_936 : vector<4x2048xf32>
    %min3A_938 = arith.minimumf %select_n3A_916, %div3A_934 : vector<4x2048xf32>
    %select_n3A_939 = arith.select %gt3A_937, %min3A_938, %select_n3A_916 : vector<4x2048xi1>, vector<4x2048xf32>
    %lt3A_940 = arith.constant 0.000000e+00 : f32
    %lt3A_941 = vector.broadcast %lt3A_940 : f32 to vector<4x2048xf32>
    %lt3A_942 = arith.cmpf olt, %sub3A_932, %lt3A_941 : vector<4x2048xf32>
    %max3A_943 = arith.maximumf %select_n3A_931, %div3A_934 : vector<4x2048xf32>
    %select_n3A_944 = arith.select %lt3A_942, %max3A_943, %select_n3A_931 : vector<4x2048xi1>, vector<4x2048xf32>
    %eq3A_945 = arith.constant 0.000000e+00 : f32
    %eq3A_946 = vector.broadcast %eq3A_945 : f32 to vector<4x2048xf32>
    %eq3A_947 = arith.cmpf oeq, %sub3A_932, %eq3A_946 : vector<4x2048xf32>
    %lt3A_948 = arith.constant 0.000000e+00 : f32
    %lt3A_949 = vector.broadcast %lt3A_948 : f32 to vector<4x2048xf32>
    %lt3A_950 = arith.cmpf olt, %sub3A_933, %lt3A_949 : vector<4x2048xf32>
    %and3A_951 = arith.andi %eq3A_947, %lt3A_950 : vector<4x2048xi1>
    %jit3A_952 = arith.constant 1.000000e+30 : f32
    %broadcast_in_dim3A_953 = vector.broadcast %jit3A_952 : f32 to vector<4x2048xf32>
    %select_n3A_954 = arith.select %and3A_951, %broadcast_in_dim3A_953, %select_n3A_944 : vector<4x2048xi1>, vector<4x2048xf32>
    %sub3A_955 = arith.subf %select_n3A_647, %select_n3A_583 : vector<4x2048xf32>
    %sub3A_956 = arith.subf %select_n3A_586, %select_n3A_650 : vector<4x2048xf32>
    %div3A_957 = arith.divf %sub3A_956, %sub3A_955 : vector<4x2048xf32>
    %gt3A_958 = arith.constant 0.000000e+00 : f32
    %gt3A_959 = vector.broadcast %gt3A_958 : f32 to vector<4x2048xf32>
    %gt3A_960 = arith.cmpf ogt, %sub3A_955, %gt3A_959 : vector<4x2048xf32>
    %min3A_961 = arith.minimumf %select_n3A_939, %div3A_957 : vector<4x2048xf32>
    %select_n3A_962 = arith.select %gt3A_960, %min3A_961, %select_n3A_939 : vector<4x2048xi1>, vector<4x2048xf32>
    %lt3A_963 = arith.constant 0.000000e+00 : f32
    %lt3A_964 = vector.broadcast %lt3A_963 : f32 to vector<4x2048xf32>
    %lt3A_965 = arith.cmpf olt, %sub3A_955, %lt3A_964 : vector<4x2048xf32>
    %max3A_966 = arith.maximumf %select_n3A_954, %div3A_957 : vector<4x2048xf32>
    %select_n3A_967 = arith.select %lt3A_965, %max3A_966, %select_n3A_954 : vector<4x2048xi1>, vector<4x2048xf32>
    %eq3A_968 = arith.constant 0.000000e+00 : f32
    %eq3A_969 = vector.broadcast %eq3A_968 : f32 to vector<4x2048xf32>
    %eq3A_970 = arith.cmpf oeq, %sub3A_955, %eq3A_969 : vector<4x2048xf32>
    %lt3A_971 = arith.constant 0.000000e+00 : f32
    %lt3A_972 = vector.broadcast %lt3A_971 : f32 to vector<4x2048xf32>
    %lt3A_973 = arith.cmpf olt, %sub3A_956, %lt3A_972 : vector<4x2048xf32>
    %and3A_974 = arith.andi %eq3A_970, %lt3A_973 : vector<4x2048xi1>
    %jit3A_975 = arith.constant 1.000000e+30 : f32
    %broadcast_in_dim3A_976 = vector.broadcast %jit3A_975 : f32 to vector<4x2048xf32>
    %select_n3A_977 = arith.select %and3A_974, %broadcast_in_dim3A_976, %select_n3A_967 : vector<4x2048xi1>, vector<4x2048xf32>
    %sub3A_978 = arith.subf %select_n3A_647, %select_n3A_617 : vector<4x2048xf32>
    %sub3A_979 = arith.subf %select_n3A_620, %select_n3A_650 : vector<4x2048xf32>
    %div3A_980 = arith.divf %sub3A_979, %sub3A_978 : vector<4x2048xf32>
    %gt3A_981 = arith.constant 0.000000e+00 : f32
    %gt3A_982 = vector.broadcast %gt3A_981 : f32 to vector<4x2048xf32>
    %gt3A_983 = arith.cmpf ogt, %sub3A_978, %gt3A_982 : vector<4x2048xf32>
    %min3A_984 = arith.minimumf %select_n3A_962, %div3A_980 : vector<4x2048xf32>
    %select_n3A_985 = arith.select %gt3A_983, %min3A_984, %select_n3A_962 : vector<4x2048xi1>, vector<4x2048xf32>
    %lt3A_986 = arith.constant 0.000000e+00 : f32
    %lt3A_987 = vector.broadcast %lt3A_986 : f32 to vector<4x2048xf32>
    %lt3A_988 = arith.cmpf olt, %sub3A_978, %lt3A_987 : vector<4x2048xf32>
    %max3A_989 = arith.maximumf %select_n3A_977, %div3A_980 : vector<4x2048xf32>
    %select_n3A_990 = arith.select %lt3A_988, %max3A_989, %select_n3A_977 : vector<4x2048xi1>, vector<4x2048xf32>
    %eq3A_991 = arith.constant 0.000000e+00 : f32
    %eq3A_992 = vector.broadcast %eq3A_991 : f32 to vector<4x2048xf32>
    %eq3A_993 = arith.cmpf oeq, %sub3A_978, %eq3A_992 : vector<4x2048xf32>
    %lt3A_994 = arith.constant 0.000000e+00 : f32
    %lt3A_995 = vector.broadcast %lt3A_994 : f32 to vector<4x2048xf32>
    %lt3A_996 = arith.cmpf olt, %sub3A_979, %lt3A_995 : vector<4x2048xf32>
    %and3A_997 = arith.andi %eq3A_993, %lt3A_996 : vector<4x2048xi1>
    %jit3A_998 = arith.constant 1.000000e+30 : f32
    %broadcast_in_dim3A_999 = vector.broadcast %jit3A_998 : f32 to vector<4x2048xf32>
    %select_n3A_1000 = arith.select %and3A_997, %broadcast_in_dim3A_999, %select_n3A_990 : vector<4x2048xi1>, vector<4x2048xf32>
    %sub3A_1001 = arith.subf %select_n3A_647, %select_n3A_651 : vector<4x2048xf32>
    %sub3A_1002 = arith.subf %select_n3A_654, %select_n3A_650 : vector<4x2048xf32>
    %div3A_1003 = arith.divf %sub3A_1002, %sub3A_1001 : vector<4x2048xf32>
    %gt3A_1004 = arith.constant 0.000000e+00 : f32
    %gt3A_1005 = vector.broadcast %gt3A_1004 : f32 to vector<4x2048xf32>
    %gt3A_1006 = arith.cmpf ogt, %sub3A_1001, %gt3A_1005 : vector<4x2048xf32>
    %min3A_1007 = arith.minimumf %select_n3A_985, %div3A_1003 : vector<4x2048xf32>
    %select_n3A_1008 = arith.select %gt3A_1006, %min3A_1007, %select_n3A_985 : vector<4x2048xi1>, vector<4x2048xf32>
    %lt3A_1009 = arith.constant 0.000000e+00 : f32
    %lt3A_1010 = vector.broadcast %lt3A_1009 : f32 to vector<4x2048xf32>
    %lt3A_1011 = arith.cmpf olt, %sub3A_1001, %lt3A_1010 : vector<4x2048xf32>
    %max3A_1012 = arith.maximumf %select_n3A_1000, %div3A_1003 : vector<4x2048xf32>
    %select_n3A_1013 = arith.select %lt3A_1011, %max3A_1012, %select_n3A_1000 : vector<4x2048xi1>, vector<4x2048xf32>
    %eq3A_1014 = arith.constant 0.000000e+00 : f32
    %eq3A_1015 = vector.broadcast %eq3A_1014 : f32 to vector<4x2048xf32>
    %eq3A_1016 = arith.cmpf oeq, %sub3A_1001, %eq3A_1015 : vector<4x2048xf32>
    %lt3A_1017 = arith.constant 0.000000e+00 : f32
    %lt3A_1018 = vector.broadcast %lt3A_1017 : f32 to vector<4x2048xf32>
    %lt3A_1019 = arith.cmpf olt, %sub3A_1002, %lt3A_1018 : vector<4x2048xf32>
    %and3A_1020 = arith.andi %eq3A_1016, %lt3A_1019 : vector<4x2048xi1>
    %jit3A_1021 = arith.constant 1.000000e+30 : f32
    %broadcast_in_dim3A_1022 = vector.broadcast %jit3A_1021 : f32 to vector<4x2048xf32>
    %select_n3A_1023 = arith.select %and3A_1020, %broadcast_in_dim3A_1022, %select_n3A_1013 : vector<4x2048xi1>, vector<4x2048xf32>
    %sub3A_1024 = arith.subf %select_n3A_647, %select_n3A_685 : vector<4x2048xf32>
    %sub3A_1025 = arith.subf %select_n3A_688, %select_n3A_650 : vector<4x2048xf32>
    %div3A_1026 = arith.divf %sub3A_1025, %sub3A_1024 : vector<4x2048xf32>
    %gt3A_1027 = arith.constant 0.000000e+00 : f32
    %gt3A_1028 = vector.broadcast %gt3A_1027 : f32 to vector<4x2048xf32>
    %gt3A_1029 = arith.cmpf ogt, %sub3A_1024, %gt3A_1028 : vector<4x2048xf32>
    %min3A_1030 = arith.minimumf %select_n3A_1008, %div3A_1026 : vector<4x2048xf32>
    %select_n3A_1031 = arith.select %gt3A_1029, %min3A_1030, %select_n3A_1008 : vector<4x2048xi1>, vector<4x2048xf32>
    %lt3A_1032 = arith.constant 0.000000e+00 : f32
    %lt3A_1033 = vector.broadcast %lt3A_1032 : f32 to vector<4x2048xf32>
    %lt3A_1034 = arith.cmpf olt, %sub3A_1024, %lt3A_1033 : vector<4x2048xf32>
    %max3A_1035 = arith.maximumf %select_n3A_1023, %div3A_1026 : vector<4x2048xf32>
    %select_n3A_1036 = arith.select %lt3A_1034, %max3A_1035, %select_n3A_1023 : vector<4x2048xi1>, vector<4x2048xf32>
    %eq3A_1037 = arith.constant 0.000000e+00 : f32
    %eq3A_1038 = vector.broadcast %eq3A_1037 : f32 to vector<4x2048xf32>
    %eq3A_1039 = arith.cmpf oeq, %sub3A_1024, %eq3A_1038 : vector<4x2048xf32>
    %lt3A_1040 = arith.constant 0.000000e+00 : f32
    %lt3A_1041 = vector.broadcast %lt3A_1040 : f32 to vector<4x2048xf32>
    %lt3A_1042 = arith.cmpf olt, %sub3A_1025, %lt3A_1041 : vector<4x2048xf32>
    %and3A_1043 = arith.andi %eq3A_1039, %lt3A_1042 : vector<4x2048xi1>
    %jit3A_1044 = arith.constant 1.000000e+30 : f32
    %broadcast_in_dim3A_1045 = vector.broadcast %jit3A_1044 : f32 to vector<4x2048xf32>
    %select_n3A_1046 = arith.select %and3A_1043, %broadcast_in_dim3A_1045, %select_n3A_1036 : vector<4x2048xi1>, vector<4x2048xf32>
    %sub3A_1047 = arith.subf %select_n3A_647, %select_n3A_719 : vector<4x2048xf32>
    %sub3A_1048 = arith.subf %select_n3A_722, %select_n3A_650 : vector<4x2048xf32>
    %div3A_1049 = arith.divf %sub3A_1048, %sub3A_1047 : vector<4x2048xf32>
    %gt3A_1050 = arith.constant 0.000000e+00 : f32
    %gt3A_1051 = vector.broadcast %gt3A_1050 : f32 to vector<4x2048xf32>
    %gt3A_1052 = arith.cmpf ogt, %sub3A_1047, %gt3A_1051 : vector<4x2048xf32>
    %min3A_1053 = arith.minimumf %select_n3A_1031, %div3A_1049 : vector<4x2048xf32>
    %select_n3A_1054 = arith.select %gt3A_1052, %min3A_1053, %select_n3A_1031 : vector<4x2048xi1>, vector<4x2048xf32>
    %lt3A_1055 = arith.constant 0.000000e+00 : f32
    %lt3A_1056 = vector.broadcast %lt3A_1055 : f32 to vector<4x2048xf32>
    %lt3A_1057 = arith.cmpf olt, %sub3A_1047, %lt3A_1056 : vector<4x2048xf32>
    %max3A_1058 = arith.maximumf %select_n3A_1046, %div3A_1049 : vector<4x2048xf32>
    %select_n3A_1059 = arith.select %lt3A_1057, %max3A_1058, %select_n3A_1046 : vector<4x2048xi1>, vector<4x2048xf32>
    %eq3A_1060 = arith.constant 0.000000e+00 : f32
    %eq3A_1061 = vector.broadcast %eq3A_1060 : f32 to vector<4x2048xf32>
    %eq3A_1062 = arith.cmpf oeq, %sub3A_1047, %eq3A_1061 : vector<4x2048xf32>
    %lt3A_1063 = arith.constant 0.000000e+00 : f32
    %lt3A_1064 = vector.broadcast %lt3A_1063 : f32 to vector<4x2048xf32>
    %lt3A_1065 = arith.cmpf olt, %sub3A_1048, %lt3A_1064 : vector<4x2048xf32>
    %and3A_1066 = arith.andi %eq3A_1062, %lt3A_1065 : vector<4x2048xi1>
    %jit3A_1067 = arith.constant 1.000000e+30 : f32
    %broadcast_in_dim3A_1068 = vector.broadcast %jit3A_1067 : f32 to vector<4x2048xf32>
    %select_n3A_1069 = arith.select %and3A_1066, %broadcast_in_dim3A_1068, %select_n3A_1059 : vector<4x2048xi1>, vector<4x2048xf32>
    %sub3A_1070 = arith.subf %select_n3A_681, %select_n3A_583 : vector<4x2048xf32>
    %sub3A_1071 = arith.subf %select_n3A_586, %select_n3A_684 : vector<4x2048xf32>
    %div3A_1072 = arith.divf %sub3A_1071, %sub3A_1070 : vector<4x2048xf32>
    %gt3A_1073 = arith.constant 0.000000e+00 : f32
    %gt3A_1074 = vector.broadcast %gt3A_1073 : f32 to vector<4x2048xf32>
    %gt3A_1075 = arith.cmpf ogt, %sub3A_1070, %gt3A_1074 : vector<4x2048xf32>
    %min3A_1076 = arith.minimumf %select_n3A_1054, %div3A_1072 : vector<4x2048xf32>
    %select_n3A_1077 = arith.select %gt3A_1075, %min3A_1076, %select_n3A_1054 : vector<4x2048xi1>, vector<4x2048xf32>
    %lt3A_1078 = arith.constant 0.000000e+00 : f32
    %lt3A_1079 = vector.broadcast %lt3A_1078 : f32 to vector<4x2048xf32>
    %lt3A_1080 = arith.cmpf olt, %sub3A_1070, %lt3A_1079 : vector<4x2048xf32>
    %max3A_1081 = arith.maximumf %select_n3A_1069, %div3A_1072 : vector<4x2048xf32>
    %select_n3A_1082 = arith.select %lt3A_1080, %max3A_1081, %select_n3A_1069 : vector<4x2048xi1>, vector<4x2048xf32>
    %eq3A_1083 = arith.constant 0.000000e+00 : f32
    %eq3A_1084 = vector.broadcast %eq3A_1083 : f32 to vector<4x2048xf32>
    %eq3A_1085 = arith.cmpf oeq, %sub3A_1070, %eq3A_1084 : vector<4x2048xf32>
    %lt3A_1086 = arith.constant 0.000000e+00 : f32
    %lt3A_1087 = vector.broadcast %lt3A_1086 : f32 to vector<4x2048xf32>
    %lt3A_1088 = arith.cmpf olt, %sub3A_1071, %lt3A_1087 : vector<4x2048xf32>
    %and3A_1089 = arith.andi %eq3A_1085, %lt3A_1088 : vector<4x2048xi1>
    %jit3A_1090 = arith.constant 1.000000e+30 : f32
    %broadcast_in_dim3A_1091 = vector.broadcast %jit3A_1090 : f32 to vector<4x2048xf32>
    %select_n3A_1092 = arith.select %and3A_1089, %broadcast_in_dim3A_1091, %select_n3A_1082 : vector<4x2048xi1>, vector<4x2048xf32>
    %sub3A_1093 = arith.subf %select_n3A_681, %select_n3A_617 : vector<4x2048xf32>
    %sub3A_1094 = arith.subf %select_n3A_620, %select_n3A_684 : vector<4x2048xf32>
    %div3A_1095 = arith.divf %sub3A_1094, %sub3A_1093 : vector<4x2048xf32>
    %gt3A_1096 = arith.constant 0.000000e+00 : f32
    %gt3A_1097 = vector.broadcast %gt3A_1096 : f32 to vector<4x2048xf32>
    %gt3A_1098 = arith.cmpf ogt, %sub3A_1093, %gt3A_1097 : vector<4x2048xf32>
    %min3A_1099 = arith.minimumf %select_n3A_1077, %div3A_1095 : vector<4x2048xf32>
    %select_n3A_1100 = arith.select %gt3A_1098, %min3A_1099, %select_n3A_1077 : vector<4x2048xi1>, vector<4x2048xf32>
    %lt3A_1101 = arith.constant 0.000000e+00 : f32
    %lt3A_1102 = vector.broadcast %lt3A_1101 : f32 to vector<4x2048xf32>
    %lt3A_1103 = arith.cmpf olt, %sub3A_1093, %lt3A_1102 : vector<4x2048xf32>
    %max3A_1104 = arith.maximumf %select_n3A_1092, %div3A_1095 : vector<4x2048xf32>
    %select_n3A_1105 = arith.select %lt3A_1103, %max3A_1104, %select_n3A_1092 : vector<4x2048xi1>, vector<4x2048xf32>
    %eq3A_1106 = arith.constant 0.000000e+00 : f32
    %eq3A_1107 = vector.broadcast %eq3A_1106 : f32 to vector<4x2048xf32>
    %eq3A_1108 = arith.cmpf oeq, %sub3A_1093, %eq3A_1107 : vector<4x2048xf32>
    %lt3A_1109 = arith.constant 0.000000e+00 : f32
    %lt3A_1110 = vector.broadcast %lt3A_1109 : f32 to vector<4x2048xf32>
    %lt3A_1111 = arith.cmpf olt, %sub3A_1094, %lt3A_1110 : vector<4x2048xf32>
    %and3A_1112 = arith.andi %eq3A_1108, %lt3A_1111 : vector<4x2048xi1>
    %jit3A_1113 = arith.constant 1.000000e+30 : f32
    %broadcast_in_dim3A_1114 = vector.broadcast %jit3A_1113 : f32 to vector<4x2048xf32>
    %select_n3A_1115 = arith.select %and3A_1112, %broadcast_in_dim3A_1114, %select_n3A_1105 : vector<4x2048xi1>, vector<4x2048xf32>
    %sub3A_1116 = arith.subf %select_n3A_681, %select_n3A_651 : vector<4x2048xf32>
    %sub3A_1117 = arith.subf %select_n3A_654, %select_n3A_684 : vector<4x2048xf32>
    %div3A_1118 = arith.divf %sub3A_1117, %sub3A_1116 : vector<4x2048xf32>
    %gt3A_1119 = arith.constant 0.000000e+00 : f32
    %gt3A_1120 = vector.broadcast %gt3A_1119 : f32 to vector<4x2048xf32>
    %gt3A_1121 = arith.cmpf ogt, %sub3A_1116, %gt3A_1120 : vector<4x2048xf32>
    %min3A_1122 = arith.minimumf %select_n3A_1100, %div3A_1118 : vector<4x2048xf32>
    %select_n3A_1123 = arith.select %gt3A_1121, %min3A_1122, %select_n3A_1100 : vector<4x2048xi1>, vector<4x2048xf32>
    %lt3A_1124 = arith.constant 0.000000e+00 : f32
    %lt3A_1125 = vector.broadcast %lt3A_1124 : f32 to vector<4x2048xf32>
    %lt3A_1126 = arith.cmpf olt, %sub3A_1116, %lt3A_1125 : vector<4x2048xf32>
    %max3A_1127 = arith.maximumf %select_n3A_1115, %div3A_1118 : vector<4x2048xf32>
    %select_n3A_1128 = arith.select %lt3A_1126, %max3A_1127, %select_n3A_1115 : vector<4x2048xi1>, vector<4x2048xf32>
    %eq3A_1129 = arith.constant 0.000000e+00 : f32
    %eq3A_1130 = vector.broadcast %eq3A_1129 : f32 to vector<4x2048xf32>
    %eq3A_1131 = arith.cmpf oeq, %sub3A_1116, %eq3A_1130 : vector<4x2048xf32>
    %lt3A_1132 = arith.constant 0.000000e+00 : f32
    %lt3A_1133 = vector.broadcast %lt3A_1132 : f32 to vector<4x2048xf32>
    %lt3A_1134 = arith.cmpf olt, %sub3A_1117, %lt3A_1133 : vector<4x2048xf32>
    %and3A_1135 = arith.andi %eq3A_1131, %lt3A_1134 : vector<4x2048xi1>
    %jit3A_1136 = arith.constant 1.000000e+30 : f32
    %broadcast_in_dim3A_1137 = vector.broadcast %jit3A_1136 : f32 to vector<4x2048xf32>
    %select_n3A_1138 = arith.select %and3A_1135, %broadcast_in_dim3A_1137, %select_n3A_1128 : vector<4x2048xi1>, vector<4x2048xf32>
    %sub3A_1139 = arith.subf %select_n3A_681, %select_n3A_685 : vector<4x2048xf32>
    %sub3A_1140 = arith.subf %select_n3A_688, %select_n3A_684 : vector<4x2048xf32>
    %div3A_1141 = arith.divf %sub3A_1140, %sub3A_1139 : vector<4x2048xf32>
    %gt3A_1142 = arith.constant 0.000000e+00 : f32
    %gt3A_1143 = vector.broadcast %gt3A_1142 : f32 to vector<4x2048xf32>
    %gt3A_1144 = arith.cmpf ogt, %sub3A_1139, %gt3A_1143 : vector<4x2048xf32>
    %min3A_1145 = arith.minimumf %select_n3A_1123, %div3A_1141 : vector<4x2048xf32>
    %select_n3A_1146 = arith.select %gt3A_1144, %min3A_1145, %select_n3A_1123 : vector<4x2048xi1>, vector<4x2048xf32>
    %lt3A_1147 = arith.constant 0.000000e+00 : f32
    %lt3A_1148 = vector.broadcast %lt3A_1147 : f32 to vector<4x2048xf32>
    %lt3A_1149 = arith.cmpf olt, %sub3A_1139, %lt3A_1148 : vector<4x2048xf32>
    %max3A_1150 = arith.maximumf %select_n3A_1138, %div3A_1141 : vector<4x2048xf32>
    %select_n3A_1151 = arith.select %lt3A_1149, %max3A_1150, %select_n3A_1138 : vector<4x2048xi1>, vector<4x2048xf32>
    %eq3A_1152 = arith.constant 0.000000e+00 : f32
    %eq3A_1153 = vector.broadcast %eq3A_1152 : f32 to vector<4x2048xf32>
    %eq3A_1154 = arith.cmpf oeq, %sub3A_1139, %eq3A_1153 : vector<4x2048xf32>
    %lt3A_1155 = arith.constant 0.000000e+00 : f32
    %lt3A_1156 = vector.broadcast %lt3A_1155 : f32 to vector<4x2048xf32>
    %lt3A_1157 = arith.cmpf olt, %sub3A_1140, %lt3A_1156 : vector<4x2048xf32>
    %and3A_1158 = arith.andi %eq3A_1154, %lt3A_1157 : vector<4x2048xi1>
    %jit3A_1159 = arith.constant 1.000000e+30 : f32
    %broadcast_in_dim3A_1160 = vector.broadcast %jit3A_1159 : f32 to vector<4x2048xf32>
    %select_n3A_1161 = arith.select %and3A_1158, %broadcast_in_dim3A_1160, %select_n3A_1151 : vector<4x2048xi1>, vector<4x2048xf32>
    %sub3A_1162 = arith.subf %select_n3A_681, %select_n3A_719 : vector<4x2048xf32>
    %sub3A_1163 = arith.subf %select_n3A_722, %select_n3A_684 : vector<4x2048xf32>
    %div3A_1164 = arith.divf %sub3A_1163, %sub3A_1162 : vector<4x2048xf32>
    %gt3A_1165 = arith.constant 0.000000e+00 : f32
    %gt3A_1166 = vector.broadcast %gt3A_1165 : f32 to vector<4x2048xf32>
    %gt3A_1167 = arith.cmpf ogt, %sub3A_1162, %gt3A_1166 : vector<4x2048xf32>
    %min3A_1168 = arith.minimumf %select_n3A_1146, %div3A_1164 : vector<4x2048xf32>
    %select_n3A_1169 = arith.select %gt3A_1167, %min3A_1168, %select_n3A_1146 : vector<4x2048xi1>, vector<4x2048xf32>
    %lt3A_1170 = arith.constant 0.000000e+00 : f32
    %lt3A_1171 = vector.broadcast %lt3A_1170 : f32 to vector<4x2048xf32>
    %lt3A_1172 = arith.cmpf olt, %sub3A_1162, %lt3A_1171 : vector<4x2048xf32>
    %max3A_1173 = arith.maximumf %select_n3A_1161, %div3A_1164 : vector<4x2048xf32>
    %select_n3A_1174 = arith.select %lt3A_1172, %max3A_1173, %select_n3A_1161 : vector<4x2048xi1>, vector<4x2048xf32>
    %eq3A_1175 = arith.constant 0.000000e+00 : f32
    %eq3A_1176 = vector.broadcast %eq3A_1175 : f32 to vector<4x2048xf32>
    %eq3A_1177 = arith.cmpf oeq, %sub3A_1162, %eq3A_1176 : vector<4x2048xf32>
    %lt3A_1178 = arith.constant 0.000000e+00 : f32
    %lt3A_1179 = vector.broadcast %lt3A_1178 : f32 to vector<4x2048xf32>
    %lt3A_1180 = arith.cmpf olt, %sub3A_1163, %lt3A_1179 : vector<4x2048xf32>
    %and3A_1181 = arith.andi %eq3A_1177, %lt3A_1180 : vector<4x2048xi1>
    %jit3A_1182 = arith.constant 1.000000e+30 : f32
    %broadcast_in_dim3A_1183 = vector.broadcast %jit3A_1182 : f32 to vector<4x2048xf32>
    %select_n3A_1184 = arith.select %and3A_1181, %broadcast_in_dim3A_1183, %select_n3A_1174 : vector<4x2048xi1>, vector<4x2048xf32>
    %sub3A_1185 = arith.subf %select_n3A_715, %select_n3A_583 : vector<4x2048xf32>
    %sub3A_1186 = arith.subf %select_n3A_586, %select_n3A_718 : vector<4x2048xf32>
    %div3A_1187 = arith.divf %sub3A_1186, %sub3A_1185 : vector<4x2048xf32>
    %gt3A_1188 = arith.constant 0.000000e+00 : f32
    %gt3A_1189 = vector.broadcast %gt3A_1188 : f32 to vector<4x2048xf32>
    %gt3A_1190 = arith.cmpf ogt, %sub3A_1185, %gt3A_1189 : vector<4x2048xf32>
    %min3A_1191 = arith.minimumf %select_n3A_1169, %div3A_1187 : vector<4x2048xf32>
    %select_n3A_1192 = arith.select %gt3A_1190, %min3A_1191, %select_n3A_1169 : vector<4x2048xi1>, vector<4x2048xf32>
    %lt3A_1193 = arith.constant 0.000000e+00 : f32
    %lt3A_1194 = vector.broadcast %lt3A_1193 : f32 to vector<4x2048xf32>
    %lt3A_1195 = arith.cmpf olt, %sub3A_1185, %lt3A_1194 : vector<4x2048xf32>
    %max3A_1196 = arith.maximumf %select_n3A_1184, %div3A_1187 : vector<4x2048xf32>
    %select_n3A_1197 = arith.select %lt3A_1195, %max3A_1196, %select_n3A_1184 : vector<4x2048xi1>, vector<4x2048xf32>
    %eq3A_1198 = arith.constant 0.000000e+00 : f32
    %eq3A_1199 = vector.broadcast %eq3A_1198 : f32 to vector<4x2048xf32>
    %eq3A_1200 = arith.cmpf oeq, %sub3A_1185, %eq3A_1199 : vector<4x2048xf32>
    %lt3A_1201 = arith.constant 0.000000e+00 : f32
    %lt3A_1202 = vector.broadcast %lt3A_1201 : f32 to vector<4x2048xf32>
    %lt3A_1203 = arith.cmpf olt, %sub3A_1186, %lt3A_1202 : vector<4x2048xf32>
    %and3A_1204 = arith.andi %eq3A_1200, %lt3A_1203 : vector<4x2048xi1>
    %jit3A_1205 = arith.constant 1.000000e+30 : f32
    %broadcast_in_dim3A_1206 = vector.broadcast %jit3A_1205 : f32 to vector<4x2048xf32>
    %select_n3A_1207 = arith.select %and3A_1204, %broadcast_in_dim3A_1206, %select_n3A_1197 : vector<4x2048xi1>, vector<4x2048xf32>
    %sub3A_1208 = arith.subf %select_n3A_715, %select_n3A_617 : vector<4x2048xf32>
    %sub3A_1209 = arith.subf %select_n3A_620, %select_n3A_718 : vector<4x2048xf32>
    %div3A_1210 = arith.divf %sub3A_1209, %sub3A_1208 : vector<4x2048xf32>
    %gt3A_1211 = arith.constant 0.000000e+00 : f32
    %gt3A_1212 = vector.broadcast %gt3A_1211 : f32 to vector<4x2048xf32>
    %gt3A_1213 = arith.cmpf ogt, %sub3A_1208, %gt3A_1212 : vector<4x2048xf32>
    %min3A_1214 = arith.minimumf %select_n3A_1192, %div3A_1210 : vector<4x2048xf32>
    %select_n3A_1215 = arith.select %gt3A_1213, %min3A_1214, %select_n3A_1192 : vector<4x2048xi1>, vector<4x2048xf32>
    %lt3A_1216 = arith.constant 0.000000e+00 : f32
    %lt3A_1217 = vector.broadcast %lt3A_1216 : f32 to vector<4x2048xf32>
    %lt3A_1218 = arith.cmpf olt, %sub3A_1208, %lt3A_1217 : vector<4x2048xf32>
    %max3A_1219 = arith.maximumf %select_n3A_1207, %div3A_1210 : vector<4x2048xf32>
    %select_n3A_1220 = arith.select %lt3A_1218, %max3A_1219, %select_n3A_1207 : vector<4x2048xi1>, vector<4x2048xf32>
    %eq3A_1221 = arith.constant 0.000000e+00 : f32
    %eq3A_1222 = vector.broadcast %eq3A_1221 : f32 to vector<4x2048xf32>
    %eq3A_1223 = arith.cmpf oeq, %sub3A_1208, %eq3A_1222 : vector<4x2048xf32>
    %lt3A_1224 = arith.constant 0.000000e+00 : f32
    %lt3A_1225 = vector.broadcast %lt3A_1224 : f32 to vector<4x2048xf32>
    %lt3A_1226 = arith.cmpf olt, %sub3A_1209, %lt3A_1225 : vector<4x2048xf32>
    %and3A_1227 = arith.andi %eq3A_1223, %lt3A_1226 : vector<4x2048xi1>
    %jit3A_1228 = arith.constant 1.000000e+30 : f32
    %broadcast_in_dim3A_1229 = vector.broadcast %jit3A_1228 : f32 to vector<4x2048xf32>
    %select_n3A_1230 = arith.select %and3A_1227, %broadcast_in_dim3A_1229, %select_n3A_1220 : vector<4x2048xi1>, vector<4x2048xf32>
    %sub3A_1231 = arith.subf %select_n3A_715, %select_n3A_651 : vector<4x2048xf32>
    %sub3A_1232 = arith.subf %select_n3A_654, %select_n3A_718 : vector<4x2048xf32>
    %div3A_1233 = arith.divf %sub3A_1232, %sub3A_1231 : vector<4x2048xf32>
    %gt3A_1234 = arith.constant 0.000000e+00 : f32
    %gt3A_1235 = vector.broadcast %gt3A_1234 : f32 to vector<4x2048xf32>
    %gt3A_1236 = arith.cmpf ogt, %sub3A_1231, %gt3A_1235 : vector<4x2048xf32>
    %min3A_1237 = arith.minimumf %select_n3A_1215, %div3A_1233 : vector<4x2048xf32>
    %select_n3A_1238 = arith.select %gt3A_1236, %min3A_1237, %select_n3A_1215 : vector<4x2048xi1>, vector<4x2048xf32>
    %lt3A_1239 = arith.constant 0.000000e+00 : f32
    %lt3A_1240 = vector.broadcast %lt3A_1239 : f32 to vector<4x2048xf32>
    %lt3A_1241 = arith.cmpf olt, %sub3A_1231, %lt3A_1240 : vector<4x2048xf32>
    %max3A_1242 = arith.maximumf %select_n3A_1230, %div3A_1233 : vector<4x2048xf32>
    %select_n3A_1243 = arith.select %lt3A_1241, %max3A_1242, %select_n3A_1230 : vector<4x2048xi1>, vector<4x2048xf32>
    %eq3A_1244 = arith.constant 0.000000e+00 : f32
    %eq3A_1245 = vector.broadcast %eq3A_1244 : f32 to vector<4x2048xf32>
    %eq3A_1246 = arith.cmpf oeq, %sub3A_1231, %eq3A_1245 : vector<4x2048xf32>
    %lt3A_1247 = arith.constant 0.000000e+00 : f32
    %lt3A_1248 = vector.broadcast %lt3A_1247 : f32 to vector<4x2048xf32>
    %lt3A_1249 = arith.cmpf olt, %sub3A_1232, %lt3A_1248 : vector<4x2048xf32>
    %and3A_1250 = arith.andi %eq3A_1246, %lt3A_1249 : vector<4x2048xi1>
    %jit3A_1251 = arith.constant 1.000000e+30 : f32
    %broadcast_in_dim3A_1252 = vector.broadcast %jit3A_1251 : f32 to vector<4x2048xf32>
    %select_n3A_1253 = arith.select %and3A_1250, %broadcast_in_dim3A_1252, %select_n3A_1243 : vector<4x2048xi1>, vector<4x2048xf32>
    %sub3A_1254 = arith.subf %select_n3A_715, %select_n3A_685 : vector<4x2048xf32>
    %sub3A_1255 = arith.subf %select_n3A_688, %select_n3A_718 : vector<4x2048xf32>
    %div3A_1256 = arith.divf %sub3A_1255, %sub3A_1254 : vector<4x2048xf32>
    %gt3A_1257 = arith.constant 0.000000e+00 : f32
    %gt3A_1258 = vector.broadcast %gt3A_1257 : f32 to vector<4x2048xf32>
    %gt3A_1259 = arith.cmpf ogt, %sub3A_1254, %gt3A_1258 : vector<4x2048xf32>
    %min3A_1260 = arith.minimumf %select_n3A_1238, %div3A_1256 : vector<4x2048xf32>
    %select_n3A_1261 = arith.select %gt3A_1259, %min3A_1260, %select_n3A_1238 : vector<4x2048xi1>, vector<4x2048xf32>
    %lt3A_1262 = arith.constant 0.000000e+00 : f32
    %lt3A_1263 = vector.broadcast %lt3A_1262 : f32 to vector<4x2048xf32>
    %lt3A_1264 = arith.cmpf olt, %sub3A_1254, %lt3A_1263 : vector<4x2048xf32>
    %max3A_1265 = arith.maximumf %select_n3A_1253, %div3A_1256 : vector<4x2048xf32>
    %select_n3A_1266 = arith.select %lt3A_1264, %max3A_1265, %select_n3A_1253 : vector<4x2048xi1>, vector<4x2048xf32>
    %eq3A_1267 = arith.constant 0.000000e+00 : f32
    %eq3A_1268 = vector.broadcast %eq3A_1267 : f32 to vector<4x2048xf32>
    %eq3A_1269 = arith.cmpf oeq, %sub3A_1254, %eq3A_1268 : vector<4x2048xf32>
    %lt3A_1270 = arith.constant 0.000000e+00 : f32
    %lt3A_1271 = vector.broadcast %lt3A_1270 : f32 to vector<4x2048xf32>
    %lt3A_1272 = arith.cmpf olt, %sub3A_1255, %lt3A_1271 : vector<4x2048xf32>
    %and3A_1273 = arith.andi %eq3A_1269, %lt3A_1272 : vector<4x2048xi1>
    %jit3A_1274 = arith.constant 1.000000e+30 : f32
    %broadcast_in_dim3A_1275 = vector.broadcast %jit3A_1274 : f32 to vector<4x2048xf32>
    %select_n3A_1276 = arith.select %and3A_1273, %broadcast_in_dim3A_1275, %select_n3A_1266 : vector<4x2048xi1>, vector<4x2048xf32>
    %sub3A_1277 = arith.subf %select_n3A_715, %select_n3A_719 : vector<4x2048xf32>
    %sub3A_1278 = arith.subf %select_n3A_722, %select_n3A_718 : vector<4x2048xf32>
    %div3A_1279 = arith.divf %sub3A_1278, %sub3A_1277 : vector<4x2048xf32>
    %gt3A_1280 = arith.constant 0.000000e+00 : f32
    %gt3A_1281 = vector.broadcast %gt3A_1280 : f32 to vector<4x2048xf32>
    %gt3A_1282 = arith.cmpf ogt, %sub3A_1277, %gt3A_1281 : vector<4x2048xf32>
    %min3A_1283 = arith.minimumf %select_n3A_1261, %div3A_1279 : vector<4x2048xf32>
    %select_n3A_1284 = arith.select %gt3A_1282, %min3A_1283, %select_n3A_1261 : vector<4x2048xi1>, vector<4x2048xf32>
    %lt3A_1285 = arith.constant 0.000000e+00 : f32
    %lt3A_1286 = vector.broadcast %lt3A_1285 : f32 to vector<4x2048xf32>
    %lt3A_1287 = arith.cmpf olt, %sub3A_1277, %lt3A_1286 : vector<4x2048xf32>
    %max3A_1288 = arith.maximumf %select_n3A_1276, %div3A_1279 : vector<4x2048xf32>
    %select_n3A_1289 = arith.select %lt3A_1287, %max3A_1288, %select_n3A_1276 : vector<4x2048xi1>, vector<4x2048xf32>
    %eq3A_1290 = arith.constant 0.000000e+00 : f32
    %eq3A_1291 = vector.broadcast %eq3A_1290 : f32 to vector<4x2048xf32>
    %eq3A_1292 = arith.cmpf oeq, %sub3A_1277, %eq3A_1291 : vector<4x2048xf32>
    %lt3A_1293 = arith.constant 0.000000e+00 : f32
    %lt3A_1294 = vector.broadcast %lt3A_1293 : f32 to vector<4x2048xf32>
    %lt3A_1295 = arith.cmpf olt, %sub3A_1278, %lt3A_1294 : vector<4x2048xf32>
    %and3A_1296 = arith.andi %eq3A_1292, %lt3A_1295 : vector<4x2048xi1>
    %jit3A_1297 = arith.constant 1.000000e+30 : f32
    %broadcast_in_dim3A_1298 = vector.broadcast %jit3A_1297 : f32 to vector<4x2048xf32>
    %select_n3A_1299 = arith.select %and3A_1296, %broadcast_in_dim3A_1298, %select_n3A_1289 : vector<4x2048xi1>, vector<4x2048xf32>
    %mul3A_1300 = arith.constant 2.560000e+02 : f32
    %mul3A_1301 = vector.broadcast %mul3A_1300 : f32 to vector<4x2048xf32>
    %mul3A_1302 = arith.mulf %mul3A_1301, %select_n3A_1299 : vector<4x2048xf32>
    %add3A_1303 = arith.constant 2.550000e+02 : f32
    %add3A_1304 = vector.broadcast %add3A_1303 : f32 to vector<4x2048xf32>
    %add3A_1305 = arith.addf %mul3A_1302, %add3A_1304 : vector<4x2048xf32>
    %mul3A_1306 = arith.constant 5.000000e-01 : f32
    %mul3A_1307 = vector.broadcast %mul3A_1306 : f32 to vector<4x2048xf32>
    %mul3A_1308 = arith.mulf %add3A_1305, %mul3A_1307 : vector<4x2048xf32>
    %jit3A_1309 = arith.constant -2.000000e+00 : f32
    %jit3A_1310 = arith.constant 3.000000e+02 : f32
    %max3A_1311 = vector.broadcast %jit3A_1309 : f32 to vector<4x2048xf32>
    %max3A_1312 = arith.maximumf %max3A_1311, %mul3A_1308 : vector<4x2048xf32>
    %min3A_1313 = vector.broadcast %jit3A_1310 : f32 to vector<4x2048xf32>
    %min3A_1314 = arith.minimumf %min3A_1313, %max3A_1312 : vector<4x2048xf32>
    %mul3A_1315 = arith.constant 2.560000e+02 : f32
    %mul3A_1316 = vector.broadcast %mul3A_1315 : f32 to vector<4x2048xf32>
    %mul3A_1317 = arith.mulf %mul3A_1316, %select_n3A_1284 : vector<4x2048xf32>
    %add3A_1318 = arith.constant 2.550000e+02 : f32
    %add3A_1319 = vector.broadcast %add3A_1318 : f32 to vector<4x2048xf32>
    %add3A_1320 = arith.addf %mul3A_1317, %add3A_1319 : vector<4x2048xf32>
    %mul3A_1321 = arith.constant 5.000000e-01 : f32
    %mul3A_1322 = vector.broadcast %mul3A_1321 : f32 to vector<4x2048xf32>
    %mul3A_1323 = arith.mulf %add3A_1320, %mul3A_1322 : vector<4x2048xf32>
    %jit3A_1324 = arith.constant -2.000000e+00 : f32
    %jit3A_1325 = arith.constant 3.000000e+02 : f32
    %max3A_1326 = vector.broadcast %jit3A_1324 : f32 to vector<4x2048xf32>
    %max3A_1327 = arith.maximumf %max3A_1326, %mul3A_1323 : vector<4x2048xf32>
    %min3A_1328 = vector.broadcast %jit3A_1325 : f32 to vector<4x2048xf32>
    %min3A_1329 = arith.minimumf %min3A_1328, %max3A_1327 : vector<4x2048xf32>
    %jit3A_1330 = arith.constant 3.000000e+02 : f32
    %broadcast_in_dim3A_1331 = vector.broadcast %jit3A_1330 : f32 to vector<4x2048xf32>
    %select_n3A_1332 = arith.select %gt3A_63, %min3A_1314, %broadcast_in_dim3A_1331 : vector<4x2048xi1>, vector<4x2048xf32>
    %swap3A_1333 = arith.constant 15 : index
    %swap3A_1334 = arith.constant 0 : index
    %swap3A_1335 = arith.constant 0 : index
    %swap3A_1336 = vector.load %arg1[%swap3A_1333, %swap3A_1334, %swap3A_1335] : memref<48x4x2048xf32, #tpu.memory_space<vmem>>, vector<1x4x2048xf32>
    %swap3A_1337 = vector.shape_cast %swap3A_1336 : vector<1x4x2048xf32> to vector<4x2048xf32>
    %swap3A_1338 = vector.shape_cast %select_n3A_1332 : vector<4x2048xf32> to vector<1x4x2048xf32>
    tpu.vector_store %arg1[%swap3A_1333, %swap3A_1334, %swap3A_1335], %swap3A_1338 {strides = array<i32>} : memref<48x4x2048xf32, #tpu.memory_space<vmem>>, vector<1x4x2048xf32>,
    %jit3A_1339 = arith.constant -2.000000e+00 : f32
    %broadcast_in_dim3A_1340 = vector.broadcast %jit3A_1339 : f32 to vector<4x2048xf32>
    %select_n3A_1341 = arith.select %gt3A_63, %min3A_1329, %broadcast_in_dim3A_1340 : vector<4x2048xi1>, vector<4x2048xf32>
    %swap3A_1342 = arith.constant 26 : index
    %swap3A_1343 = arith.constant 0 : index
    %swap3A_1344 = arith.constant 0 : index
    %swap3A_1345 = vector.load %arg1[%swap3A_1342, %swap3A_1343, %swap3A_1344] : memref<48x4x2048xf32, #tpu.memory_space<vmem>>, vector<1x4x2048xf32>
    %swap3A_1346 = vector.shape_cast %swap3A_1345 : vector<1x4x2048xf32> to vector<4x2048xf32>
    %swap3A_1347 = vector.shape_cast %select_n3A_1341 : vector<4x2048xf32> to vector<1x4x2048xf32>
    tpu.vector_store %arg1[%swap3A_1342, %swap3A_1343, %swap3A_1344], %swap3A_1347 {strides = array<i32>} : memref<48x4x2048xf32, #tpu.memory_space<vmem>>, vector<1x4x2048xf32>,
    %swap3A_1348 = arith.constant 27 : index
    %swap3A_1349 = arith.constant 0 : index
    %swap3A_1350 = arith.constant 0 : index
    %swap3A_1351 = vector.load %arg1[%swap3A_1348, %swap3A_1349, %swap3A_1350] : memref<48x4x2048xf32, #tpu.memory_space<vmem>>, vector<1x4x2048xf32>
    %swap3A_1352 = vector.shape_cast %swap3A_1351 : vector<1x4x2048xf32> to vector<4x2048xf32>
    %swap3A_1353 = vector.shape_cast %broadcast_in_dim3A_266 : vector<4x2048xf32> to vector<1x4x2048xf32>
    tpu.vector_store %arg1[%swap3A_1348, %swap3A_1349, %swap3A_1350], %swap3A_1353 {strides = array<i32>} : memref<48x4x2048xf32, #tpu.memory_space<vmem>>, vector<1x4x2048xf32>,
    %swap3A_1354 = arith.constant 28 : index
    %swap3A_1355 = arith.constant 0 : index
    %swap3A_1356 = arith.constant 0 : index
    %swap3A_1357 = vector.load %arg1[%swap3A_1354, %swap3A_1355, %swap3A_1356] : memref<48x4x2048xf32, #tpu.memory_space<vmem>>, vector<1x4x2048xf32>
    %swap3A_1358 = vector.shape_cast %swap3A_1357 : vector<1x4x2048xf32> to vector<4x2048xf32>
    %swap3A_1359 = vector.shape_cast %broadcast_in_dim3A_266 : vector<4x2048xf32> to vector<1x4x2048xf32>
    tpu.vector_store %arg1[%swap3A_1354, %swap3A_1355, %swap3A_1356], %swap3A_1359 {strides = array<i32>} : memref<48x4x2048xf32, #tpu.memory_space<vmem>>, vector<1x4x2048xf32>,
    %swap3A_1360 = arith.constant 29 : index
    %swap3A_1361 = arith.constant 0 : index
    %swap3A_1362 = arith.constant 0 : index
    %swap3A_1363 = vector.load %arg1[%swap3A_1360, %swap3A_1361, %swap3A_1362] : memref<48x4x2048xf32, #tpu.memory_space<vmem>>, vector<1x4x2048xf32>
    %swap3A_1364 = vector.shape_cast %swap3A_1363 : vector<1x4x2048xf32> to vector<4x2048xf32>
    %swap3A_1365 = vector.shape_cast %broadcast_in_dim3A_266 : vector<4x2048xf32> to vector<1x4x2048xf32>
    tpu.vector_store %arg1[%swap3A_1360, %swap3A_1361, %swap3A_1362], %swap3A_1365 {strides = array<i32>} : memref<48x4x2048xf32, #tpu.memory_space<vmem>>, vector<1x4x2048xf32>,
    %swap3A_1366 = arith.constant 30 : index
    %swap3A_1367 = arith.constant 0 : index
    %swap3A_1368 = arith.constant 0 : index
    %swap3A_1369 = vector.load %arg1[%swap3A_1366, %swap3A_1367, %swap3A_1368] : memref<48x4x2048xf32, #tpu.memory_space<vmem>>, vector<1x4x2048xf32>
    %swap3A_1370 = vector.shape_cast %swap3A_1369 : vector<1x4x2048xf32> to vector<4x2048xf32>
    %swap3A_1371 = vector.shape_cast %broadcast_in_dim3A_266 : vector<4x2048xf32> to vector<1x4x2048xf32>
    tpu.vector_store %arg1[%swap3A_1366, %swap3A_1367, %swap3A_1368], %swap3A_1371 {strides = array<i32>} : memref<48x4x2048xf32, #tpu.memory_space<vmem>>, vector<1x4x2048xf32>,
    %swap3A_1372 = arith.constant 31 : index
    %swap3A_1373 = arith.constant 0 : index
    %swap3A_1374 = arith.constant 0 : index
    %swap3A_1375 = vector.load %arg1[%swap3A_1372, %swap3A_1373, %swap3A_1374] : memref<48x4x2048xf32, #tpu.memory_space<vmem>>, vector<1x4x2048xf32>
    %swap3A_1376 = vector.shape_cast %swap3A_1375 : vector<1x4x2048xf32> to vector<4x2048xf32>
    %swap3A_1377 = vector.shape_cast %broadcast_in_dim3A_266 : vector<4x2048xf32> to vector<1x4x2048xf32>
    tpu.vector_store %arg1[%swap3A_1372, %swap3A_1373, %swap3A_1374], %swap3A_1377 {strides = array<i32>} : memref<48x4x2048xf32, #tpu.memory_space<vmem>>, vector<1x4x2048xf32>,
    %swap3A_1378 = arith.constant 42 : index
    %swap3A_1379 = arith.constant 0 : index
    %swap3A_1380 = arith.constant 0 : index
    %swap3A_1381 = vector.load %arg1[%swap3A_1378, %swap3A_1379, %swap3A_1380] : memref<48x4x2048xf32, #tpu.memory_space<vmem>>, vector<1x4x2048xf32>
    %swap3A_1382 = vector.shape_cast %swap3A_1381 : vector<1x4x2048xf32> to vector<4x2048xf32>
    %swap3A_1383 = vector.shape_cast %broadcast_in_dim3A_266 : vector<4x2048xf32> to vector<1x4x2048xf32>
    tpu.vector_store %arg1[%swap3A_1378, %swap3A_1379, %swap3A_1380], %swap3A_1383 {strides = array<i32>} : memref<48x4x2048xf32, #tpu.memory_space<vmem>>, vector<1x4x2048xf32>,
    %swap3A_1384 = arith.constant 43 : index
    %swap3A_1385 = arith.constant 0 : index
    %swap3A_1386 = arith.constant 0 : index
    %swap3A_1387 = vector.load %arg1[%swap3A_1384, %swap3A_1385, %swap3A_1386] : memref<48x4x2048xf32, #tpu.memory_space<vmem>>, vector<1x4x2048xf32>
    %swap3A_1388 = vector.shape_cast %swap3A_1387 : vector<1x4x2048xf32> to vector<4x2048xf32>
    %swap3A_1389 = vector.shape_cast %broadcast_in_dim3A_266 : vector<4x2048xf32> to vector<1x4x2048xf32>
    tpu.vector_store %arg1[%swap3A_1384, %swap3A_1385, %swap3A_1386], %swap3A_1389 {strides = array<i32>} : memref<48x4x2048xf32, #tpu.memory_space<vmem>>, vector<1x4x2048xf32>,
    %swap3A_1390 = arith.constant 44 : index
    %swap3A_1391 = arith.constant 0 : index
    %swap3A_1392 = arith.constant 0 : index
    %swap3A_1393 = vector.load %arg1[%swap3A_1390, %swap3A_1391, %swap3A_1392] : memref<48x4x2048xf32, #tpu.memory_space<vmem>>, vector<1x4x2048xf32>
    %swap3A_1394 = vector.shape_cast %swap3A_1393 : vector<1x4x2048xf32> to vector<4x2048xf32>
    %swap3A_1395 = vector.shape_cast %broadcast_in_dim3A_266 : vector<4x2048xf32> to vector<1x4x2048xf32>
    tpu.vector_store %arg1[%swap3A_1390, %swap3A_1391, %swap3A_1392], %swap3A_1395 {strides = array<i32>} : memref<48x4x2048xf32, #tpu.memory_space<vmem>>, vector<1x4x2048xf32>,
    %swap3A_1396 = arith.constant 45 : index
    %swap3A_1397 = arith.constant 0 : index
    %swap3A_1398 = arith.constant 0 : index
    %swap3A_1399 = vector.load %arg1[%swap3A_1396, %swap3A_1397, %swap3A_1398] : memref<48x4x2048xf32, #tpu.memory_space<vmem>>, vector<1x4x2048xf32>
    %swap3A_1400 = vector.shape_cast %swap3A_1399 : vector<1x4x2048xf32> to vector<4x2048xf32>
    %swap3A_1401 = vector.shape_cast %broadcast_in_dim3A_266 : vector<4x2048xf32> to vector<1x4x2048xf32>
    tpu.vector_store %arg1[%swap3A_1396, %swap3A_1397, %swap3A_1398], %swap3A_1401 {strides = array<i32>} : memref<48x4x2048xf32, #tpu.memory_space<vmem>>, vector<1x4x2048xf32>,
    %swap3A_1402 = arith.constant 46 : index
    %swap3A_1403 = arith.constant 0 : index
    %swap3A_1404 = arith.constant 0 : index
    %swap3A_1405 = vector.load %arg1[%swap3A_1402, %swap3A_1403, %swap3A_1404] : memref<48x4x2048xf32, #tpu.memory_space<vmem>>, vector<1x4x2048xf32>
    %swap3A_1406 = vector.shape_cast %swap3A_1405 : vector<1x4x2048xf32> to vector<4x2048xf32>
    %swap3A_1407 = vector.shape_cast %broadcast_in_dim3A_266 : vector<4x2048xf32> to vector<1x4x2048xf32>
    tpu.vector_store %arg1[%swap3A_1402, %swap3A_1403, %swap3A_1404], %swap3A_1407 {strides = array<i32>} : memref<48x4x2048xf32, #tpu.memory_space<vmem>>, vector<1x4x2048xf32>,
    %swap3A_1408 = arith.constant 47 : index
    %swap3A_1409 = arith.constant 0 : index
    %swap3A_1410 = arith.constant 0 : index
    %swap3A_1411 = vector.load %arg1[%swap3A_1408, %swap3A_1409, %swap3A_1410] : memref<48x4x2048xf32, #tpu.memory_space<vmem>>, vector<1x4x2048xf32>
    %swap3A_1412 = vector.shape_cast %swap3A_1411 : vector<1x4x2048xf32> to vector<4x2048xf32>
    %swap3A_1413 = vector.shape_cast %broadcast_in_dim3A_266 : vector<4x2048xf32> to vector<1x4x2048xf32>
    tpu.vector_store %arg1[%swap3A_1408, %swap3A_1409, %swap3A_1410], %swap3A_1413 {strides = array<i32>} : memref<48x4x2048xf32, #tpu.memory_space<vmem>>, vector<1x4x2048xf32>,
    return
  }
}

</mosaic_0001>

<sc_bundles>
// kernel: kernel.4.cloned.1.call-start
scs
__scs_entry_jumppad:
0x0: {  	(pc) =	sbr.rel $0x88, $3  }
0x1: {  	(tag) =	ssettag $0x0;
	lr =	simm.s32 $0x1  }
0x2: {  	[smem:$0x3FA0] =	sst lr;
	_ =	strace $0xD0000000  }
0x3: {  	_ = 	snop  }
0x4: {  	_ = 	snop  }
0x5: {  	_ = 	snop  }
0x6: {  	_ = 	snop  }
0x7: {  	_ = 	snop  }
__scs_overlays_trampoline_lowered:
0x8: {  	[smem:$0x3FAF] =	sst s0  }
0x9: {  	[smem:$0x3FB0] =	sst s1  }
0xa: {  	[smem:$0x3FB1] =	sst s2  }
0xb: {  	[smem:$0x3FB2] =	sst s3  }
0xc: {  	[smem:$0x3FB3] =	sst s4  }
0xd: {  	[smem:$0x3FB4] =	sst s5  }
0xe: {  	[smem:$0x3FB5] =	sst s6  }
0xf: {  	[smem:$0x3FB6] =	sst s7  }
0x10: {  	[smem:$0x3FB7] =	sst s8  }
0x11: {  	[smem:$0x3FB8] =	sst s9;
	s0 =	simm.s32 @!p0 $0x0  }
0x12: {  	s1 =	sld [smem:$0x3F9E];
	s0 =	simm.s32 @p0 $0x1  }
0x13: {  	[smem:$0x3FB9] =	sst s0;
	s0 =	simm.s32 @!p1 $0x0  }
0x14: {  	s2 =	sld [smem:$0x3F9D];
	s0 =	simm.s32 @p1 $0x1  }
0x15: {  	[smem:$0x3FBA] =	sst s0;
	s0 =	simm.s32 @!p2 $0x0  }
0x16: {  	s3 =	sld [smem:$0x3FDB];
	s0 =	simm.s32 @p2 $0x1  }
0x17: {  	s4 =	simm.s32 $0x1BF5;
	[smem:$0x3FBC] =	sst s0  }
0x18: {  	s0 =	sld [smem:$0x3F9F];
	_ =	swait.ge [sflag:s4], $0x0  }
0x19: {  	s7 =	sld [smem:$0x3FA0]  }
0x1a: {  	s8 =	sadd.s32 $0xFFFFE003, lr  }
0x1b: {  	s9 =	sadd.s32 $0xFFFFFEF7, lr;
	s5 =	simm.s32 $0xFFFFFFFF;
	p2 =	slt.u32 s8, $0xFFFFF086  }
0x1c: {  	p1 =	slt.u32 s9, $0xF7A;
	s5 =	simm.s32 @!p2 $0x0  }
0x1d: {  	s5 =	simm.s32 @p1 $0x1;
	p0 =	seq.s32 s7, s2  }
0x1e: {  	s7 =	smul.u32 @!p0 $0xF7A, s2;
	p2 =	seq.s32 @!p0 s5, $0x0  }
0x1f: {  	s9 =	smul.u32 $0xF7A, s1;
	s8 =	simm.s32 @!p0 $0x1BF5;
	p2 =	por !p2, p0  }
0x20: {  	[sflag:s8] =	ssyncset.s32 @!p0 $0xFFFFF086;
	s6 =	sadd.s32 @!p0 s3, s7;
	s7 =	simm.s32 @!p0 $0x108  }
0x21: {  	s3 =	sadd.s32 s3, s9;
	s6 =	sadd.s32 @!p0 $0x88, s6;
	s7 =	simm.s32 @p2 $0x1082  }
0x22: {  	[simem:s7], [sflag:s8] =	dma.local @!p0 [hbm:s6], $0xF7A  }
0x23: {  	s9 =	sor.u32 $0xD0000000, s2;
	s6 =	simm.s32 $0x108;
	_ =	swait.ge @!p0 [sflag:s8], $0x0  }
0x24: {  	s3 =	sadd.s32 $0x88, s3;
	s6 =	simm.s32 @!p1 $0x1082;
	[sflag:s4] =	ssyncset.s32 $0xFFFFF086  }
0x25: {  	[simem:s6], [sflag:s4] =	dma.local [hbm:s3], $0xF7A  }
0x26: {  	[smem:$0x3FA0] =	sst s1;
	(tag) =	ssettag s2;
	_ =	strace s9  }
0x27: {  	s1 =	sld [smem:$0x3FB0]  }
0x28: {  	s2 =	sld [smem:$0x3FB1]  }
0x29: {  	s4 =	sld [smem:$0x3FB3]  }
0x2a: {  	p0 =	seq.s32 s5, $0x0;
	s5 =	sld [smem:$0x3FB4]  }
0x2b: {  	s6 =	sld [smem:$0x3FB5]  }
0x2c: {  	s7 =	sld [smem:$0x3FB6]  }
0x2d: {  	s3 =	simm.s32 $0x108;
	s8 =	sld [smem:$0x3FB7]  }
0x2e: {  	s3 =	simm.s32 @!p0 $0x1082;
	s9 =	sld [smem:$0x3FB8]  }
0x2f: {  	lr =	sadd.s32 s0, s3;
	s0 =	sld [smem:$0x3FAF]  }
0x30: {  	s3 =	sld [smem:$0x3FB2]  }
0x31: {  	[smem:$0x3FBB] =	sst s10  }
0x32: {  	s10 =	sld [smem:$0x3FB9];
	_ =	sdelay $0x3  }
0x33: {  	p0 =	seq.s32 s10, $0x1;
	s10 =	sld [smem:$0x3FBB];
	_ =	sdelay $0x3  }
0x34: {  	[smem:$0x3FBB] =	sst s10  }
0x35: {  	s10 =	sld [smem:$0x3FBA];
	_ =	sdelay $0x3  }
0x36: {  	p1 =	seq.s32 s10, $0x1;
	s10 =	sld [smem:$0x3FBB];
	_ =	sdelay $0x3  }
0x37: {  	[smem:$0x3FBB] =	sst s10  }
0x38: {  	s10 =	sld [smem:$0x3FBC]  }
0x39: {  	_ = 	snop;
	(pc) =	sbr.ind lr, $3  }
0x3a: {  	_ = 	snop  }
0x3b: {  	_ = 	snop  }
0x3c: {  	p2 =	seq.s32 s10, $0x1;
	s10 =	sld [smem:$0x3FBB]  }
0x3d: {  	_ =	shalt  }
0x3e: {  	_ =	shalt  }
0x3f: {  	_ =	shalt  }
0x40: {  	_ =	shalt  }
0x41: {  	_ =	shalt  }
0x42: {  	_ =	shalt  }
0x43: {  	_ =	shalt  }
0x44: {  	_ =	shalt  }
0x45: {  	_ =	shalt  }
0x46: {  	_ =	shalt  }
0x47: {  	_ =	shalt  }
0x48: {  	_ =	shalt  }
0x49: {  	_ =	shalt  }
0x4a: {  	_ =	shalt  }
0x4b: {  	_ =	shalt  }
0x4c: {  	_ =	shalt  }
0x4d: {  	_ =	shalt  }
0x4e: {  	_ =	shalt  }
0x4f: {  	_ =	shalt  }
0x50: {  	_ =	shalt  }
0x51: {  	_ =	shalt  }
0x52: {  	_ =	shalt  }
0x53: {  	_ =	shalt  }
0x54: {  	_ =	shalt  }
0x55: {  	_ =	shalt  }
0x56: {  	_ =	shalt  }
0x57: {  	_ =	shalt  }
0x58: {  	_ =	shalt  }
0x59: {  	_ =	shalt  }
0x5a: {  	_ =	shalt  }
0x5b: {  	_ =	shalt  }
0x5c: {  	_ =	shalt  }
0x5d: {  	_ =	shalt  }
0x5e: {  	_ =	shalt  }
0x5f: {  	_ =	shalt  }
0x60: {  	_ =	shalt  }
0x61: {  	_ =	shalt  }
0x62: {  	_ =	shalt  }
0x63: {  	_ =	shalt  }
0x64: {  	_ =	shalt  }
0x65: {  	_ =	shalt  }
0x66: {  	_ =	shalt  }
0x67: {  	_ =	shalt  }
0x68: {  	_ =	shalt  }
0x69: {  	_ =	shalt  }
0x6a: {  	_ =	shalt  }
0x6b: {  	_ =	shalt  }
0x6c: {  	_ =	shalt  }
0x6d: {  	_ =	shalt  }
0x6e: {  	_ =	shalt  }
0x6f: {  	_ =	shalt  }
0x70: {  	_ =	shalt  }
0x71: {  	_ =	shalt  }
0x72: {  	_ =	shalt  }
0x73: {  	_ =	shalt  }
0x74: {  	_ =	shalt  }
0x75: {  	_ =	shalt  }
0x76: {  	_ =	shalt  }
0x77: {  	_ =	shalt  }
0x78: {  	_ =	shalt  }
0x79: {  	_ =	shalt  }
0x7a: {  	_ =	shalt  }
0x7b: {  	_ =	shalt  }
0x7c: {  	_ =	shalt  }
0x7d: {  	_ =	shalt  }
0x7e: {  	_ =	shalt  }
0x7f: {  	_ =	shalt  }
0x80: {  	_ =	shalt  }
0x81: {  	_ =	shalt  }
0x82: {  	_ =	shalt  }
0x83: {  	_ =	shalt  }
0x84: {  	_ =	shalt  }
0x85: {  	_ =	shalt  }
0x86: {  	_ =	shalt  }
0x87: {  	_ =	shalt  }
.Lfunc_end0:
.L_simem_size_0:
called_computation_lowered:
.L_overlay_start_0:
0x88: {  	s2 =	sld [smem:$0x3FD9]  }
0x89: {  	s3 =	sld [smem:$0x3FFE];
	_ =	sdelay $0x1  }
0x8a: {  	s1 =	srdreg.scid  }
0x8b: {  	s0 =	sand.u32 $0x1, s1  }
0x8c: {  	s16 =	sshll.u32 s0, $0xA;
	s2 =	sadd.s32 s3, s2  }
0x8d: {  	s2 =	sadd.s32 s2, s16  }
0x8e: {  	[smem:$0x3FC7] =	sst s2  }
0x8f: {  	_ = 	snop  }
0x90: {  	(tm) =	ssettm $0x1  }
0x91: {  	s17 =	sld [smem:$0x3FFB];
	_ =	sdelay $0x3  }
0x92: {  	_ =	strace s17  }
0x93: {  	s2 =	sld [smem:$0x3FFC];
	_ =	sdelay $0x3  }
0x94: {  	_ =	strace s2  }
0x95: {  	s2 =	sld [smem:$0x3FFD];
	_ =	sdelay $0x3  }
0x96: {  	_ =	strace s2  }
0x97: {  	_ =	strace $0x8FFFFFFF  }
0x98: {  	s18 =	sld [smem:$0x3FDB];
	_ =	sdelay $0x1  }
0x99: {  	s19 =	simm.s32 $_scs_section_size  }
0x9a: {  	s4 =	simm.s32 $_size__tile_overlayer_lowered;
	s5 =	simm.s32 $_tile_overlayer_lowered  }
0x9b: {  	s22 =	simm.s32 $0x1BFF;
	s21 =	sshll.u32 s5, $0x1;
	s2 =	sadd.s32 s19, s18  }
0x9c: {  	s6 =	simm.s32 $0x0;
	s20 =	sshll.u32 s4, $0x1;
	s4 =	sadd.s32 s21, s2  }
0x9d: {  	[timem:s6], [sflag:s22] =	dma.local [hbm:s4], s20  }
0x9e: {  	_ =	swait.ge [sflag:s22], s20  }
0x9f: {  	s3 =	ssub.s32 $0x0, s20;
	[sflag:s22] =	ssyncset.done $0x0  }
0xa0: {  	[sflag:s22] =	ssyncadd.s32 s3;
	_ =	sdelay $0x1  }
0xa1: {  	s23 =	simm.s32 $0x1B8B  }
0xa2: {  	_ =	swait.ge [sflag:s23], $0x1  }
0xa3: {  	[sflag:s23] =	ssyncset.done $0x0  }
0xa4: {  	s25 =	simm.s32 $0x1B8E;
	s24 =	sld [smem:$0x3FFE];
	[sflag:s23] =	ssyncadd.s32 $0xFFFFFFFF  }
0xa5: {  	s26 =	simm.s32 $execute0_lowered;
	[smem:$0x3FD2] =	sst s25  }
0xa6: {  	s4 =	sshll.u32 s26, $0x1;
	_ =	strace $0x80000046;
	[dreg:$0x1] =	wrdreg $0xFFFFFFFF  }
0xa7: {  	s28 =	simm.s32 $_size_execute0_lowered;
	s2 =	sadd.s32 s2, s4;
	[dreg:$0x0] =	wrdreg $0x0  }
0xa8: {  	s4 =	sshll.u32 s28, $0x1;
	[dreg:$0x2] =	wrdreg s2  }
0xa9: {  	[dreg:$0x3] =	wrdreg s4  }
0xaa: {  	[dreg:$0x4] =	wrdreg $0xC0  }
0xab: {  	_ =	task [dreg:s6], $0x5FFFF  }
0xac: {  	[dreg:$0x1] =	wrdreg $0xFFFFFFFF  }
0xad: {  	[dreg:$0x0] =	wrdreg $0x60  }
0xae: {  	[dreg:$0x2] =	wrdreg s24  }
0xaf: {  	[dreg:$0x3] =	wrdreg $0x9  }
0xb0: {  	_ =	task.clear_ibuf [dreg:s6], $0x4FFFF;
	_ =	strace $0x90000046  }
0xb1: {  	s29 =	simm.s32 $0x9;
	_ =	strace $0x80000048  }
0xb2: {  	_ =	swait.ge [sflag:s29], $0x1  }
0xb3: {  	[sflag:s29] =	ssyncadd.s32 $0xFFFFFFFF  }
0xb4: {  	_ =	strace $0x90000048  }
0xb5: {  	_ =	sfence  }
0xb6: {  	s30 =	sld [smem:$0x0];
	_ =	sdelay $0x2  }
0xb7: {  	s31 =	sshll.u32 s1, $0xD;
	s1 =	sshrl.u32 s1, $0x2  }
0xb8: {  	s3 =	sand.u32 $0x4000, s31;
	s1 =	sadd.s32 s1, s30  }
0xb9: {  	s0 =	sor.u32 s3, s0;
	s1 =	sshll.u32 s1, $0x11  }
0xba: {  	s0 =	sor.u32 s1, s0  }
0xbb: {  	s0 =	sadd.s32 $0x8F2B, s0  }
0xbc: {  	[sflag:s0] =	ssyncadd.remote.s32 $0x1  }
0xbd: {  	_ =	sfence.sel $0xFFFF  }
0xbe: {  	[dreg:$0x0] =	wrdreg $0xFFFFFFFF;
	(pc) =	sbr.abs _section_cstart, $3  }
0xbf: {  	[dreg:$0x1] =	wrdreg $0xFFFFFFFF  }
0xc0: {  	_ =	task.clear_ibuf [dreg:s6], $0x2FFFF;
	_ =	strace $0x9FFFFFFF  }
0xc1: {  	(tm) =	ssettm $0x7FFFFFFF  }
tec
execute0_lowered:
.L_overlay_start_1:
0x0: {  	(tag) =	ssettag $0x1  }
0x1: {  	s0 =	rddreg [dreg:$0x0];
	s6 =	simm.s32 $0x0;
	s4 =	stileid.u32  }
0x2: {  	s3 =	srdreg.scid;
	[smem:$0x7FF] =	sst s6;
	s1 =	sshrl.u32 s4, $0x2  }
0x3: {  	s4 =	sshll.u32 s4, $0x1;
	s3 =	sand.u32 $0x1, s3;
	_ =	strace $0x80000047  }
0x4: {  	s2 =	sshll.u32 s1, $0x4;
	s4 =	sand.u32 $0x6, s4;
	s1 =	sshll.u32 s1, $0xD  }
0x5: {  	s5 =	ssub.s32 $0x2, s3;
	s2 =	sadd.s32 s2, s0;
	s4 =	sor.u32 s3, s4  }
0x6: {  	s0 =	sadd.s32 s1, s0;
	s29 =	sshrl.u32 s5, $0x1;
	s3 =	sshll.u32 s4, $0xA  }
0x7: {  	s1 =	ssub.s32 s5, s29;
	s2 =	sadd.s32 $0x400, s2;
	[dreg:$0x2] =	wrdreg s4  }
.Ltmp0:
0x8: {  	s30 =	sxor.u32 $0x7, s4;
	[dreg:$0x3] =	wrdreg s2;
	(pc) =	sbr.rel .LBB2_1-.Ltmp0, $4  }
0x9: {  	s26 =	scvt.s32.f32 s4;
	[dreg:$0x5] =	wrdreg s30;
	s31 =	smax.u32 s1, $0x1  }
0xa: {  	s0 =	sadd.s32 s3, s0;
	[dreg:$0x7] =	wrdreg s31  }
0xb: {  	s0 =	sadd.s32 $0xC400, s0;
	[dreg:$0x4] =	wrdreg s26  }
0xc: {  	v0 =	vimm.f32 $9.999999770e-03;
	v1 =	vimm.s32 $0xFFFFFFFF;
	v2 =	vlaneseq.u32;
	s3 =	simm.s32 $0x1;
	s1 =	simm.s32 $0x0;
	[dreg:$0x6] =	wrdreg s0  }
.LBB2_38:
0xd: {  	s6 =	simm.s32 $0x0;
	s1 =	rddreg [dreg:$0x6];
	s0 =	simm.s32 $0x1B000  }
0xe: {  	[hbm4b:s1+s6] =	stream.linear.scatter [tilespmem:s0], [sflag:$0x1], $0x800, $0x38;
	[tilespmem:$0x1E000] =	vst v63  }
0xf: {  	s2 =	simm.s32 $0x1BC00;
	s23 =	sadd.s32 $0x100, s1  }
0x10: {  	[hbm4b:s23+s6] =	stream.linear.scatter [tilespmem:s2], [sflag:$0x1], $0x800, $0x38;
	[tilespmem:$0x1E000] =	vst v63  }
0x11: {  	s25 =	simm.s32 $0x1C800;
	s24 =	sadd.s32 $0x200, s1  }
0x12: {  	[hbm4b:s24+s6] =	stream.linear.scatter [tilespmem:s25], [sflag:$0x1], $0x800, $0x38;
	[tilespmem:$0x1E000] =	vst v63  }
0x13: {  	s29 =	simm.s32 $0x1D400;
	s3 =	simm.s32 $0x1;
	s28 =	sadd.s32 $0x300, s1  }
0x14: {  	[hbm4b:s28+s6] =	stream.linear.scatter [tilespmem:s29], [sflag:$0x1], $0x800, $0x38;
	[tilespmem:$0x1E000] =	vst v63  }
0x15: {  	_ =	swait.ge [sflag:s3], $0x2000  }
0x16: {  	s30 =	rddreg [dreg:$0x8]  }
0x17: {  	s31 =	rddreg [dreg:$0x7];
	s1 =	sadd.s32 $0x1, s30  }
0x18: {  	p0 =	sne.s32 s1, s31  }
.Ltmp1:
0x19: {  	_ = 	snop;
	(pc) =	sbr.rel @!p0 .LBB2_39-.Ltmp1, $3  }
0x1a: {  	_ =	sdelay $0x1  }
0x1b: {  	[sflag:s3] =	ssyncset.done $0x0  }
0x1c: {  	[sflag:s3] =	ssyncadd.s32 $0xFFFFE000  }
.LBB2_1:
0x1d: {  	[dreg:$0x8] =	wrdreg s1  }
0x1e: {  	s0 =	rddreg [dreg:$0x3]  }
0x1f: {  	s29 =	simm.s32 $0x80;
	s2 =	simm.s32 $0x200;
	s30 =	simm.s32 $0x0  }
0x20: {  	[tilespmem:s6], [sflag:$0x1] =	stream.strided.gather [hbm4b:s0+s29], $0x18000, s2, s29, $0x38;
	[tilespmem:$0x1E000] =	vst v63  }
0x21: {  	s0 =	smul.u32 $0xC00, s30;
	_ =	swait.ge [sflag:s3], $0x18000  }
0x22: {  	s31 =	sand.u32 $0x380, s6;
	[sflag:s3] =	ssyncset.done $0x0  }
0x23: {  	s0 =	sor.u32 s31, s0;
	[sflag:s3] =	ssyncadd.s32 $0xFFFE8000  }
0x24: {  	[tilespmem:s0+$0x1B800] =	vst v1  }
0x25: {  	[tilespmem:s0+$0x18000] =	vst v0  }
0x26: {  	[tilespmem:s0+$0x1B000] =	vst v1  }
0x27: {  	[tilespmem:s0+$0x18010] =	vst v0  }
0x28: {  	[tilespmem:s0+$0x1B010] =	vst v1  }
0x29: {  	[tilespmem:s0+$0x18020] =	vst v0  }
0x2a: {  	[tilespmem:s0+$0x1B020] =	vst v1  }
0x2b: {  	[tilespmem:s0+$0x18030] =	vst v0  }
0x2c: {  	[tilespmem:s0+$0x1B030] =	vst v1  }
0x2d: {  	[tilespmem:s0+$0x18040] =	vst v0  }
0x2e: {  	[tilespmem:s0+$0x1B040] =	vst v1  }
0x2f: {  	[tilespmem:s0+$0x18050] =	vst v0  }
0x30: {  	[tilespmem:s0+$0x1B050] =	vst v1  }
0x31: {  	[tilespmem:s0+$0x18060] =	vst v0  }
0x32: {  	[tilespmem:s0+$0x1B060] =	vst v1  }
0x33: {  	[tilespmem:s0+$0x18070] =	vst v0  }
0x34: {  	[tilespmem:s0+$0x1B070] =	vst v1  }
0x35: {  	[tilespmem:s0+$0x18400] =	vst v0  }
0x36: {  	[tilespmem:s0+$0x1B400] =	vst v1  }
0x37: {  	[tilespmem:s0+$0x18410] =	vst v0  }
0x38: {  	[tilespmem:s0+$0x1B410] =	vst v1  }
0x39: {  	[tilespmem:s0+$0x18420] =	vst v0  }
0x3a: {  	[tilespmem:s0+$0x1B420] =	vst v1  }
0x3b: {  	[tilespmem:s0+$0x18430] =	vst v0  }
0x3c: {  	[tilespmem:s0+$0x1B430] =	vst v1  }
0x3d: {  	[tilespmem:s0+$0x18440] =	vst v0  }
0x3e: {  	[tilespmem:s0+$0x1B440] =	vst v1  }
0x3f: {  	[tilespmem:s0+$0x18450] =	vst v0  }
0x40: {  	[tilespmem:s0+$0x1B450] =	vst v1  }
0x41: {  	[tilespmem:s0+$0x18460] =	vst v0  }
0x42: {  	s1 =	simm.s32 $0x0;
	s2 =	simm.s32 $0x2;
	s3 =	simm.s32 $0x0;
	[tilespmem:s0+$0x1B460] =	vst v1  }
.LBB2_2:
0x43: {  	p0 =	sne.s32 s2, $0x1F;
	s3 =	smul.u32 $0xC00, s3;
	[tilespmem:s0+$0x18470] =	vst v0;
	s1 =	sadd.s32 $0x80, s1  }
0x44: {  	s4 =	sand.u32 $0x380, s1;
	[tilespmem:s0+$0x1B470] =	vst v1  }
0x45: {  	[tilespmem:s0+$0x18800] =	vst v0;
	s0 =	sor.u32 s4, s3  }
0x46: {  	[tilespmem:s0+$0x1B800] =	vst v1  }
0x47: {  	[tilespmem:s0+$0x18000] =	vst v0  }
0x48: {  	[tilespmem:s0+$0x1B000] =	vst v1  }
0x49: {  	[tilespmem:s0+$0x18010] =	vst v0  }
0x4a: {  	[tilespmem:s0+$0x1B010] =	vst v1  }
0x4b: {  	[tilespmem:s0+$0x18020] =	vst v0  }
0x4c: {  	[tilespmem:s0+$0x1B020] =	vst v1  }
0x4d: {  	[tilespmem:s0+$0x18030] =	vst v0  }
0x4e: {  	[tilespmem:s0+$0x1B030] =	vst v1  }
0x4f: {  	[tilespmem:s0+$0x18040] =	vst v0  }
0x50: {  	[tilespmem:s0+$0x1B040] =	vst v1  }
0x51: {  	[tilespmem:s0+$0x18050] =	vst v0  }
0x52: {  	[tilespmem:s0+$0x1B050] =	vst v1  }
0x53: {  	[tilespmem:s0+$0x18060] =	vst v0  }
0x54: {  	[tilespmem:s0+$0x1B060] =	vst v1  }
0x55: {  	[tilespmem:s0+$0x18070] =	vst v0  }
0x56: {  	[tilespmem:s0+$0x1B070] =	vst v1  }
0x57: {  	[tilespmem:s0+$0x18400] =	vst v0  }
0x58: {  	[tilespmem:s0+$0x1B400] =	vst v1  }
0x59: {  	[tilespmem:s0+$0x18410] =	vst v0  }
0x5a: {  	[tilespmem:s0+$0x1B410] =	vst v1  }
0x5b: {  	[tilespmem:s0+$0x18420] =	vst v0  }
0x5c: {  	[tilespmem:s0+$0x1B420] =	vst v1  }
0x5d: {  	[tilespmem:s0+$0x18430] =	vst v0  }
0x5e: {  	[tilespmem:s0+$0x1B430] =	vst v1  }
0x5f: {  	[tilespmem:s0+$0x18440] =	vst v0  }
.Ltmp2:
0x60: {  	[tilespmem:s0+$0x1B440] =	vst v1;
	(pc) =	sbr.rel @p0 .LBB2_2-.Ltmp2, $4  }
0x61: {  	[tilespmem:s0+$0x18450] =	vst v0  }
0x62: {  	[tilespmem:s0+$0x1B450] =	vst v1  }
0x63: {  	[tilespmem:s0+$0x18460] =	vst v0  }
0x64: {  	s3 =	sshrl.u32 s2, $0x3;
	s2 =	sadd.s32 $0x1, s2;
	[tilespmem:s0+$0x1B460] =	vst v1  }
0x65: {  	s2 =	smul.u32 $0xC00, s3;
	[tilespmem:s0+$0x18470] =	vst v0;
	s1 =	sadd.s32 $0x80, s1  }
0x66: {  	[tilespmem:s0+$0x1B470] =	vst v1;
	s1 =	sand.u32 $0x380, s1  }
0x67: {  	[tilespmem:s0+$0x18800] =	vst v0;
	s1 =	sor.u32 s1, s2  }
0x68: {  	[tilespmem:s1+$0x1B800] =	vst v1  }
0x69: {  	[tilespmem:s1+$0x18000] =	vst v0  }
0x6a: {  	[tilespmem:s1+$0x1B000] =	vst v1  }
0x6b: {  	[tilespmem:s1+$0x18010] =	vst v0  }
0x6c: {  	[tilespmem:s1+$0x1B010] =	vst v1  }
0x6d: {  	[tilespmem:s1+$0x18020] =	vst v0  }
0x6e: {  	[tilespmem:s1+$0x1B020] =	vst v1  }
0x6f: {  	[tilespmem:s1+$0x18030] =	vst v0  }
0x70: {  	[tilespmem:s1+$0x1B030] =	vst v1  }
0x71: {  	[tilespmem:s1+$0x18040] =	vst v0  }
0x72: {  	[tilespmem:s1+$0x1B040] =	vst v1  }
0x73: {  	[tilespmem:s1+$0x18050] =	vst v0  }
0x74: {  	[tilespmem:s1+$0x1B050] =	vst v1  }
0x75: {  	[tilespmem:s1+$0x18060] =	vst v0  }
0x76: {  	[tilespmem:s1+$0x1B060] =	vst v1  }
0x77: {  	[tilespmem:s1+$0x18070] =	vst v0  }
0x78: {  	[tilespmem:s1+$0x1B070] =	vst v1  }
0x79: {  	[tilespmem:s1+$0x18400] =	vst v0  }
0x7a: {  	[tilespmem:s1+$0x1B400] =	vst v1  }
0x7b: {  	[tilespmem:s1+$0x18410] =	vst v0  }
0x7c: {  	[tilespmem:s1+$0x1B410] =	vst v1  }
0x7d: {  	[tilespmem:s1+$0x18420] =	vst v0  }
0x7e: {  	[tilespmem:s1+$0x1B420] =	vst v1  }
0x7f: {  	[tilespmem:s1+$0x18430] =	vst v0  }
0x80: {  	[tilespmem:s1+$0x1B430] =	vst v1  }
0x81: {  	[tilespmem:s1+$0x18440] =	vst v0  }
0x82: {  	[tilespmem:s1+$0x1B440] =	vst v1  }
0x83: {  	[tilespmem:s1+$0x18450] =	vst v0  }
0x84: {  	[tilespmem:s1+$0x1B450] =	vst v1  }
.Ltmp3:
0x85: {  	[tilespmem:s1+$0x18460] =	vst v0;
	(pc) =	sbr.rel .LBB2_4-.Ltmp3, $4  }
0x86: {  	[tilespmem:s1+$0x1B460] =	vst v1  }
0x87: {  	[tilespmem:s1+$0x18470] =	vst v0  }
0x88: {  	[tilespmem:s1+$0x1B470] =	vst v1  }
0x89: {  	s0 =	simm.s32 $0x0;
	[tilespmem:s1+$0x18800] =	vst v0  }
.LBB2_37:
0x8a: {  	s0 =	rddreg [dreg:$0x9]  }
0x8b: {  	s0 =	sadd.s32 $0x1, s0  }
0x8c: {  	p0 =	sne.s32 s0, $0x800  }
.Ltmp4:
0x8d: {  	_ = 	snop;
	(pc) =	sbr.rel @!p0 .LBB2_38-.Ltmp4, $1  }
0x8e: {  	_ =	sdelay $0x3  }
.LBB2_4:
0x8f: {  	s19 =	smul.u32 $0xC0, s0;
	_ =	sdelay $0x1  }
0x90: {  	[dreg:$0x9] =	wrdreg s0;
	s0 =	sshra.s32 s19, $0x2  }
0x91: {  	v3 =	vld [tilespmem:s0+$0x0];
	_ =	sdelay $0x4  }
0x92: {  	(v2sf) =	vpush v3, $0x1  }
0x93: {  	(v2sf) =	vpush v3, $0x2  }
0x94: {  	(v2sf) =	vpush v3, $0x4  }
0x95: {  	(v2sf) =	vpush v3, $0x5  }
0x96: {  	v4 =	vld [tilespmem:s0+$0x10];
	(v2sf) =	vpush v3, $0x7  }
0x97: {  	(v2sf) =	vpush v3, $0x8  }
0x98: {  	(v2sf) =	vpush v3, $0xA  }
0x99: {  	(v2sf) =	vpush v3, $0xB  }
0x9a: {  	(v2sf) =	vpush v3, $0xF  }
0x9b: {  	(v2sf) =	vpush v4, $0xA;
	_ =	sdelay $0x5  }
0x9c: {  	s1 =	spop (v2sf)  }
0x9d: {  	s20 =	spop (v2sf)  }
0x9e: {  	s21 =	spop (v2sf)  }
0x9f: {  	s22 =	spop (v2sf)  }
0xa0: {  	s23 =	spop (v2sf)  }
0xa1: {  	s24 =	spop (v2sf)  }
0xa2: {  	s25 =	spop (v2sf)  }
0xa3: {  	s28 =	spop (v2sf)  }
0xa4: {  	s30 =	spop (v2sf)  }
0xa5: {  	[dreg:$0xa] =	wrdreg s1;
	s2 =	spop (v2sf)  }
0xa6: {  	s1 =	scvt.f32.s32 s30;
	s2 =	scvt.f32.s32 s2  }
0xa7: {  	_ = 	snop  }
0xa8: {  	s1 =	sadd.s32 $0xFFFFFFFF, s1;
	s2 =	sadd.s32 $0x1, s2  }
0xa9: {  	s3 =	rddreg [dreg:$0x5];
	p0 =	sgt.s32 s1, $0x0;
	p1 =	slt.s32 s2, $0xFF  }
0xaa: {  	s31 =	rddreg [dreg:$0x2];
	s1 =	simm.s32 @!p0 $0x0;
	s2 =	simm.s32 @!p1 $0xFF  }
0xab: {  	s1 =	sadd.s32 s1, s3;
	s2 =	ssub.s32 s2, s31  }
0xac: {  	s29 =	sshra.s32 s1, $0x3;
	s1 =	sshra.s32 s2, $0x3  }
0xad: {  	p0 =	sgt.s32 s29, $0x0;
	p1 =	slt.s32 s1, $0x1F  }
0xae: {  	[dreg:$0xb] =	wrdreg s20;
	s29 =	simm.s32 @!p0 $0x0;
	s1 =	simm.s32 @!p1 $0x1F  }
0xaf: {  	[dreg:$0xc] =	wrdreg s21;
	p0 =	slt.s32 s1, s29  }
.Ltmp5:
0xb0: {  	[dreg:$0xd] =	wrdreg s22;
	(pc) =	sbr.rel @p0 .LBB2_37-.Ltmp5, $4  }
0xb1: {  	[dreg:$0xe] =	wrdreg s23  }
0xb2: {  	[dreg:$0xf] =	wrdreg s24  }
0xb3: {  	[dreg:$0x10] =	wrdreg s25  }
0xb4: {  	v5 =	vld [tilespmem:s0+$0x20];
	[dreg:$0x11] =	wrdreg s28  }
0xb5: {  	p0 =	seq.s32 s1, s29  }
.Ltmp6:
0xb6: {  	_ = 	snop;
	(pc) =	sbr.rel @!p0 .LBB2_6-.Ltmp6, $4  }
0xb7: {  	s0 =	ssub.s32 s1, s29  }
0xb8: {  	s0 =	sadd.s32 $0x1, s0  }
0xb9: {  	s0 =	sand.u32 $0x7FFFFFFE, s0  }
0xba: {  	[dreg:$0x12] =	wrdreg s1;
	s28 =	sadd.s32 s29, s0  }
.LBB2_26:
0xbb: {  	s9 =	rddreg [dreg:$0x12]  }
0xbc: {  	p0 =	sgt.s32 s28, s9  }
.Ltmp7:
0xbd: {  	_ = 	snop;
	(pc) =	sbr.rel @p0 .LBB2_37-.Ltmp7, $1  }
0xbe: {  	_ =	sdelay $0x3  }
0xbf: {  	(v2sf) =	vpush v4, $0x5  }
0xc0: {  	(v2sf) =	vpush v4, $0x0  }
0xc1: {  	(v2sf) =	vpush v5, $0x5  }
0xc2: {  	(v2sf) =	vpush v5, $0x0  }
0xc3: {  	(v2sf) =	vpush v4, $0x6  }
0xc4: {  	(v2sf) =	vpush v4, $0x1  }
0xc5: {  	(v2sf) =	vpush v5, $0x6  }
0xc6: {  	(v2sf) =	vpush v5, $0x1  }
0xc7: {  	(v2sf) =	vpush v4, $0x7  }
0xc8: {  	(v2sf) =	vpush v4, $0x2  }
0xc9: {  	(v2sf) =	vpush v5, $0x7  }
0xca: {  	(v2sf) =	vpush v5, $0x2  }
0xcb: {  	(v2sf) =	vpush v4, $0x8  }
0xcc: {  	(v2sf) =	vpush v4, $0x3  }
0xcd: {  	(v2sf) =	vpush v5, $0x8  }
0xce: {  	s10 =	spop (v2sf);
	(v2sf) =	vpush v5, $0x3  }
0xcf: {  	s31 =	spop (v2sf)  }
0xd0: {  	(v2sf) =	vpush v4, $0x9;
	s11 =	spop (v2sf)  }
0xd1: {  	(v2sf) =	vpush v4, $0x4;
	s12 =	spop (v2sf)  }
0xd2: {  	(v2sf) =	vpush v5, $0x9;
	s13 =	spop (v2sf)  }
0xd3: {  	(v2sf) =	vpush v5, $0x4;
	s14 =	spop (v2sf)  }
0xd4: {  	s15 =	spop (v2sf)  }
0xd5: {  	s16 =	spop (v2sf)  }
0xd6: {  	s17 =	spop (v2sf)  }
0xd7: {  	s18 =	spop (v2sf)  }
0xd8: {  	s25 =	rddreg [dreg:$0x9];
	s29 =	spop (v2sf)  }
0xd9: {  	[dreg:$0x1e] =	wrdreg s10;
	s30 =	spop (v2sf)  }
0xda: {  	[dreg:$0x1f] =	wrdreg s31;
	s23 =	spop (v2sf)  }
0xdb: {  	s0 =	spop (v2sf);
	[smem:$0x7FD] =	sst s23  }
0xdc: {  	[smem:$0x7F6] =	sst s0;
	s8 =	spop (v2sf)  }
0xdd: {  	[smem:$0x7F7] =	sst s8;
	s19 =	spop (v2sf)  }
0xde: {  	[smem:$0x7F8] =	sst s19  }
.Ltmp8:
0xdf: {  	s20 =	spop (v2sf);
	(pc) =	sbr.rel .LBB2_28-.Ltmp8, $4  }
0xe0: {  	v6 =	vbroadcast v3, $0x6;
	[smem:$0x7F9] =	sst s20;
	s21 =	spop (v2sf)  }
0xe1: {  	v7 =	vbroadcast v3, $0x9;
	v8 =	vbroadcast v3, $0xC;
	[smem:$0x7FA] =	sst s21;
	s22 =	spop (v2sf)  }
0xe2: {  	v9 =	vbroadcast v3, $0xD;
	v4 =	vbroadcast v3, $0x0;
	[smem:$0x7FB] =	sst s22;
	s24 =	spop (v2sf)  }
0xe3: {  	v10 =	vmov s25;
	v5 =	vbroadcast v3, $0x3;
	v3 =	vbroadcast v3, $0xE;
	[smem:$0x7FC] =	sst s24  }
.LBB2_36:
0xe4: {  	p0 =	slt.s32 s28, s9  }
.Ltmp9:
0xe5: {  	_ = 	snop;
	(pc) =	sbr.rel @!p0 .LBB2_37-.Ltmp9, $3  }
0xe6: {  	_ =	sdelay $0x1  }
0xe7: {  	s0 =	sadd.s32 $0x1, s28  }
0xe8: {  	s28 =	smov.u32 s0  }
.LBB2_28:
0xe9: {  	s0 =	scvt.s32.f32 s28;
	_ =	sdelay $0x1  }
0xea: {  	s0 =	smul.f32 $8.000000000e+00, s0;
	_ =	sdelay $0x1  }
0xeb: {  	s0 =	sadd.f32 s26, s0;
	_ =	sdelay $0x1  }
0xec: {  	s0 =	sadd.f32 s0, s0  }
0xed: {  	s20 =	sld [smem:$0x7F6]  }
0xee: {  	s0 =	sadd.f32 $-2.550000000e+02, s0  }
0xef: {  	s21 =	sld [smem:$0x7F8]  }
0xf0: {  	s6 =	sld [smem:$0x7FA];
	s0 =	smul.f32 $3.906250000e-03, s0  }
0xf1: {  	s7 =	sld [smem:$0x7F7]  }
0xf2: {  	s22 =	sld [smem:$0x7FC];
	s1 =	smul.f32 s0, s31  }
0xf3: {  	s24 =	sld [smem:$0x7F9];
	s2 =	smul.f32 s0, s12  }
0xf4: {  	s25 =	sld [smem:$0x7FB];
	s3 =	smul.f32 s0, s14  }
0xf5: {  	s4 =	smul.f32 s0, s16;
	s1 =	sadd.f32 s1, s10  }
0xf6: {  	s5 =	smul.f32 s0, s18;
	s2 =	sadd.f32 s2, s11  }
0xf7: {  	s19 =	smul.f32 s0, s30;
	s3 =	sadd.f32 s3, s13  }
0xf8: {  	s6 =	smul.f32 s0, s6;
	s4 =	sadd.f32 s4, s15  }
0xf9: {  	s8 =	sadd.f32 s5, s17;
	s5 =	smul.f32 s0, s21  }
0xfa: {  	s1 =	smax.f32 s1, s3;
	s2 =	smin.f32 s2, s4  }
0xfb: {  	s3 =	smul.f32 s0, s20;
	s4 =	sadd.f32 s19, s29  }
0xfc: {  	s5 =	sadd.f32 s5, s7;
	s19 =	smul.f32 s0, s22  }
0xfd: {  	s1 =	smax.f32 s1, s8;
	s3 =	sadd.f32 s3, s23  }
0xfe: {  	s2 =	smin.f32 s2, s4;
	s4 =	sadd.f32 s6, s24  }
0xff: {  	s1 =	smax.f32 s1, s3;
	s3 =	sadd.f32 s19, s25  }
0x100: {  	s2 =	smin.f32 s2, s5;
	s1 =	smax.f32 s1, s4  }
0x101: {  	s2 =	smin.f32 s2, s3;
	s1 =	smul.f32 $2.560000000e+02, s1  }
0x102: {  	s2 =	smul.f32 $2.560000000e+02, s2  }
0x103: {  	s1 =	sadd.f32 $2.550000000e+02, s1  }
0x104: {  	s2 =	sadd.f32 $2.550000000e+02, s2  }
0x105: {  	s1 =	smul.f32 $5.000000000e-01, s1  }
0x106: {  	s2 =	smul.f32 $5.000000000e-01, s2;
	_ =	sdelay $0x1  }
0x107: {  	s1 =	smax.f32 s1, $-2.000000000e+00;
	s2 =	smax.f32 s2, $-2.000000000e+00  }
0x108: {  	s1 =	smin.f32 s1, $3.000000000e+02;
	s2 =	smin.f32 s2, $3.000000000e+02  }
0x109: {  	s1 =	scvt.f32.s32 s1;
	s2 =	scvt.f32.s32 s2  }
0x10a: {  	_ = 	snop  }
0x10b: {  	s20 =	sadd.s32 $0xFFFFFFFF, s1;
	s1 =	sadd.s32 $0x1, s2  }
0x10c: {  	p0 =	sgt.s32 s20, $0x0;
	p1 =	slt.s32 s1, $0xFF  }
0x10d: {  	s20 =	simm.s32 @!p0 $0x0;
	s1 =	simm.s32 @!p1 $0xFF  }
0x10e: {  	p0 =	sgt.s32 s20, s1  }
.Ltmp10:
0x10f: {  	_ = 	snop;
	(pc) =	sbr.rel @p0 .LBB2_36-.Ltmp10, $1  }
0x110: {  	_ =	sdelay $0x3  }
0x111: {  	s21 =	sand.u32 $0x7FFFFFF0, s20  }
0x112: {  	s1 =	ssub.s32 s1, s21  }
0x113: {  	s19 =	sshra.s32 s1, $0x5  }
0x114: {  	s1 =	sadd.s32 $0x1, s19  }
0x115: {  	s3 =	rddreg [dreg:$0xa];
	s2 =	sand.u32 $0x80, s1  }
0x116: {  	s4 =	rddreg [dreg:$0xc];
	s2 =	sshrl.u32 s2, $0x7  }
0x117: {  	s5 =	rddreg [dreg:$0xb];
	s2 =	sadd.s32 s2, s1  }
0x118: {  	s8 =	rddreg [dreg:$0xe];
	s2 =	sand.u32 $0xFE, s2  }
0x119: {  	s22 =	rddreg [dreg:$0x10];
	s3 =	smul.f32 s0, s3;
	s2 =	ssub.s32 s1, s2  }
0x11a: {  	s25 =	rddreg [dreg:$0x11];
	s23 =	smul.f32 s0, s22;
	s2 =	sshll.u32 s2, $0x18  }
0x11b: {  	s4 =	smul.f32 s0, s4;
	s3 =	sadd.f32 s3, s5;
	s22 =	sshra.s32 s2, $0x18  }
0x11c: {  	s5 =	smul.f32 s0, s8;
	s0 =	sadd.f32 s23, s25;
	s23 =	ssub.s32 s1, s22  }
0x11d: {  	s6 =	rddreg [dreg:$0xd];
	p0 =	slt.s32 s23, $0x1  }
.Ltmp11:
0x11e: {  	s24 =	rddreg [dreg:$0xf];
	(pc) =	sbr.rel @p0 .LBB2_33-.Ltmp11, $4  }
0x11f: {  	s4 =	sadd.f32 s4, s6  }
0x120: {  	s5 =	sadd.f32 s5, s24  }
0x121: {  	v11 =	vmov s3  }
0x122: {  	s25 =	sshll.u32 s28, $0x7;
	v12 =	vmov s4;
	v14 =	vmov s0;
	s24 =	sshrl.u32 s28, $0x3;
	v13 =	vmov s5  }
0x123: {  	s1 =	sadd.s32 $0x20, s21  }
0x124: {  	s2 =	sadd.s32 $0xFFFFFFE0, s1  }
0x125: {  	v16 =	vor.u32 s2, v2  }
0x126: {  	v15 =	vor.u32 s1, v2;
	v16 =	vcvt.s32.f32 v16  }
0x127: {  	s6 =	sadd.s32 $0x10, s1;
	v15 =	vcvt.s32.f32 v15  }
0x128: {  	v17 =	vor.u32 s6, v2;
	v16 =	vadd.f32 v16, v16  }
0x129: {  	s0 =	sshll.u32 s20, $0x3;
	s4 =	sadd.s32 $0xFFFFFFF0, s1;
	v18 =	vcvt.s32.f32 v17;
	v15 =	vadd.f32 v15, v15  }
0x12a: {  	s0 =	sand.u32 $0xFFFFFF80, s0;
	v22 =	vor.u32 s4, v2;
	v16 =	vadd.f32 $-2.550000000e+02, v16  }
0x12b: {  	s31 =	sadd.s32 $0x100, s0;
	v24 =	vcvt.s32.f32 v22;
	v18 =	vadd.f32 v18, v18;
	v15 =	vadd.f32 $-2.550000000e+02, v15  }
0x12c: {  	s26 =	smul.u32 $0xC00, s24;
	s3 =	sadd.s32 $0xFFFFFF00, s31;
	v16 =	vmul.f32 $3.906250000e-03, v16  }
0x12d: {  	s3 =	sand.u32 $0xFFFFFC00, s3;
	v24 =	vadd.f32 v24, v24;
	v18 =	vadd.f32 $-2.550000000e+02, v18;
	v15 =	vmul.f32 $3.906250000e-03, v15  }
0x12e: {  	s2 =	sand.u32 $0x70, s2;
	s3 =	sadd.s32 s26, s3;
	v20 =	vmul.f32 v16, v4;
	v21 =	vmul.f32 v16, v5  }
0x12f: {  	s5 =	sand.u32 $0x380, s25;
	s2 =	sor.u32 s2, s3;
	v45 =	vadd.f32 $-2.550000000e+02, v24;
	v18 =	vmul.f32 $3.906250000e-03, v18;
	v23 =	vmul.f32 v16, v6  }
0x130: {  	s2 =	sor.u32 s5, s2;
	v16 =	vmul.f32 v16, v7;
	v20 =	vadd.f32 v20, v11;
	v21 =	vadd.f32 v21, v12  }
0x131: {  	v26 =	vld [tilespmem:s2+$0x18000];
	v19 =	vmul.f32 v15, v4;
	v25 =	vmul.f32 v15, v5;
	v23 =	vadd.f32 v23, v13  }
0x132: {  	v16 =	vadd.f32 v16, v14;
	vm0 =	vge.f32 v20, $0.0e+00;
	vm1 =	vge.f32 v21, $0.0e+00  }
0x133: {  	v48 =	vmul.f32 v15, v6;
	vm0 =	vmand vm0, vm1;
	vm1 =	vge.f32 v23, $0.0e+00  }
0x134: {  	v47 =	vld [tilespmem:s2+$0x1B000];
	v46 =	vmul.f32 v16, v8;
	vm0 =	vmand vm1, vm0;
	vm1 =	vgt.f32 v16, v9  }
0x135: {  	v15 =	vmul.f32 v15, v7;
	vm0 =	vmand vm1, vm0;
	vm1 =	vlt.f32 v16, v3  }
0x136: {  	s7 =	sadd.s32 $0xFFFFFF80, s31;
	v16 =	vmul.f32 $3.906250000e-03, v45;
	vm0 =	vmand vm1, vm0;
	vm1 =	vgt.f32 v46, v26  }
0x137: {  	s3 =	sand.u32 $0xFFFFFC00, s7;
	v19 =	vadd.f32 v19, v11;
	v49 =	vadd.f32 v25, v12;
	vm0 =	vmand vm0, vm1  }
0x138: {  	s4 =	sand.u32 $0x70, s4;
	s3 =	sadd.s32 s26, s3;
	v50 =	vmul.f32 v16, v4;
	v51 =	vmul.f32 v16, v5;
	v21 =	vsel vm0, v46, v26  }
0x139: {  	s3 =	sor.u32 s4, s3;
	v24 =	vadd.f32 v48, v13;
	v53 =	vmul.f32 v16, v6;
	v52 =	vsel vm0, v10, v47;
	[tilespmem:s2+$0x18000] =	vst v21  }
0x13a: {  	s3 =	sor.u32 s5, s3;
	v16 =	vmul.f32 v16, v7;
	[tilespmem:s2+$0x1B000] =	vst v52;
	v54 =	vadd.f32 v50, v11;
	v55 =	vadd.f32 v51, v12  }
0x13b: {  	s8 =	sand.u32 $0xFFFFFC00, s31;
	v15 =	vadd.f32 v15, v14;
	vm0 =	vge.f32 v19, $0.0e+00;
	v19 =	vadd.f32 v53, v13;
	v56 =	vld [tilespmem:s3+$0x18000]  }
0x13c: {  	s9 =	sand.u32 $0x70, s1;
	s2 =	sadd.s32 s26, s8;
	v16 =	vadd.f32 v16, v14;
	vm1 =	vge.f32 v54, $0.0e+00;
	vm2 =	vge.f32 v55, $0.0e+00  }
0x13d: {  	vm3 =	vge.f32 v49, $0.0e+00;
	s2 =	sor.u32 s9, s2;
	vm1 =	vmand vm1, vm2;
	vm2 =	vge.f32 v19, $0.0e+00  }
0x13e: {  	s4 =	sor.u32 s5, s2;
	v19 =	vmul.f32 v16, v8;
	vm1 =	vmand vm2, vm1;
	vm2 =	vgt.f32 v16, v9  }
0x13f: {  	v59 =	vmul.f32 v15, v8;
	v58 =	vld [tilespmem:s4+$0x18000];
	vm1 =	vmand vm2, vm1;
	vm2 =	vlt.f32 v16, v3  }
0x140: {  	vm0 =	vmand vm0, vm3;
	v57 =	vld [tilespmem:s3+$0x1B000];
	vm1 =	vmand vm2, vm1;
	vm2 =	vgt.f32 v19, v56  }
0x141: {  	vm3 =	vge.f32 v24, $0.0e+00;
	vm1 =	vmand vm1, vm2;
	vm2 =	vlt.s32 v22, $0x100  }
0x142: {  	vm0 =	vmand vm3, vm0;
	v16 =	vld [tilespmem:s4+$0x1B000];
	vm1 =	vmand vm2, vm1;
	vm2 =	vgt.f32 v15, v9  }
0x143: {  	v60 =	vmul.f32 v18, v4;
	vm3 =	vlt.f32 v15, v3;
	vm0 =	vmand vm2, vm0  }
0x144: {  	p0 =	sgt.s32 s23, $0x2;
	s10 =	sadd.s32 $0x80, s31;
	v62 =	vmul.f32 v18, v6;
	vm2 =	vgt.f32 v59, v58;
	vm0 =	vmand vm3, vm0  }
.Ltmp12:
0x145: {  	v61 =	vmul.f32 v18, v5;
	s2 =	sand.u32 $0xFFFFFC00, s10;
	v15 =	vsel vm1, v10, v57;
	vm0 =	vmand vm0, vm2;
	(pc) =	sbr.rel @!p0 .LBB2_32-.Ltmp12, $4  }
0x146: {  	s0 =	sand.u32 $0x70, s6;
	v63 =	vadd.f32 v62, v13;
	s2 =	sadd.s32 s26, s2;
	[tilespmem:s3+$0x1B000] =	vst v15;
	v15 =	vmul.f32 v18, v7;
	v18 =	vsel vm0, v59, v58  }
0x147: {  	v20 =	vadd.f32 v60, v11;
	s0 =	sor.u32 s0, s2;
	v16 =	vsel vm0, v10, v16;
	[tilespmem:s4+$0x18000] =	vst v18;
	v18 =	vadd.f32 v61, v12  }
0x148: {  	s2 =	sor.u32 s5, s0;
	vm0 =	vlt.s32 v17, $0x100;
	v17 =	vsel vm1, v19, v56;
	v15 =	vadd.f32 v15, v14;
	[tilespmem:s4+$0x1B000] =	vst v16  }
0x149: {  	s1 =	sadd.s32 $0x40, s1;
	s0 =	simm.s32 $0x2;
	vm2 =	vge.f32 v20, $0.0e+00;
	vm1 =	vge.f32 v63, $0.0e+00;
	[tilespmem:s3+$0x18000] =	vst v17;
	v16 =	vld [tilespmem:s2+$0x18000];
	vm3 =	vge.f32 v18, $0.0e+00  }
.LBB2_31:
0x14a: {  	s3 =	sadd.s32 $0xFFFFFFE0, s1;
	v17 =	vor.u32 s1, v2;
	s7 =	sand.u32 $0x70, s1;
	s4 =	sadd.s32 $0x10, s1;
	v18 =	vmul.f32 v15, v8;
	vm2 =	vmand vm2, vm3;
	v19 =	vld [tilespmem:s2+$0x1B000]  }
0x14b: {  	s0 =	sadd.s32 $0x2, s0;
	v20 =	vor.u32 s3, v2;
	v17 =	vcvt.s32.f32 v17;
	v21 =	vor.u32 s4, v2;
	s4 =	sand.u32 $0x70, s4  }
0x14c: {  	p0 =	slt.s32 s0, s23;
	vm1 =	vmand vm1, vm2;
	v20 =	vcvt.s32.f32 v20;
	v22 =	vcvt.s32.f32 v21  }
0x14d: {  	vm3 =	vlt.f32 v15, v3;
	vm2 =	vgt.f32 v15, v9;
	v17 =	vadd.f32 v17, v17  }
0x14e: {  	vm1 =	vmand vm2, vm1;
	v15 =	vadd.f32 v20, v20;
	v20 =	vadd.f32 v22, v22  }
0x14f: {  	vm1 =	vmand vm3, vm1;
	vm2 =	vgt.f32 v18, v16;
	v17 =	vadd.f32 $-2.550000000e+02, v17  }
0x150: {  	vm1 =	vmand vm1, vm2;
	v15 =	vadd.f32 $-2.550000000e+02, v15;
	v20 =	vadd.f32 $-2.550000000e+02, v20  }
0x151: {  	s31 =	sadd.s32 $0x200, s31;
	vm1 =	vmand vm0, vm1;
	vm0 =	vlt.s32 v21, $0x100;
	v17 =	vmul.f32 $3.906250000e-03, v17  }
0x152: {  	s6 =	sadd.s32 $0xFFFFFF00, s31;
	s8 =	sand.u32 $0xFFFFFC00, s31;
	s9 =	sadd.s32 $0x80, s31;
	v16 =	vsel vm1, v18, v16;
	v21 =	vmul.f32 $3.906250000e-03, v15;
	v15 =	vmul.f32 $3.906250000e-03, v20  }
0x153: {  	s10 =	sand.u32 $0xFFFFFC00, s6;
	s6 =	sadd.s32 $0xFFFFFFF0, s1;
	s8 =	sadd.s32 s26, s8;
	v18 =	vmul.f32 v17, v4;
	v20 =	vmul.f32 v17, v5;
	[tilespmem:s2+$0x18000] =	vst v16;
	v16 =	vsel vm1, v10, v19  }
0x154: {  	s3 =	sand.u32 $0x70, s3;
	s10 =	sadd.s32 s26, s10;
	v23 =	vor.u32 s6, v2;
	s7 =	sor.u32 s7, s8;
	v19 =	vmul.f32 v21, v4;
	v22 =	vmul.f32 v21, v5;
	[tilespmem:s2+$0x1B000] =	vst v16  }
0x155: {  	v24 =	vcvt.s32.f32 v23;
	v16 =	vmul.f32 v21, v6;
	s2 =	sor.u32 s3, s10;
	s3 =	sor.u32 s5, s7;
	s7 =	sand.u32 $0xFFFFFC00, s9;
	v18 =	vadd.f32 v18, v11  }
0x156: {  	v21 =	vmul.f32 v21, v7;
	s8 =	sor.u32 s5, s2;
	s2 =	sadd.s32 s26, s7;
	v19 =	vadd.f32 v19, v11;
	v22 =	vadd.f32 v22, v12;
	v25 =	vld [tilespmem:s3+$0x18000]  }
0x157: {  	v24 =	vadd.f32 v24, v24;
	v27 =	vmul.f32 v17, v6;
	v16 =	vadd.f32 v16, v13;
	s2 =	sor.u32 s4, s2;
	v26 =	vld [tilespmem:s8+$0x18000]  }
0x158: {  	v21 =	vadd.f32 v21, v14;
	s2 =	sor.u32 s5, s2;
	vm1 =	vge.f32 v19, $0.0e+00;
	vm2 =	vge.f32 v22, $0.0e+00;
	v19 =	vld [tilespmem:s3+$0x1B000]  }
0x159: {  	vm1 =	vmand vm1, vm2;
	vm2 =	vge.f32 v16, $0.0e+00;
	v16 =	vadd.f32 $-2.550000000e+02, v24  }
0x15a: {  	v22 =	vmul.f32 v21, v8;
	vm1 =	vmand vm2, vm1;
	vm2 =	vgt.f32 v21, v9;
	v24 =	vld [tilespmem:s8+$0x1B000]  }
0x15b: {  	v20 =	vadd.f32 v20, v12;
	vm1 =	vmand vm2, vm1;
	vm2 =	vlt.f32 v21, v3  }
0x15c: {  	s4 =	sadd.s32 $0xFFFFFF80, s31;
	v16 =	vmul.f32 $3.906250000e-03, v16;
	vm1 =	vmand vm2, vm1;
	vm2 =	vgt.f32 v22, v26  }
0x15d: {  	v17 =	vmul.f32 v17, v7;
	s4 =	sand.u32 $0xFFFFFC00, s4;
	v21 =	vadd.f32 v27, v13;
	vm1 =	vmand vm1, vm2  }
0x15e: {  	s6 =	sand.u32 $0x70, s6;
	s4 =	sadd.s32 s26, s4;
	v27 =	vmul.f32 v16, v5;
	v22 =	vsel vm1, v22, v26;
	v26 =	vmul.f32 v16, v4  }
0x15f: {  	s4 =	sor.u32 s6, s4;
	[tilespmem:s8+$0x18000] =	vst v22;
	v22 =	vsel vm1, v10, v24;
	v24 =	vmul.f32 v16, v6;
	vm1 =	vge.f32 v18, $0.0e+00  }
0x160: {  	s4 =	sor.u32 s5, s4;
	v16 =	vmul.f32 v16, v7;
	[tilespmem:s8+$0x1B000] =	vst v22;
	v18 =	vadd.f32 v26, v11;
	v22 =	vadd.f32 v27, v12  }
0x161: {  	v17 =	vadd.f32 v17, v14;
	vm2 =	vge.f32 v20, $0.0e+00;
	v24 =	vadd.f32 v24, v13;
	v26 =	vld [tilespmem:s4+$0x18000]  }
0x162: {  	v16 =	vadd.f32 v16, v14;
	vm3 =	vge.f32 v18, $0.0e+00;
	vm4 =	vge.f32 v22, $0.0e+00  }
0x163: {  	vm1 =	vmand vm1, vm2;
	vm3 =	vmand vm3, vm4;
	vm4 =	vge.f32 v24, $0.0e+00  }
0x164: {  	v18 =	vmul.f32 v16, v8;
	vm2 =	vmand vm4, vm3;
	vm3 =	vgt.f32 v16, v9;
	v20 =	vld [tilespmem:s4+$0x1B000]  }
0x165: {  	vm4 =	vge.f32 v21, $0.0e+00;
	vm2 =	vmand vm3, vm2;
	vm3 =	vlt.f32 v16, v3  }
0x166: {  	vm1 =	vmand vm4, vm1;
	vm2 =	vmand vm3, vm2;
	vm3 =	vgt.f32 v18, v26  }
0x167: {  	v16 =	vmul.f32 v17, v8;
	vm2 =	vmand vm2, vm3;
	vm3 =	vlt.s32 v23, $0x100  }
0x168: {  	vm4 =	vlt.f32 v17, v3;
	vm2 =	vmand vm3, vm2;
	vm3 =	vgt.f32 v17, v9  }
0x169: {  	v17 =	vsel vm2, v10, v20;
	vm1 =	vmand vm3, vm1;
	vm3 =	vgt.f32 v16, v25  }
0x16a: {  	v20 =	vmul.f32 v15, v5;
	[tilespmem:s4+$0x1B000] =	vst v17;
	vm1 =	vmand vm4, vm1;
	v17 =	vmul.f32 v15, v4  }
.Ltmp13:
0x16b: {  	v21 =	vmul.f32 v15, v6;
	v15 =	vmul.f32 v15, v7;
	vm1 =	vmand vm1, vm3;
	(pc) =	sbr.rel @p0 .LBB2_31-.Ltmp13, $4  }
0x16c: {  	v16 =	vsel vm1, v16, v25;
	v19 =	vsel vm1, v10, v19;
	v17 =	vadd.f32 v17, v11  }
0x16d: {  	v21 =	vadd.f32 v21, v13;
	v18 =	vsel vm2, v18, v26;
	v20 =	vadd.f32 v20, v12;
	[tilespmem:s3+$0x18000] =	vst v16  }
0x16e: {  	v15 =	vadd.f32 v15, v14;
	[tilespmem:s3+$0x1B000] =	vst v19;
	vm2 =	vge.f32 v17, $0.0e+00  }
0x16f: {  	s1 =	sadd.s32 $0x40, s1;
	vm1 =	vge.f32 v21, $0.0e+00;
	vm3 =	vge.f32 v20, $0.0e+00;
	[tilespmem:s4+$0x18000] =	vst v18;
	v16 =	vld [tilespmem:s2+$0x18000]  }
.LBB2_32:
0x170: {  	_ = 	snop  }
0x171: {  	vm2 =	vmand vm2, vm3  }
0x172: {  	v17 =	vmul.f32 v15, v8;
	vm13 =	vgt.f32 v15, v9;
	vm1 =	vmand vm1, vm2  }
0x173: {  	v18 =	vld [tilespmem:s2+$0x1B000];
	vm14 =	vlt.f32 v15, v3;
	vm1 =	vmand vm13, vm1  }
0x174: {  	vm1 =	vmand vm14, vm1;
	vm15 =	vgt.f32 v17, v16  }
0x175: {  	vm1 =	vmand vm1, vm15  }
0x176: {  	vm0 =	vmand vm0, vm1  }
0x177: {  	v15 =	vsel vm0, v17, v16  }
0x178: {  	[tilespmem:s2+$0x18000] =	vst v15;
	v15 =	vsel vm0, v10, v18  }
0x179: {  	[tilespmem:s2+$0x1B000] =	vst v15  }
0x17a: {  	s26 =	rddreg [dreg:$0x4]  }
0x17b: {  	s9 =	rddreg [dreg:$0x12]  }
0x17c: {  	s10 =	rddreg [dreg:$0x1e]  }
0x17d: {  	s31 =	rddreg [dreg:$0x1f]  }
.LBB2_33:
0x17e: {  	p0 =	sgt.s32 s23, s19  }
.Ltmp14:
0x17f: {  	_ = 	snop;
	(pc) =	sbr.rel @p0 .LBB2_36-.Ltmp14, $2  }
0x180: {  	_ =	sdelay $0x2  }
0x181: {  	s23 =	sld [smem:$0x7FD]  }
0x182: {  	s0 =	smul.u32 $0xC00, s24;
	s1 =	sand.u32 $0x380, s25  }
0x183: {  	s2 =	sshll.u32 s19, $0x8;
	s3 =	sshll.u32 s20, $0x3;
	s4 =	sshll.u32 s19, $0x5  }
0x184: {  	s5 =	sshll.u32 s22, $0x5;
	s3 =	sand.u32 $0xFFFFFF80, s3;
	s4 =	sadd.s32 s21, s4  }
0x185: {  	s6 =	sshll.u32 s22, $0x8;
	s3 =	sadd.s32 s3, s2;
	s5 =	ssub.s32 s4, s5  }
0x186: {  	s2 =	ssub.s32 s19, s22;
	s4 =	ssub.s32 s3, s6;
	s3 =	sadd.s32 $0x20, s5  }
.LBB2_35:
0x187: {  	v15 =	vor.u32 s3, v2  }
0x188: {  	v15 =	vcvt.s32.f32 v15;
	_ =	sdelay $0x1  }
0x189: {  	v15 =	vadd.f32 v15, v15;
	_ =	sdelay $0x1  }
0x18a: {  	v15 =	vadd.f32 $-2.550000000e+02, v15;
	_ =	sdelay $0x1  }
0x18b: {  	s5 =	sadd.s32 $0x100, s4;
	v15 =	vmul.f32 $3.906250000e-03, v15  }
0x18c: {  	s6 =	sand.u32 $0xFFFFFC00, s5  }
0x18d: {  	s7 =	sand.u32 $0x70, s3;
	s8 =	sadd.s32 $0x10, s3;
	s6 =	sadd.s32 s0, s6;
	v16 =	vmul.f32 v15, v4;
	v17 =	vmul.f32 v15, v5  }
0x18e: {  	v19 =	vor.u32 s8, v2;
	s6 =	sor.u32 s7, s6;
	v18 =	vmul.f32 v15, v6;
	v15 =	vmul.f32 v15, v7  }
0x18f: {  	v20 =	vcvt.s32.f32 v19;
	s6 =	sor.u32 s1, s6;
	v16 =	vadd.f32 v16, v11;
	v17 =	vadd.f32 v17, v12  }
0x190: {  	v21 =	vld [tilespmem:s6+$0x18000];
	v18 =	vadd.f32 v18, v13;
	v15 =	vadd.f32 v15, v14  }
0x191: {  	v52 =	vadd.f32 v20, v20;
	vm0 =	vge.f32 v16, $0.0e+00;
	vm1 =	vge.f32 v17, $0.0e+00  }
0x192: {  	v53 =	vmul.f32 v15, v8;
	vm5 =	vge.f32 v18, $0.0e+00;
	vm0 =	vmand vm0, vm1  }
0x193: {  	v54 =	vld [tilespmem:s6+$0x1B000];
	vm6 =	vgt.f32 v15, v9;
	v16 =	vadd.f32 $-2.550000000e+02, v52;
	vm0 =	vmand vm5, vm0  }
0x194: {  	vm7 =	vlt.f32 v15, v3;
	vm0 =	vmand vm6, vm0  }
0x195: {  	s24 =	sadd.s32 $0x180, s4;
	vm8 =	vgt.f32 v53, v21;
	v15 =	vmul.f32 $3.906250000e-03, v16;
	vm0 =	vmand vm7, vm0  }
0x196: {  	s4 =	sand.u32 $0xFFFFFC00, s24;
	vm0 =	vmand vm0, vm8  }
0x197: {  	s25 =	sand.u32 $0x70, s8;
	s4 =	sadd.s32 s0, s4;
	v56 =	vmul.f32 v15, v4;
	v57 =	vmul.f32 v15, v5;
	v55 =	vsel vm0, v53, v21  }
0x198: {  	s4 =	sor.u32 s25, s4;
	v59 =	vmul.f32 v15, v6;
	v58 =	vsel vm0, v10, v54;
	[tilespmem:s6+$0x18000] =	vst v55  }
0x199: {  	s4 =	sor.u32 s1, s4;
	v15 =	vmul.f32 v15, v7;
	v60 =	vadd.f32 v56, v11;
	v61 =	vadd.f32 v57, v12;
	[tilespmem:s6+$0x1B000] =	vst v58  }
0x19a: {  	v18 =	vadd.f32 v59, v13;
	v62 =	vld [tilespmem:s4+$0x18000]  }
0x19b: {  	v15 =	vadd.f32 v15, v14;
	vm9 =	vge.f32 v60, $0.0e+00;
	vm10 =	vge.f32 v61, $0.0e+00  }
0x19c: {  	vm11 =	vge.f32 v18, $0.0e+00;
	vm0 =	vmand vm9, vm10  }
0x19d: {  	v63 =	vmul.f32 v15, v8;
	vm12 =	vgt.f32 v15, v9;
	vm0 =	vmand vm11, vm0  }
0x19e: {  	s2 =	sadd.s32 $0x1, s2;
	vm13 =	vlt.f32 v15, v3;
	v15 =	vld [tilespmem:s4+$0x1B000];
	vm0 =	vmand vm12, vm0  }
0x19f: {  	p0 =	slt.s32 s2, s19;
	vm0 =	vmand vm13, vm0;
	vm14 =	vgt.f32 v63, v62  }
.Ltmp15:
0x1a0: {  	vm15 =	vlt.s32 v19, $0x100;
	vm0 =	vmand vm0, vm14;
	(pc) =	sbr.rel @p0 .LBB2_35-.Ltmp15, $4  }
0x1a1: {  	vm0 =	vmand vm15, vm0  }
0x1a2: {  	v16 =	vsel vm0, v63, v62  }
0x1a3: {  	v15 =	vsel vm0, v10, v15;
	[tilespmem:s4+$0x18000] =	vst v16  }
0x1a4: {  	s3 =	sadd.s32 $0x20, s3;
	[tilespmem:s4+$0x1B000] =	vst v15;
	s4 =	smov.u32 s5  }
.Ltmp16:
0x1a5: {  	_ = 	snop;
	(pc) =	sbr.rel .LBB2_36-.Ltmp16, $1  }
0x1a6: {  	_ =	sdelay $0x3  }
.LBB2_6:
0x1a7: {  	(v2sf) =	vpush v4, $0x5  }
0x1a8: {  	(v2sf) =	vpush v4, $0x0  }
0x1a9: {  	(v2sf) =	vpush v5, $0x5  }
0x1aa: {  	(v2sf) =	vpush v5, $0x0  }
0x1ab: {  	(v2sf) =	vpush v4, $0x6  }
0x1ac: {  	(v2sf) =	vpush v4, $0x1  }
0x1ad: {  	(v2sf) =	vpush v5, $0x6  }
0x1ae: {  	(v2sf) =	vpush v5, $0x1  }
0x1af: {  	(v2sf) =	vpush v4, $0x7  }
0x1b0: {  	(v2sf) =	vpush v4, $0x2  }
0x1b1: {  	(v2sf) =	vpush v5, $0x7  }
0x1b2: {  	(v2sf) =	vpush v5, $0x2  }
0x1b3: {  	(v2sf) =	vpush v4, $0x8  }
0x1b4: {  	(v2sf) =	vpush v4, $0x3  }
0x1b5: {  	(v2sf) =	vpush v5, $0x8  }
0x1b6: {  	s15 =	spop (v2sf);
	(v2sf) =	vpush v5, $0x3  }
0x1b7: {  	s30 =	spop (v2sf);
	(v2sf) =	vpush v4, $0x9  }
0x1b8: {  	s31 =	spop (v2sf);
	(v2sf) =	vpush v4, $0x4  }
0x1b9: {  	s0 =	spop (v2sf);
	(v2sf) =	vpush v5, $0x9  }
0x1ba: {  	s18 =	spop (v2sf);
	(v2sf) =	vpush v5, $0x4  }
0x1bb: {  	s19 =	spop (v2sf)  }
0x1bc: {  	s20 =	spop (v2sf)  }
0x1bd: {  	s25 =	rddreg [dreg:$0x9];
	s21 =	spop (v2sf)  }
0x1be: {  	[dreg:$0x13] =	wrdreg s15;
	s22 =	spop (v2sf)  }
0x1bf: {  	[dreg:$0x14] =	wrdreg s30;
	s23 =	spop (v2sf)  }
0x1c0: {  	[dreg:$0x15] =	wrdreg s31;
	s24 =	spop (v2sf)  }
0x1c1: {  	[dreg:$0x16] =	wrdreg s0;
	s8 =	spop (v2sf)  }
0x1c2: {  	[dreg:$0x17] =	wrdreg s18;
	s2 =	spop (v2sf)  }
0x1c3: {  	[dreg:$0x18] =	wrdreg s19;
	s11 =	spop (v2sf)  }
0x1c4: {  	[dreg:$0x19] =	wrdreg s20;
	s7 =	spop (v2sf)  }
.Ltmp17:
0x1c5: {  	s16 =	spop (v2sf);
	(pc) =	sbr.rel .LBB2_7-.Ltmp17, $4  }
0x1c6: {  	v6 =	vbroadcast v3, $0x0;
	[dreg:$0x1a] =	wrdreg s21;
	s3 =	spop (v2sf)  }
0x1c7: {  	v7 =	vbroadcast v3, $0x3;
	v8 =	vbroadcast v3, $0x6;
	[dreg:$0x1b] =	wrdreg s22;
	s6 =	spop (v2sf)  }
0x1c8: {  	v9 =	vbroadcast v3, $0x9;
	v10 =	vbroadcast v3, $0xC;
	[dreg:$0x1c] =	wrdreg s23;
	s17 =	spop (v2sf)  }
0x1c9: {  	v11 =	vbroadcast v3, $0xD;
	v12 =	vbroadcast v3, $0xE;
	v13 =	vmov s25;
	[dreg:$0x1d] =	wrdreg s24;
	s18 =	spop (v2sf)  }
.LBB2_24:
0x1ca: {  	vm0 =	vmand vm1, vm0;
	vm9 =	vgt.f32 v21, v19;
	v22 =	vmul.f32 $3.906250000e-03, v22;
	s4 =	sadd.s32 $0x180, s5  }
0x1cb: {  	vm0 =	vmand vm0, vm9;
	s4 =	sand.u32 $0xFFFFFC00, s4  }
0x1cc: {  	s25 =	sand.u32 $0x70, s20;
	v57 =	vsel vm0, v21, v19;
	v58 =	vmul.f32 v22, v6;
	v23 =	vmul.f32 v22, v7;
	s1 =	sadd.s32 s1, s4  }
0x1cd: {  	v59 =	vsel vm0, v13, v20;
	v60 =	vmul.f32 v22, v8;
	[tilespmem:s23+$0x18000] =	vst v57;
	s1 =	sor.u32 s25, s1  }
0x1ce: {  	v61 =	vmul.f32 v22, v9;
	[tilespmem:s23+$0x1B000] =	vst v59;
	v16 =	vadd.f32 v58, v16;
	v17 =	vadd.f32 v23, v17;
	s0 =	sor.u32 s0, s1  }
0x1cf: {  	v15 =	vadd.f32 v60, v15;
	v62 =	vld [tilespmem:s0+$0x18000]  }
0x1d0: {  	v14 =	vadd.f32 v61, v14;
	vm10 =	vge.f32 v16, $0.0e+00;
	vm11 =	vge.f32 v17, $0.0e+00  }
0x1d1: {  	vm12 =	vge.f32 v15, $0.0e+00;
	vm0 =	vmand vm10, vm11  }
0x1d2: {  	v63 =	vld [tilespmem:s0+$0x1B000];
	v15 =	vmul.f32 v14, v10;
	vm13 =	vgt.f32 v14, v11;
	vm0 =	vmand vm12, vm0  }
0x1d3: {  	vm14 =	vlt.f32 v14, v12;
	vm0 =	vmand vm13, vm0  }
0x1d4: {  	vm0 =	vmand vm14, vm0;
	vm15 =	vgt.f32 v15, v62  }
0x1d5: {  	vm2 =	vlt.s32 v18, $0x100;
	vm0 =	vmand vm0, vm15  }
0x1d6: {  	vm0 =	vmand vm2, vm0  }
0x1d7: {  	v14 =	vsel vm0, v13, v63  }
0x1d8: {  	v15 =	vsel vm0, v15, v62;
	[tilespmem:s0+$0x1B000] =	vst v14  }
0x1d9: {  	[tilespmem:s0+$0x18000] =	vst v15  }
.LBB2_25:
0x1da: {  	s29 =	sadd.s32 $0x2, s29  }
0x1db: {  	p0 =	slt.u32 s29, s28  }
.Ltmp18:
0x1dc: {  	_ = 	snop;
	(pc) =	sbr.rel @!p0 .LBB2_26-.Ltmp18, $1  }
0x1dd: {  	_ =	sdelay $0x3  }
.LBB2_7:
0x1de: {  	s0 =	scvt.s32.f32 s29;
	_ =	sdelay $0x1  }
0x1df: {  	s0 =	smul.f32 $8.000000000e+00, s0;
	_ =	sdelay $0x1  }
0x1e0: {  	s0 =	sadd.f32 s26, s0  }
0x1e1: {  	s4 =	rddreg [dreg:$0x16]  }
0x1e2: {  	s0 =	sadd.f32 s0, s0  }
0x1e3: {  	s23 =	rddreg [dreg:$0x18]  }
0x1e4: {  	s0 =	sadd.f32 $-2.550000000e+02, s0  }
0x1e5: {  	s24 =	rddreg [dreg:$0x1a]  }
0x1e6: {  	s25 =	rddreg [dreg:$0x17];
	s0 =	smul.f32 $3.906250000e-03, s0  }
0x1e7: {  	s12 =	rddreg [dreg:$0x1c]  }
0x1e8: {  	s13 =	rddreg [dreg:$0x19];
	s1 =	smul.f32 s0, s30  }
0x1e9: {  	s14 =	rddreg [dreg:$0x1b];
	s5 =	smul.f32 s0, s4  }
0x1ea: {  	s22 =	rddreg [dreg:$0x1d];
	s9 =	smul.f32 s0, s23  }
0x1eb: {  	s10 =	smul.f32 s0, s24;
	s1 =	sadd.f32 s1, s15  }
0x1ec: {  	s12 =	smul.f32 s0, s12;
	s5 =	sadd.f32 s5, s31  }
0x1ed: {  	s20 =	smul.f32 s0, s8;
	s9 =	sadd.f32 s9, s25  }
0x1ee: {  	s23 =	smul.f32 s0, s16;
	s10 =	sadd.f32 s10, s13  }
0x1ef: {  	s21 =	smul.f32 s0, s11;
	s19 =	sadd.f32 s12, s14  }
0x1f0: {  	s12 =	sadd.f32 s23, s7;
	s1 =	smax.f32 s1, s9  }
0x1f1: {  	s5 =	smin.f32 s5, s10;
	s10 =	sadd.f32 s20, s22  }
0x1f2: {  	s9 =	sadd.f32 s21, s2;
	s20 =	smul.f32 s0, s18  }
0x1f3: {  	s1 =	smax.f32 s1, s19;
	s19 =	smul.f32 s0, s6  }
0x1f4: {  	s5 =	smin.f32 s5, s10;
	s25 =	sadd.f32 s20, s17  }
0x1f5: {  	s24 =	sadd.f32 s19, s3;
	s5 =	smin.f32 s5, s12  }
0x1f6: {  	s1 =	smax.f32 s1, s9;
	s5 =	smin.f32 s5, s25  }
0x1f7: {  	s1 =	smax.f32 s1, s24;
	s5 =	smul.f32 $2.560000000e+02, s5  }
0x1f8: {  	s1 =	smul.f32 $2.560000000e+02, s1  }
0x1f9: {  	s5 =	sadd.f32 $2.550000000e+02, s5  }
0x1fa: {  	s1 =	sadd.f32 $2.550000000e+02, s1  }
0x1fb: {  	s5 =	smul.f32 $5.000000000e-01, s5  }
0x1fc: {  	s1 =	smul.f32 $5.000000000e-01, s1;
	_ =	sdelay $0x1  }
0x1fd: {  	s5 =	smax.f32 s5, $-2.000000000e+00;
	s1 =	smax.f32 s1, $-2.000000000e+00  }
0x1fe: {  	s5 =	smin.f32 s5, $3.000000000e+02;
	s1 =	smin.f32 s1, $3.000000000e+02  }
0x1ff: {  	s5 =	scvt.f32.s32 s5;
	s1 =	scvt.f32.s32 s1  }
0x200: {  	_ = 	snop  }
0x201: {  	s20 =	sadd.s32 $0xFFFFFFFF, s1;
	s1 =	sadd.s32 $0x1, s5  }
0x202: {  	p0 =	sgt.s32 s20, $0x0;
	p1 =	slt.s32 s1, $0xFF  }
0x203: {  	s20 =	simm.s32 @!p0 $0x0;
	s1 =	simm.s32 @!p1 $0xFF  }
0x204: {  	p0 =	sgt.s32 s20, s1  }
.Ltmp19:
0x205: {  	_ = 	snop;
	(pc) =	sbr.rel @p0 .LBB2_16-.Ltmp19, $1  }
0x206: {  	_ =	sdelay $0x3  }
0x207: {  	s21 =	sand.u32 $0x7FFFFFF0, s20  }
0x208: {  	s1 =	ssub.s32 s1, s21  }
0x209: {  	s19 =	sshra.s32 s1, $0x5  }
0x20a: {  	s1 =	sadd.s32 $0x1, s19  }
0x20b: {  	s4 =	rddreg [dreg:$0xa];
	s5 =	sand.u32 $0x80, s1  }
0x20c: {  	s10 =	rddreg [dreg:$0xc];
	s5 =	sshrl.u32 s5, $0x7  }
0x20d: {  	s12 =	rddreg [dreg:$0xb];
	s5 =	sadd.s32 s5, s1  }
0x20e: {  	s13 =	rddreg [dreg:$0xe];
	s5 =	sand.u32 $0xFE, s5  }
0x20f: {  	s22 =	rddreg [dreg:$0x10];
	s9 =	smul.f32 s0, s4;
	s5 =	ssub.s32 s1, s5  }
0x210: {  	s25 =	rddreg [dreg:$0x11];
	s23 =	smul.f32 s0, s22;
	s5 =	sshll.u32 s5, $0x18  }
0x211: {  	s10 =	smul.f32 s0, s10;
	s9 =	sadd.f32 s9, s12;
	s22 =	sshra.s32 s5, $0x18  }
0x212: {  	s12 =	smul.f32 s0, s13;
	s0 =	sadd.f32 s23, s25;
	s23 =	ssub.s32 s1, s22  }
0x213: {  	s14 =	rddreg [dreg:$0xd];
	p0 =	slt.s32 s23, $0x1  }
.Ltmp20:
0x214: {  	s24 =	rddreg [dreg:$0xf];
	(pc) =	sbr.rel @p0 .LBB2_12-.Ltmp20, $4  }
0x215: {  	s10 =	sadd.f32 s10, s14  }
0x216: {  	s12 =	sadd.f32 s12, s24  }
0x217: {  	v16 =	vmov s9  }
0x218: {  	s25 =	sshll.u32 s29, $0x7;
	v17 =	vmov s10;
	v14 =	vmov s0;
	s24 =	sshrl.u32 s29, $0x3;
	v15 =	vmov s12  }
0x219: {  	s0 =	sshll.u32 s20, $0x3  }
0x21a: {  	s0 =	sand.u32 $0xFFFFFF80, s0  }
0x21b: {  	s30 =	sadd.s32 $0x100, s0;
	s0 =	sadd.s32 $0x20, s21  }
0x21c: {  	s9 =	sadd.s32 $0xFFFFFFE0, s0  }
0x21d: {  	v19 =	vor.u32 s9, v2  }
0x21e: {  	v18 =	vor.u32 s0, v2;
	v19 =	vcvt.s32.f32 v19  }
0x21f: {  	s1 =	sadd.s32 $0x10, s0;
	v18 =	vcvt.s32.f32 v18  }
0x220: {  	v20 =	vor.u32 s1, v2;
	v19 =	vadd.f32 v19, v19  }
0x221: {  	s12 =	sadd.s32 $0xFFFFFFF0, s0;
	v21 =	vcvt.s32.f32 v20;
	v18 =	vadd.f32 v18, v18  }
0x222: {  	v25 =	vor.u32 s12, v2;
	v19 =	vadd.f32 $-2.550000000e+02, v19  }
0x223: {  	v27 =	vcvt.s32.f32 v25;
	v21 =	vadd.f32 v21, v21;
	v18 =	vadd.f32 $-2.550000000e+02, v18  }
0x224: {  	s26 =	smul.u32 $0xC00, s24;
	s10 =	sadd.s32 $0xFFFFFF00, s30;
	v19 =	vmul.f32 $3.906250000e-03, v19  }
0x225: {  	s10 =	sand.u32 $0xFFFFFC00, s10;
	v27 =	vadd.f32 v27, v27;
	v21 =	vadd.f32 $-2.550000000e+02, v21;
	v18 =	vmul.f32 $3.906250000e-03, v18  }
0x226: {  	s9 =	sand.u32 $0x70, s9;
	s10 =	sadd.s32 s26, s10;
	v23 =	vmul.f32 v19, v6;
	v24 =	vmul.f32 v19, v7  }
0x227: {  	s5 =	sand.u32 $0x380, s25;
	s9 =	sor.u32 s9, s10;
	v41 =	vadd.f32 $-2.550000000e+02, v27;
	v21 =	vmul.f32 $3.906250000e-03, v21;
	v26 =	vmul.f32 v19, v8  }
0x228: {  	s9 =	sor.u32 s5, s9;
	v19 =	vmul.f32 v19, v9;
	v23 =	vadd.f32 v23, v16;
	v24 =	vadd.f32 v24, v17  }
0x229: {  	v29 =	vld [tilespmem:s9+$0x18000];
	v22 =	vmul.f32 v18, v6;
	v28 =	vmul.f32 v18, v7;
	v26 =	vadd.f32 v26, v15  }
0x22a: {  	v19 =	vadd.f32 v19, v14;
	vm0 =	vge.f32 v23, $0.0e+00;
	vm1 =	vge.f32 v24, $0.0e+00  }
0x22b: {  	v44 =	vmul.f32 v18, v8;
	vm0 =	vmand vm0, vm1;
	vm1 =	vge.f32 v26, $0.0e+00  }
0x22c: {  	v43 =	vld [tilespmem:s9+$0x1B000];
	v42 =	vmul.f32 v19, v10;
	vm0 =	vmand vm1, vm0;
	vm1 =	vgt.f32 v19, v11  }
0x22d: {  	v18 =	vmul.f32 v18, v9;
	vm0 =	vmand vm1, vm0;
	vm1 =	vlt.f32 v19, v12  }
0x22e: {  	s15 =	sadd.s32 $0xFFFFFF80, s30;
	v19 =	vmul.f32 $3.906250000e-03, v41;
	vm0 =	vmand vm1, vm0;
	vm1 =	vgt.f32 v42, v29  }
0x22f: {  	s10 =	sand.u32 $0xFFFFFC00, s15;
	v22 =	vadd.f32 v22, v16;
	v45 =	vadd.f32 v28, v17;
	vm0 =	vmand vm0, vm1  }
0x230: {  	s12 =	sand.u32 $0x70, s12;
	s10 =	sadd.s32 s26, s10;
	v46 =	vmul.f32 v19, v6;
	v47 =	vmul.f32 v19, v7;
	v24 =	vsel vm0, v42, v29  }
0x231: {  	s10 =	sor.u32 s12, s10;
	v27 =	vadd.f32 v44, v15;
	v49 =	vmul.f32 v19, v8;
	v48 =	vsel vm0, v13, v43;
	[tilespmem:s9+$0x18000] =	vst v24  }
0x232: {  	s4 =	sor.u32 s5, s10;
	v19 =	vmul.f32 v19, v9;
	[tilespmem:s9+$0x1B000] =	vst v48;
	v50 =	vadd.f32 v46, v16;
	v51 =	vadd.f32 v47, v17  }
0x233: {  	s13 =	sand.u32 $0xFFFFFC00, s30;
	v18 =	vadd.f32 v18, v14;
	vm3 =	vge.f32 v45, $0.0e+00;
	v52 =	vadd.f32 v49, v15;
	v53 =	vld [tilespmem:s4+$0x18000]  }
0x234: {  	s14 =	sand.u32 $0x70, s0;
	s10 =	sadd.s32 s26, s13;
	v19 =	vadd.f32 v19, v14;
	vm1 =	vge.f32 v50, $0.0e+00;
	vm2 =	vge.f32 v51, $0.0e+00  }
0x235: {  	s10 =	sor.u32 s14, s10;
	v57 =	vmul.f32 v18, v10;
	vm1 =	vmand vm1, vm2;
	vm2 =	vge.f32 v52, $0.0e+00  }
0x236: {  	s10 =	sor.u32 s5, s10;
	v54 =	vmul.f32 v19, v10;
	vm1 =	vmand vm2, vm1;
	vm2 =	vgt.f32 v19, v11  }
0x237: {  	v56 =	vld [tilespmem:s10+$0x18000];
	vm0 =	vge.f32 v22, $0.0e+00;
	vm1 =	vmand vm2, vm1;
	vm2 =	vlt.f32 v19, v12  }
0x238: {  	vm0 =	vmand vm0, vm3;
	v55 =	vld [tilespmem:s4+$0x1B000];
	vm1 =	vmand vm2, vm1;
	vm2 =	vgt.f32 v54, v53  }
0x239: {  	vm3 =	vge.f32 v27, $0.0e+00;
	vm1 =	vmand vm1, vm2;
	vm2 =	vlt.s32 v25, $0x100  }
0x23a: {  	vm0 =	vmand vm3, vm0;
	v19 =	vld [tilespmem:s10+$0x1B000];
	vm1 =	vmand vm2, vm1;
	vm2 =	vgt.f32 v18, v11  }
0x23b: {  	v58 =	vmul.f32 v21, v6;
	vm3 =	vlt.f32 v18, v12;
	vm0 =	vmand vm2, vm0  }
0x23c: {  	p0 =	sgt.s32 s23, $0x2;
	s15 =	sadd.s32 $0x80, s30;
	v59 =	vmul.f32 v21, v7;
	vm2 =	vgt.f32 v57, v56;
	vm0 =	vmand vm3, vm0  }
.Ltmp21:
0x23d: {  	s12 =	sand.u32 $0xFFFFFC00, s15;
	v60 =	vmul.f32 v21, v8;
	v18 =	vsel vm1, v13, v55;
	vm0 =	vmand vm0, vm2;
	(pc) =	sbr.rel @!p0 .LBB2_11-.Ltmp21, $4  }
0x23e: {  	s1 =	sand.u32 $0x70, s1;
	s12 =	sadd.s32 s26, s12;
	v62 =	vadd.f32 v59, v17;
	[tilespmem:s4+$0x1B000] =	vst v18;
	v18 =	vmul.f32 v21, v9;
	v61 =	vsel vm0, v57, v56  }
0x23f: {  	s1 =	sor.u32 s1, s12;
	v63 =	vadd.f32 v60, v15;
	v23 =	vadd.f32 v58, v16;
	v19 =	vsel vm0, v13, v19;
	[tilespmem:s10+$0x18000] =	vst v61  }
0x240: {  	s1 =	sor.u32 s5, s1;
	vm0 =	vlt.s32 v20, $0x100;
	v20 =	vsel vm1, v54, v53;
	v18 =	vadd.f32 v18, v14;
	[tilespmem:s10+$0x1B000] =	vst v19  }
0x241: {  	s31 =	simm.s32 $0x2;
	s0 =	sadd.s32 $0x40, s0;
	vm3 =	vge.f32 v62, $0.0e+00;
	vm2 =	vge.f32 v23, $0.0e+00;
	vm1 =	vge.f32 v63, $0.0e+00;
	[tilespmem:s4+$0x18000] =	vst v20;
	v19 =	vld [tilespmem:s1+$0x18000]  }
.LBB2_10:
0x242: {  	s9 =	sadd.s32 $0xFFFFFFE0, s0;
	v20 =	vor.u32 s0, v2;
	s13 =	sand.u32 $0x70, s0;
	s10 =	sadd.s32 $0x10, s0;
	v21 =	vmul.f32 v18, v10;
	vm2 =	vmand vm2, vm3;
	v22 =	vld [tilespmem:s1+$0x1B000]  }
0x243: {  	s31 =	sadd.s32 $0x2, s31;
	v23 =	vor.u32 s9, v2;
	v20 =	vcvt.s32.f32 v20;
	v24 =	vor.u32 s10, v2;
	s10 =	sand.u32 $0x70, s10  }
0x244: {  	p0 =	slt.s32 s31, s23;
	vm1 =	vmand vm1, vm2;
	v23 =	vcvt.s32.f32 v23;
	v25 =	vcvt.s32.f32 v24  }
0x245: {  	vm3 =	vlt.f32 v18, v12;
	vm2 =	vgt.f32 v18, v11;
	v20 =	vadd.f32 v20, v20  }
0x246: {  	vm1 =	vmand vm2, vm1;
	v18 =	vadd.f32 v23, v23;
	v23 =	vadd.f32 v25, v25  }
0x247: {  	vm1 =	vmand vm3, vm1;
	vm2 =	vgt.f32 v21, v19;
	v20 =	vadd.f32 $-2.550000000e+02, v20  }
0x248: {  	vm1 =	vmand vm1, vm2;
	v18 =	vadd.f32 $-2.550000000e+02, v18;
	v23 =	vadd.f32 $-2.550000000e+02, v23  }
0x249: {  	s30 =	sadd.s32 $0x200, s30;
	vm1 =	vmand vm0, vm1;
	vm0 =	vlt.s32 v24, $0x100;
	v20 =	vmul.f32 $3.906250000e-03, v20  }
0x24a: {  	s12 =	sadd.s32 $0xFFFFFF00, s30;
	s14 =	sand.u32 $0xFFFFFC00, s30;
	s15 =	sadd.s32 $0x80, s30;
	v19 =	vsel vm1, v21, v19;
	v24 =	vmul.f32 $3.906250000e-03, v18;
	v18 =	vmul.f32 $3.906250000e-03, v23  }
0x24b: {  	s4 =	sand.u32 $0xFFFFFC00, s12;
	s12 =	sadd.s32 $0xFFFFFFF0, s0;
	s14 =	sadd.s32 s26, s14;
	v21 =	vmul.f32 v20, v6;
	v23 =	vmul.f32 v20, v7;
	[tilespmem:s1+$0x18000] =	vst v19;
	v19 =	vsel vm1, v13, v22  }
0x24c: {  	s9 =	sand.u32 $0x70, s9;
	s4 =	sadd.s32 s26, s4;
	v26 =	vor.u32 s12, v2;
	s13 =	sor.u32 s13, s14;
	v22 =	vmul.f32 v24, v6;
	v25 =	vmul.f32 v24, v7;
	[tilespmem:s1+$0x1B000] =	vst v19  }
0x24d: {  	v27 =	vcvt.s32.f32 v26;
	v19 =	vmul.f32 v24, v8;
	s1 =	sor.u32 s9, s4;
	s9 =	sor.u32 s5, s13;
	s4 =	sand.u32 $0xFFFFFC00, s15;
	v21 =	vadd.f32 v21, v16  }
0x24e: {  	v24 =	vmul.f32 v24, v9;
	s13 =	sor.u32 s5, s1;
	s1 =	sadd.s32 s26, s4;
	v22 =	vadd.f32 v22, v16;
	v25 =	vadd.f32 v25, v17;
	v28 =	vld [tilespmem:s9+$0x18000]  }
0x24f: {  	v27 =	vadd.f32 v27, v27;
	v30 =	vmul.f32 v20, v8;
	v19 =	vadd.f32 v19, v15;
	s1 =	sor.u32 s10, s1;
	v29 =	vld [tilespmem:s13+$0x18000]  }
0x250: {  	v24 =	vadd.f32 v24, v14;
	s1 =	sor.u32 s5, s1;
	vm1 =	vge.f32 v22, $0.0e+00;
	vm2 =	vge.f32 v25, $0.0e+00;
	v22 =	vld [tilespmem:s9+$0x1B000]  }
0x251: {  	vm1 =	vmand vm1, vm2;
	vm2 =	vge.f32 v19, $0.0e+00;
	v19 =	vadd.f32 $-2.550000000e+02, v27  }
0x252: {  	v25 =	vmul.f32 v24, v10;
	vm1 =	vmand vm2, vm1;
	vm2 =	vgt.f32 v24, v11;
	v27 =	vld [tilespmem:s13+$0x1B000]  }
0x253: {  	v23 =	vadd.f32 v23, v17;
	vm1 =	vmand vm2, vm1;
	vm2 =	vlt.f32 v24, v12  }
0x254: {  	s4 =	sadd.s32 $0xFFFFFF80, s30;
	v19 =	vmul.f32 $3.906250000e-03, v19;
	vm1 =	vmand vm2, vm1;
	vm2 =	vgt.f32 v25, v29  }
0x255: {  	v20 =	vmul.f32 v20, v9;
	s4 =	sand.u32 $0xFFFFFC00, s4;
	v24 =	vadd.f32 v30, v15;
	vm1 =	vmand vm1, vm2  }
0x256: {  	s10 =	sand.u32 $0x70, s12;
	s4 =	sadd.s32 s26, s4;
	v30 =	vmul.f32 v19, v7;
	v25 =	vsel vm1, v25, v29;
	v29 =	vmul.f32 v19, v6  }
0x257: {  	s4 =	sor.u32 s10, s4;
	[tilespmem:s13+$0x18000] =	vst v25;
	v25 =	vsel vm1, v13, v27;
	v27 =	vmul.f32 v19, v8;
	vm1 =	vge.f32 v21, $0.0e+00  }
0x258: {  	s4 =	sor.u32 s5, s4;
	v19 =	vmul.f32 v19, v9;
	[tilespmem:s13+$0x1B000] =	vst v25;
	v21 =	vadd.f32 v29, v16;
	v25 =	vadd.f32 v30, v17  }
0x259: {  	v20 =	vadd.f32 v20, v14;
	vm2 =	vge.f32 v23, $0.0e+00;
	v27 =	vadd.f32 v27, v15;
	v29 =	vld [tilespmem:s4+$0x18000]  }
0x25a: {  	v19 =	vadd.f32 v19, v14;
	vm3 =	vge.f32 v21, $0.0e+00;
	vm4 =	vge.f32 v25, $0.0e+00  }
0x25b: {  	vm1 =	vmand vm1, vm2;
	vm3 =	vmand vm3, vm4;
	vm4 =	vge.f32 v27, $0.0e+00  }
0x25c: {  	v21 =	vmul.f32 v19, v10;
	vm2 =	vmand vm4, vm3;
	vm3 =	vgt.f32 v19, v11;
	v23 =	vld [tilespmem:s4+$0x1B000]  }
0x25d: {  	vm4 =	vge.f32 v24, $0.0e+00;
	vm2 =	vmand vm3, vm2;
	vm3 =	vlt.f32 v19, v12  }
0x25e: {  	vm1 =	vmand vm4, vm1;
	vm2 =	vmand vm3, vm2;
	vm3 =	vgt.f32 v21, v29  }
0x25f: {  	v19 =	vmul.f32 v20, v10;
	vm2 =	vmand vm2, vm3;
	vm3 =	vlt.s32 v26, $0x100  }
0x260: {  	vm4 =	vlt.f32 v20, v12;
	vm2 =	vmand vm3, vm2;
	vm3 =	vgt.f32 v20, v11  }
0x261: {  	v20 =	vsel vm2, v13, v23;
	vm1 =	vmand vm3, vm1;
	vm3 =	vgt.f32 v19, v28  }
0x262: {  	v23 =	vmul.f32 v18, v7;
	[tilespmem:s4+$0x1B000] =	vst v20;
	vm1 =	vmand vm4, vm1;
	v20 =	vmul.f32 v18, v6  }
.Ltmp22:
0x263: {  	v24 =	vmul.f32 v18, v8;
	v18 =	vmul.f32 v18, v9;
	vm1 =	vmand vm1, vm3;
	(pc) =	sbr.rel @p0 .LBB2_10-.Ltmp22, $4  }
0x264: {  	v19 =	vsel vm1, v19, v28;
	v22 =	vsel vm1, v13, v22;
	v20 =	vadd.f32 v20, v16  }
0x265: {  	v24 =	vadd.f32 v24, v15;
	v21 =	vsel vm2, v21, v29;
	v23 =	vadd.f32 v23, v17;
	[tilespmem:s9+$0x18000] =	vst v19  }
0x266: {  	v18 =	vadd.f32 v18, v14;
	[tilespmem:s9+$0x1B000] =	vst v22;
	vm2 =	vge.f32 v20, $0.0e+00  }
0x267: {  	s0 =	sadd.s32 $0x40, s0;
	vm1 =	vge.f32 v24, $0.0e+00;
	vm3 =	vge.f32 v23, $0.0e+00;
	[tilespmem:s4+$0x18000] =	vst v21;
	v19 =	vld [tilespmem:s1+$0x18000]  }
.LBB2_11:
0x268: {  	_ = 	snop  }
0x269: {  	vm2 =	vmand vm2, vm3  }
0x26a: {  	v20 =	vmul.f32 v18, v10;
	vm13 =	vgt.f32 v18, v11;
	vm1 =	vmand vm1, vm2  }
0x26b: {  	v21 =	vld [tilespmem:s1+$0x1B000];
	vm14 =	vlt.f32 v18, v12;
	vm1 =	vmand vm13, vm1  }
0x26c: {  	vm1 =	vmand vm14, vm1;
	vm15 =	vgt.f32 v20, v19  }
0x26d: {  	vm1 =	vmand vm1, vm15  }
0x26e: {  	vm0 =	vmand vm0, vm1  }
0x26f: {  	v18 =	vsel vm0, v20, v19  }
0x270: {  	[tilespmem:s1+$0x18000] =	vst v18;
	v18 =	vsel vm0, v13, v21  }
0x271: {  	[tilespmem:s1+$0x1B000] =	vst v18  }
0x272: {  	s26 =	rddreg [dreg:$0x4]  }
0x273: {  	s15 =	rddreg [dreg:$0x13]  }
0x274: {  	s30 =	rddreg [dreg:$0x14]  }
0x275: {  	s31 =	rddreg [dreg:$0x15]  }
.LBB2_12:
0x276: {  	p0 =	sgt.s32 s23, s19  }
.Ltmp23:
0x277: {  	_ = 	snop;
	(pc) =	sbr.rel @p0 .LBB2_16-.Ltmp23, $1  }
0x278: {  	_ =	sdelay $0x3  }
0x279: {  	s10 =	sshll.u32 s19, $0x5  }
0x27a: {  	s12 =	sshll.u32 s22, $0x5;
	s10 =	sadd.s32 s21, s10  }
0x27b: {  	s12 =	ssub.s32 s10, s12  }
0x27c: {  	s0 =	sand.u32 $0x380, s25;
	s25 =	sadd.s32 $0x20, s12  }
0x27d: {  	v18 =	vor.u32 s25, v2  }
0x27e: {  	v18 =	vcvt.s32.f32 v18;
	_ =	sdelay $0x1  }
0x27f: {  	s9 =	sshll.u32 s20, $0x3;
	v18 =	vadd.f32 v18, v18  }
0x280: {  	s5 =	sshll.u32 s19, $0x8;
	s9 =	sand.u32 $0xFFFFFF80, s9  }
0x281: {  	s23 =	sshll.u32 s22, $0x8;
	s5 =	sadd.s32 s9, s5;
	v18 =	vadd.f32 $-2.550000000e+02, v18  }
0x282: {  	s5 =	ssub.s32 s5, s23;
	s20 =	sadd.s32 $0x10, s25  }
0x283: {  	s1 =	smul.u32 $0xC00, s24;
	s21 =	sadd.s32 $0x100, s5;
	v19 =	vmul.f32 $3.906250000e-03, v18;
	v18 =	vor.u32 s20, v2  }
0x284: {  	s4 =	sand.u32 $0xFFFFFC00, s21;
	v22 =	vcvt.s32.f32 v18  }
0x285: {  	s24 =	ssub.s32 s19, s22;
	s12 =	sand.u32 $0x70, s25;
	s4 =	sadd.s32 s1, s4;
	v20 =	vmul.f32 v19, v6;
	v21 =	vmul.f32 v19, v7  }
0x286: {  	s22 =	sadd.s32 $0x1, s24;
	s4 =	sor.u32 s12, s4;
	v23 =	vmul.f32 v19, v8;
	v19 =	vmul.f32 v19, v9;
	v22 =	vadd.f32 v22, v22  }
0x287: {  	p0 =	slt.s32 s22, s19;
	s23 =	sor.u32 s0, s4;
	v20 =	vadd.f32 v20, v16;
	v21 =	vadd.f32 v21, v17  }
.Ltmp24:
0x288: {  	v23 =	vadd.f32 v23, v15;
	v24 =	vadd.f32 v19, v14;
	v19 =	vld [tilespmem:s23+$0x18000];
	(pc) =	sbr.rel @!p0 .LBB2_15-.Ltmp24, $4  }
0x289: {  	vm0 =	vge.f32 v20, $0.0e+00;
	vm1 =	vge.f32 v21, $0.0e+00  }
0x28a: {  	v22 =	vadd.f32 $-2.550000000e+02, v22;
	vm0 =	vmand vm0, vm1;
	vm1 =	vge.f32 v23, $0.0e+00  }
0x28b: {  	v21 =	vmul.f32 v24, v10;
	v20 =	vld [tilespmem:s23+$0x1B000];
	vm0 =	vmand vm1, vm0;
	vm1 =	vgt.f32 v24, v11  }
0x28c: {  	s9 =	sadd.s32 $0x20, s25;
	vm0 =	vmand vm1, vm0;
	vm1 =	vlt.f32 v24, v12  }
.LBB2_14:
0x28d: {  	s4 =	sadd.s32 $0x10, s9;
	vm0 =	vmand vm1, vm0;
	vm1 =	vgt.f32 v21, v19;
	v22 =	vmul.f32 $3.906250000e-03, v22;
	s10 =	sadd.s32 $0x180, s5;
	s5 =	smov.u32 s21  }
0x28e: {  	v23 =	vor.u32 s9, v2;
	v24 =	vor.u32 s4, v2;
	vm0 =	vmand vm0, vm1;
	s10 =	sand.u32 $0xFFFFFC00, s10  }
0x28f: {  	s12 =	sand.u32 $0x70, s20;
	s20 =	smov.u32 s4;
	v19 =	vsel vm0, v21, v19;
	v21 =	vmul.f32 v22, v6;
	v25 =	vmul.f32 v22, v7;
	s10 =	sadd.s32 s1, s10  }
0x290: {  	s22 =	sadd.s32 $0x1, s22;
	v23 =	vcvt.s32.f32 v23;
	[tilespmem:s23+$0x18000] =	vst v19;
	v19 =	vsel vm0, v13, v20;
	v20 =	vmul.f32 v22, v8;
	s4 =	sor.u32 s12, s10  }
0x291: {  	p0 =	slt.s32 s22, s19;
	v22 =	vmul.f32 v22, v9;
	[tilespmem:s23+$0x1B000] =	vst v19;
	v19 =	vadd.f32 v21, v16;
	v21 =	vadd.f32 v25, v17;
	s4 =	sor.u32 s0, s4  }
0x292: {  	v23 =	vadd.f32 v23, v23;
	vm0 =	vlt.s32 v18, $0x100;
	v18 =	vmovc v24;
	v20 =	vadd.f32 v20, v15;
	v25 =	vld [tilespmem:s4+$0x18000]  }
0x293: {  	v22 =	vadd.f32 v22, v14;
	vm1 =	vge.f32 v19, $0.0e+00;
	vm2 =	vge.f32 v21, $0.0e+00  }
0x294: {  	v19 =	vadd.f32 $-2.550000000e+02, v23;
	vm1 =	vmand vm1, vm2;
	vm2 =	vge.f32 v20, $0.0e+00  }
0x295: {  	v20 =	vmul.f32 v22, v10;
	vm1 =	vmand vm2, vm1;
	vm2 =	vgt.f32 v22, v11;
	v21 =	vld [tilespmem:s4+$0x1B000]  }
0x296: {  	s21 =	sadd.s32 $0x100, s21;
	v19 =	vmul.f32 $3.906250000e-03, v19;
	vm1 =	vmand vm2, vm1;
	vm2 =	vlt.f32 v22, v12  }
0x297: {  	s10 =	sand.u32 $0xFFFFFC00, s21;
	v22 =	vcvt.s32.f32 v18;
	vm1 =	vmand vm2, vm1;
	vm2 =	vgt.f32 v20, v25  }
0x298: {  	s12 =	sand.u32 $0x70, s9;
	s10 =	sadd.s32 s1, s10;
	v23 =	vmul.f32 v19, v6;
	v24 =	vmul.f32 v19, v7;
	vm1 =	vmand vm1, vm2  }
0x299: {  	s10 =	sor.u32 s12, s10;
	v26 =	vmul.f32 v19, v8;
	v27 =	vmul.f32 v19, v9;
	vm0 =	vmand vm0, vm1  }
0x29a: {  	s23 =	sor.u32 s0, s10;
	v23 =	vadd.f32 v23, v16;
	v24 =	vadd.f32 v24, v17;
	v21 =	vsel vm0, v13, v21  }
.Ltmp25:
0x29b: {  	v22 =	vadd.f32 v22, v22;
	v26 =	vadd.f32 v26, v15;
	v20 =	vsel vm0, v20, v25;
	v19 =	vld [tilespmem:s23+$0x18000];
	[tilespmem:s4+$0x1B000] =	vst v21;
	(pc) =	sbr.rel @p0 .LBB2_14-.Ltmp25, $4  }
0x29c: {  	v25 =	vadd.f32 v27, v14;
	vm0 =	vge.f32 v23, $0.0e+00;
	vm1 =	vge.f32 v24, $0.0e+00;
	[tilespmem:s4+$0x18000] =	vst v20  }
0x29d: {  	v22 =	vadd.f32 $-2.550000000e+02, v22;
	vm0 =	vmand vm0, vm1;
	vm1 =	vge.f32 v26, $0.0e+00  }
0x29e: {  	v21 =	vmul.f32 v25, v10;
	vm0 =	vmand vm1, vm0;
	vm1 =	vgt.f32 v25, v11;
	v20 =	vld [tilespmem:s23+$0x1B000]  }
0x29f: {  	s9 =	sadd.s32 $0x20, s9;
	vm0 =	vmand vm1, vm0;
	vm1 =	vlt.f32 v25, v12  }
.LBB2_15:
0x2a0: {  	vm0 =	vmand vm1, vm0;
	vm9 =	vgt.f32 v21, v19;
	v22 =	vmul.f32 $3.906250000e-03, v22;
	s4 =	sadd.s32 $0x180, s5  }
0x2a1: {  	vm0 =	vmand vm0, vm9;
	s4 =	sand.u32 $0xFFFFFC00, s4  }
0x2a2: {  	s25 =	sand.u32 $0x70, s20;
	v57 =	vsel vm0, v21, v19;
	v58 =	vmul.f32 v22, v6;
	v23 =	vmul.f32 v22, v7;
	s1 =	sadd.s32 s1, s4  }
0x2a3: {  	v60 =	vmul.f32 v22, v8;
	[tilespmem:s23+$0x18000] =	vst v57;
	v59 =	vsel vm0, v13, v20;
	s1 =	sor.u32 s25, s1  }
0x2a4: {  	v61 =	vmul.f32 v22, v9;
	[tilespmem:s23+$0x1B000] =	vst v59;
	v16 =	vadd.f32 v58, v16;
	v17 =	vadd.f32 v23, v17;
	s0 =	sor.u32 s0, s1  }
0x2a5: {  	v15 =	vadd.f32 v60, v15;
	v62 =	vld [tilespmem:s0+$0x18000]  }
0x2a6: {  	v14 =	vadd.f32 v61, v14;
	vm10 =	vge.f32 v16, $0.0e+00;
	vm11 =	vge.f32 v17, $0.0e+00  }
0x2a7: {  	vm12 =	vge.f32 v15, $0.0e+00;
	vm0 =	vmand vm10, vm11  }
0x2a8: {  	v63 =	vld [tilespmem:s0+$0x1B000];
	v15 =	vmul.f32 v14, v10;
	vm13 =	vgt.f32 v14, v11;
	vm0 =	vmand vm12, vm0  }
0x2a9: {  	vm14 =	vlt.f32 v14, v12;
	vm0 =	vmand vm13, vm0  }
0x2aa: {  	vm0 =	vmand vm14, vm0;
	vm15 =	vgt.f32 v15, v62  }
0x2ab: {  	vm2 =	vlt.s32 v18, $0x100;
	vm0 =	vmand vm0, vm15  }
0x2ac: {  	vm0 =	vmand vm2, vm0  }
0x2ad: {  	v14 =	vsel vm0, v13, v63  }
0x2ae: {  	v15 =	vsel vm0, v15, v62;
	[tilespmem:s0+$0x1B000] =	vst v14  }
0x2af: {  	[tilespmem:s0+$0x18000] =	vst v15  }
.LBB2_16:
0x2b0: {  	s0 =	sadd.s32 $0x1, s29  }
0x2b1: {  	s1 =	scvt.s32.f32 s0;
	_ =	sdelay $0x1  }
0x2b2: {  	s1 =	smul.f32 $8.000000000e+00, s1;
	_ =	sdelay $0x1  }
0x2b3: {  	s1 =	sadd.f32 s26, s1;
	_ =	sdelay $0x1  }
0x2b4: {  	s1 =	sadd.f32 s1, s1  }
0x2b5: {  	s5 =	rddreg [dreg:$0x16]  }
0x2b6: {  	s1 =	sadd.f32 $-2.550000000e+02, s1  }
0x2b7: {  	s9 =	rddreg [dreg:$0x18]  }
0x2b8: {  	s10 =	rddreg [dreg:$0x1a];
	s1 =	smul.f32 $3.906250000e-03, s1  }
0x2b9: {  	s12 =	rddreg [dreg:$0x17]  }
0x2ba: {  	s13 =	rddreg [dreg:$0x1c];
	s4 =	smul.f32 s1, s30  }
0x2bb: {  	s14 =	rddreg [dreg:$0x1b];
	s5 =	smul.f32 s1, s5  }
0x2bc: {  	s21 =	rddreg [dreg:$0x1d];
	s9 =	smul.f32 s1, s9  }
0x2bd: {  	s10 =	smul.f32 s1, s10;
	s4 =	sadd.f32 s4, s15  }
0x2be: {  	s19 =	smul.f32 s1, s8;
	s5 =	sadd.f32 s5, s31  }
0x2bf: {  	s23 =	smul.f32 s1, s6;
	s9 =	sadd.f32 s9, s12  }
0x2c0: {  	s12 =	smul.f32 s1, s13;
	s13 =	rddreg [dreg:$0x19]  }
0x2c1: {  	s20 =	smul.f32 s1, s11;
	s24 =	sadd.f32 s23, s3  }
0x2c2: {  	s22 =	smul.f32 s1, s16;
	s10 =	sadd.f32 s10, s13  }
0x2c3: {  	s4 =	smax.f32 s4, s9;
	s9 =	sadd.f32 s12, s14  }
0x2c4: {  	s12 =	sadd.f32 s22, s7;
	s14 =	smul.f32 s1, s18  }
0x2c5: {  	s5 =	smin.f32 s5, s10;
	s10 =	sadd.f32 s19, s21  }
0x2c6: {  	s4 =	smax.f32 s4, s9;
	s9 =	sadd.f32 s20, s2  }
0x2c7: {  	s25 =	sadd.f32 s14, s17  }
0x2c8: {  	s5 =	smin.f32 s5, s10;
	s4 =	smax.f32 s4, s9  }
0x2c9: {  	s5 =	smin.f32 s5, s12;
	s4 =	smax.f32 s4, s24  }
0x2ca: {  	s5 =	smin.f32 s5, s25;
	s4 =	smul.f32 $2.560000000e+02, s4  }
0x2cb: {  	s5 =	smul.f32 $2.560000000e+02, s5  }
0x2cc: {  	s4 =	sadd.f32 $2.550000000e+02, s4  }
0x2cd: {  	s5 =	sadd.f32 $2.550000000e+02, s5  }
0x2ce: {  	s4 =	smul.f32 $5.000000000e-01, s4  }
0x2cf: {  	s5 =	smul.f32 $5.000000000e-01, s5;
	_ =	sdelay $0x1  }
0x2d0: {  	s4 =	smax.f32 s4, $-2.000000000e+00;
	s5 =	smax.f32 s5, $-2.000000000e+00  }
0x2d1: {  	s4 =	smin.f32 s4, $3.000000000e+02;
	s5 =	smin.f32 s5, $3.000000000e+02  }
0x2d2: {  	s4 =	scvt.f32.s32 s4;
	s5 =	scvt.f32.s32 s5  }
0x2d3: {  	_ = 	snop  }
0x2d4: {  	s20 =	sadd.s32 $0xFFFFFFFF, s4;
	s5 =	sadd.s32 $0x1, s5  }
0x2d5: {  	p0 =	sgt.s32 s20, $0x0;
	p1 =	slt.s32 s5, $0xFF  }
0x2d6: {  	s20 =	simm.s32 @!p0 $0x0;
	s5 =	simm.s32 @!p1 $0xFF  }
0x2d7: {  	p0 =	sgt.s32 s20, s5  }
.Ltmp26:
0x2d8: {  	_ = 	snop;
	(pc) =	sbr.rel @p0 .LBB2_25-.Ltmp26, $1  }
0x2d9: {  	_ =	sdelay $0x3  }
0x2da: {  	s21 =	sand.u32 $0x7FFFFFF0, s20  }
0x2db: {  	s4 =	ssub.s32 s5, s21  }
0x2dc: {  	s19 =	sshra.s32 s4, $0x5  }
0x2dd: {  	s4 =	sadd.s32 $0x1, s19  }
0x2de: {  	s9 =	rddreg [dreg:$0xa];
	s13 =	sand.u32 $0x80, s4  }
0x2df: {  	s10 =	rddreg [dreg:$0xc];
	s5 =	sshrl.u32 s13, $0x7  }
0x2e0: {  	s12 =	rddreg [dreg:$0xb];
	s5 =	sadd.s32 s5, s4  }
0x2e1: {  	s14 =	rddreg [dreg:$0xe];
	s5 =	sand.u32 $0xFE, s5  }
0x2e2: {  	s22 =	rddreg [dreg:$0x10];
	s9 =	smul.f32 s1, s9;
	s5 =	ssub.s32 s4, s5  }
0x2e3: {  	s25 =	rddreg [dreg:$0x11];
	s23 =	smul.f32 s1, s22;
	s5 =	sshll.u32 s5, $0x18  }
0x2e4: {  	s10 =	smul.f32 s1, s10;
	s9 =	sadd.f32 s9, s12;
	s22 =	sshra.s32 s5, $0x18  }
0x2e5: {  	s12 =	smul.f32 s1, s14;
	s1 =	sadd.f32 s23, s25;
	s23 =	ssub.s32 s4, s22  }
0x2e6: {  	s24 =	rddreg [dreg:$0xf];
	p0 =	slt.s32 s23, $0x1  }
.Ltmp27:
0x2e7: {  	s13 =	rddreg [dreg:$0xd];
	(pc) =	sbr.rel @p0 .LBB2_21-.Ltmp27, $4  }
0x2e8: {  	s12 =	sadd.f32 s12, s24  }
0x2e9: {  	s10 =	sadd.f32 s10, s13  }
0x2ea: {  	v16 =	vmov s9  }
0x2eb: {  	s25 =	sshll.u32 s0, $0x7;
	v14 =	vmov s1;
	s24 =	sshrl.u32 s0, $0x3;
	v15 =	vmov s12;
	v17 =	vmov s10  }
0x2ec: {  	s0 =	sshll.u32 s20, $0x3  }
0x2ed: {  	s0 =	sand.u32 $0xFFFFFF80, s0  }
0x2ee: {  	s30 =	sadd.s32 $0x100, s0;
	s0 =	sadd.s32 $0x20, s21  }
0x2ef: {  	s4 =	sadd.s32 $0xFFFFFFE0, s0  }
0x2f0: {  	v19 =	vor.u32 s4, v2  }
0x2f1: {  	v18 =	vor.u32 s0, v2;
	v19 =	vcvt.s32.f32 v19  }
0x2f2: {  	s1 =	sadd.s32 $0x10, s0;
	v18 =	vcvt.s32.f32 v18  }
0x2f3: {  	v20 =	vor.u32 s1, v2;
	v19 =	vadd.f32 v19, v19  }
0x2f4: {  	s10 =	sadd.s32 $0xFFFFFFF0, s0;
	v21 =	vcvt.s32.f32 v20;
	v18 =	vadd.f32 v18, v18  }
0x2f5: {  	v25 =	vor.u32 s10, v2;
	v19 =	vadd.f32 $-2.550000000e+02, v19  }
0x2f6: {  	v27 =	vcvt.s32.f32 v25;
	v21 =	vadd.f32 v21, v21;
	v18 =	vadd.f32 $-2.550000000e+02, v18  }
0x2f7: {  	s26 =	smul.u32 $0xC00, s24;
	s9 =	sadd.s32 $0xFFFFFF00, s30;
	v19 =	vmul.f32 $3.906250000e-03, v19  }
0x2f8: {  	s9 =	sand.u32 $0xFFFFFC00, s9;
	v27 =	vadd.f32 v27, v27;
	v21 =	vadd.f32 $-2.550000000e+02, v21;
	v18 =	vmul.f32 $3.906250000e-03, v18  }
0x2f9: {  	s4 =	sand.u32 $0x70, s4;
	s9 =	sadd.s32 s26, s9;
	v23 =	vmul.f32 v19, v6;
	v24 =	vmul.f32 v19, v7  }
0x2fa: {  	s5 =	sand.u32 $0x380, s25;
	s4 =	sor.u32 s4, s9;
	v41 =	vadd.f32 $-2.550000000e+02, v27;
	v21 =	vmul.f32 $3.906250000e-03, v21;
	v26 =	vmul.f32 v19, v8  }
0x2fb: {  	s4 =	sor.u32 s5, s4;
	v19 =	vmul.f32 v19, v9;
	v23 =	vadd.f32 v23, v16;
	v24 =	vadd.f32 v24, v17  }
0x2fc: {  	v29 =	vld [tilespmem:s4+$0x18000];
	v22 =	vmul.f32 v18, v6;
	v28 =	vmul.f32 v18, v7;
	v26 =	vadd.f32 v26, v15  }
0x2fd: {  	v19 =	vadd.f32 v19, v14;
	vm0 =	vge.f32 v23, $0.0e+00;
	vm1 =	vge.f32 v24, $0.0e+00  }
0x2fe: {  	v44 =	vmul.f32 v18, v8;
	vm0 =	vmand vm0, vm1;
	vm1 =	vge.f32 v26, $0.0e+00  }
0x2ff: {  	v43 =	vld [tilespmem:s4+$0x1B000];
	v42 =	vmul.f32 v19, v10;
	vm0 =	vmand vm1, vm0;
	vm1 =	vgt.f32 v19, v11  }
0x300: {  	v18 =	vmul.f32 v18, v9;
	vm0 =	vmand vm1, vm0;
	vm1 =	vlt.f32 v19, v12  }
0x301: {  	s12 =	sadd.s32 $0xFFFFFF80, s30;
	v19 =	vmul.f32 $3.906250000e-03, v41;
	vm0 =	vmand vm1, vm0;
	vm1 =	vgt.f32 v42, v29  }
0x302: {  	s9 =	sand.u32 $0xFFFFFC00, s12;
	v22 =	vadd.f32 v22, v16;
	v45 =	vadd.f32 v28, v17;
	vm0 =	vmand vm0, vm1  }
0x303: {  	s10 =	sand.u32 $0x70, s10;
	s9 =	sadd.s32 s26, s9;
	v46 =	vmul.f32 v19, v6;
	v47 =	vmul.f32 v19, v7;
	v24 =	vsel vm0, v42, v29  }
0x304: {  	s9 =	sor.u32 s10, s9;
	v27 =	vadd.f32 v44, v15;
	v49 =	vmul.f32 v19, v8;
	v48 =	vsel vm0, v13, v43;
	[tilespmem:s4+$0x18000] =	vst v24  }
0x305: {  	s9 =	sor.u32 s5, s9;
	v19 =	vmul.f32 v19, v9;
	[tilespmem:s4+$0x1B000] =	vst v48;
	v50 =	vadd.f32 v46, v16;
	v51 =	vadd.f32 v47, v17  }
0x306: {  	s13 =	sand.u32 $0xFFFFFC00, s30;
	v18 =	vadd.f32 v18, v14;
	vm3 =	vge.f32 v45, $0.0e+00;
	v52 =	vadd.f32 v49, v15;
	v53 =	vld [tilespmem:s9+$0x18000]  }
0x307: {  	s14 =	sand.u32 $0x70, s0;
	s4 =	sadd.s32 s26, s13;
	v19 =	vadd.f32 v19, v14;
	vm1 =	vge.f32 v50, $0.0e+00;
	vm2 =	vge.f32 v51, $0.0e+00  }
0x308: {  	v57 =	vmul.f32 v18, v10;
	s4 =	sor.u32 s14, s4;
	vm1 =	vmand vm1, vm2;
	vm2 =	vge.f32 v52, $0.0e+00  }
0x309: {  	s4 =	sor.u32 s5, s4;
	v54 =	vmul.f32 v19, v10;
	vm1 =	vmand vm2, vm1;
	vm2 =	vgt.f32 v19, v11  }
0x30a: {  	vm0 =	vge.f32 v22, $0.0e+00;
	v56 =	vld [tilespmem:s4+$0x18000];
	vm1 =	vmand vm2, vm1;
	vm2 =	vlt.f32 v19, v12  }
0x30b: {  	vm0 =	vmand vm0, vm3;
	v55 =	vld [tilespmem:s9+$0x1B000];
	vm1 =	vmand vm2, vm1;
	vm2 =	vgt.f32 v54, v53  }
0x30c: {  	vm3 =	vge.f32 v27, $0.0e+00;
	vm1 =	vmand vm1, vm2;
	vm2 =	vlt.s32 v25, $0x100  }
0x30d: {  	vm0 =	vmand vm3, vm0;
	v19 =	vld [tilespmem:s4+$0x1B000];
	vm1 =	vmand vm2, vm1;
	vm2 =	vgt.f32 v18, v11  }
0x30e: {  	v58 =	vmul.f32 v21, v6;
	vm3 =	vlt.f32 v18, v12;
	vm0 =	vmand vm2, vm0  }
0x30f: {  	p0 =	sgt.s32 s23, $0x2;
	s15 =	sadd.s32 $0x80, s30;
	v59 =	vmul.f32 v21, v7;
	vm2 =	vgt.f32 v57, v56;
	vm0 =	vmand vm3, vm0  }
.Ltmp28:
0x310: {  	s10 =	sand.u32 $0xFFFFFC00, s15;
	v60 =	vmul.f32 v21, v8;
	v18 =	vsel vm1, v13, v55;
	vm0 =	vmand vm0, vm2;
	(pc) =	sbr.rel @!p0 .LBB2_20-.Ltmp28, $4  }
0x311: {  	s1 =	sand.u32 $0x70, s1;
	s10 =	sadd.s32 s26, s10;
	v62 =	vadd.f32 v59, v17;
	[tilespmem:s9+$0x1B000] =	vst v18;
	v18 =	vmul.f32 v21, v9;
	v61 =	vsel vm0, v57, v56  }
0x312: {  	s1 =	sor.u32 s1, s10;
	v63 =	vadd.f32 v60, v15;
	v23 =	vadd.f32 v58, v16;
	v19 =	vsel vm0, v13, v19;
	[tilespmem:s4+$0x18000] =	vst v61  }
0x313: {  	s1 =	sor.u32 s5, s1;
	vm0 =	vlt.s32 v20, $0x100;
	v20 =	vsel vm1, v54, v53;
	v18 =	vadd.f32 v18, v14;
	[tilespmem:s4+$0x1B000] =	vst v19  }
0x314: {  	s31 =	simm.s32 $0x2;
	s0 =	sadd.s32 $0x40, s0;
	vm3 =	vge.f32 v62, $0.0e+00;
	vm2 =	vge.f32 v23, $0.0e+00;
	vm1 =	vge.f32 v63, $0.0e+00;
	[tilespmem:s9+$0x18000] =	vst v20;
	v19 =	vld [tilespmem:s1+$0x18000]  }
.LBB2_19:
0x315: {  	s4 =	sadd.s32 $0xFFFFFFE0, s0;
	v20 =	vor.u32 s0, v2;
	s9 =	sand.u32 $0x70, s0;
	s10 =	sadd.s32 $0x10, s0;
	v21 =	vmul.f32 v18, v10;
	vm2 =	vmand vm2, vm3;
	v22 =	vld [tilespmem:s1+$0x1B000]  }
0x316: {  	s31 =	sadd.s32 $0x2, s31;
	v23 =	vor.u32 s4, v2;
	v20 =	vcvt.s32.f32 v20;
	v24 =	vor.u32 s10, v2;
	s10 =	sand.u32 $0x70, s10  }
0x317: {  	p0 =	slt.s32 s31, s23;
	vm1 =	vmand vm1, vm2;
	v23 =	vcvt.s32.f32 v23;
	v25 =	vcvt.s32.f32 v24  }
0x318: {  	vm3 =	vlt.f32 v18, v12;
	vm2 =	vgt.f32 v18, v11;
	v20 =	vadd.f32 v20, v20  }
0x319: {  	vm1 =	vmand vm2, vm1;
	v18 =	vadd.f32 v23, v23;
	v23 =	vadd.f32 v25, v25  }
0x31a: {  	vm1 =	vmand vm3, vm1;
	vm2 =	vgt.f32 v21, v19;
	v20 =	vadd.f32 $-2.550000000e+02, v20  }
0x31b: {  	vm1 =	vmand vm1, vm2;
	v18 =	vadd.f32 $-2.550000000e+02, v18;
	v23 =	vadd.f32 $-2.550000000e+02, v23  }
0x31c: {  	s30 =	sadd.s32 $0x200, s30;
	vm1 =	vmand vm0, vm1;
	vm0 =	vlt.s32 v24, $0x100;
	v20 =	vmul.f32 $3.906250000e-03, v20  }
0x31d: {  	s12 =	sadd.s32 $0xFFFFFF00, s30;
	s13 =	sand.u32 $0xFFFFFC00, s30;
	s14 =	sadd.s32 $0x80, s30;
	v19 =	vsel vm1, v21, v19;
	v24 =	vmul.f32 $3.906250000e-03, v18;
	v18 =	vmul.f32 $3.906250000e-03, v23  }
0x31e: {  	s15 =	sand.u32 $0xFFFFFC00, s12;
	s12 =	sadd.s32 $0xFFFFFFF0, s0;
	s13 =	sadd.s32 s26, s13;
	v21 =	vmul.f32 v20, v6;
	v23 =	vmul.f32 v20, v7;
	[tilespmem:s1+$0x18000] =	vst v19;
	v19 =	vsel vm1, v13, v22  }
0x31f: {  	s4 =	sand.u32 $0x70, s4;
	s15 =	sadd.s32 s26, s15;
	v26 =	vor.u32 s12, v2;
	s9 =	sor.u32 s9, s13;
	v22 =	vmul.f32 v24, v6;
	v25 =	vmul.f32 v24, v7;
	[tilespmem:s1+$0x1B000] =	vst v19  }
0x320: {  	v27 =	vcvt.s32.f32 v26;
	s9 =	sor.u32 s5, s9;
	v19 =	vmul.f32 v24, v8;
	s1 =	sor.u32 s4, s15;
	s4 =	sand.u32 $0xFFFFFC00, s14;
	v21 =	vadd.f32 v21, v16  }
0x321: {  	v24 =	vmul.f32 v24, v9;
	s13 =	sor.u32 s5, s1;
	s1 =	sadd.s32 s26, s4;
	v22 =	vadd.f32 v22, v16;
	v25 =	vadd.f32 v25, v17;
	v28 =	vld [tilespmem:s9+$0x18000]  }
0x322: {  	v27 =	vadd.f32 v27, v27;
	v30 =	vmul.f32 v20, v8;
	v19 =	vadd.f32 v19, v15;
	s1 =	sor.u32 s10, s1;
	v29 =	vld [tilespmem:s13+$0x18000]  }
0x323: {  	v24 =	vadd.f32 v24, v14;
	s1 =	sor.u32 s5, s1;
	vm1 =	vge.f32 v22, $0.0e+00;
	vm2 =	vge.f32 v25, $0.0e+00;
	v22 =	vld [tilespmem:s9+$0x1B000]  }
0x324: {  	vm1 =	vmand vm1, vm2;
	vm2 =	vge.f32 v19, $0.0e+00;
	v19 =	vadd.f32 $-2.550000000e+02, v27  }
0x325: {  	v25 =	vmul.f32 v24, v10;
	vm1 =	vmand vm2, vm1;
	vm2 =	vgt.f32 v24, v11;
	v27 =	vld [tilespmem:s13+$0x1B000]  }
0x326: {  	v23 =	vadd.f32 v23, v17;
	vm1 =	vmand vm2, vm1;
	vm2 =	vlt.f32 v24, v12  }
0x327: {  	s4 =	sadd.s32 $0xFFFFFF80, s30;
	v19 =	vmul.f32 $3.906250000e-03, v19;
	vm1 =	vmand vm2, vm1;
	vm2 =	vgt.f32 v25, v29  }
0x328: {  	v20 =	vmul.f32 v20, v9;
	s4 =	sand.u32 $0xFFFFFC00, s4;
	v24 =	vadd.f32 v30, v15;
	vm1 =	vmand vm1, vm2  }
0x329: {  	s10 =	sand.u32 $0x70, s12;
	s4 =	sadd.s32 s26, s4;
	v30 =	vmul.f32 v19, v7;
	v25 =	vsel vm1, v25, v29;
	v29 =	vmul.f32 v19, v6  }
0x32a: {  	s4 =	sor.u32 s10, s4;
	[tilespmem:s13+$0x18000] =	vst v25;
	v25 =	vsel vm1, v13, v27;
	v27 =	vmul.f32 v19, v8;
	vm1 =	vge.f32 v21, $0.0e+00  }
0x32b: {  	s4 =	sor.u32 s5, s4;
	v19 =	vmul.f32 v19, v9;
	[tilespmem:s13+$0x1B000] =	vst v25;
	v21 =	vadd.f32 v29, v16;
	v25 =	vadd.f32 v30, v17  }
0x32c: {  	v20 =	vadd.f32 v20, v14;
	vm2 =	vge.f32 v23, $0.0e+00;
	v27 =	vadd.f32 v27, v15;
	v29 =	vld [tilespmem:s4+$0x18000]  }
0x32d: {  	v19 =	vadd.f32 v19, v14;
	vm3 =	vge.f32 v21, $0.0e+00;
	vm4 =	vge.f32 v25, $0.0e+00  }
0x32e: {  	vm1 =	vmand vm1, vm2;
	vm3 =	vmand vm3, vm4;
	vm4 =	vge.f32 v27, $0.0e+00  }
0x32f: {  	v21 =	vmul.f32 v19, v10;
	vm2 =	vmand vm4, vm3;
	vm3 =	vgt.f32 v19, v11;
	v23 =	vld [tilespmem:s4+$0x1B000]  }
0x330: {  	vm4 =	vge.f32 v24, $0.0e+00;
	vm2 =	vmand vm3, vm2;
	vm3 =	vlt.f32 v19, v12  }
0x331: {  	vm1 =	vmand vm4, vm1;
	vm2 =	vmand vm3, vm2;
	vm3 =	vgt.f32 v21, v29  }
0x332: {  	v19 =	vmul.f32 v20, v10;
	vm2 =	vmand vm2, vm3;
	vm3 =	vlt.s32 v26, $0x100  }
0x333: {  	vm4 =	vlt.f32 v20, v12;
	vm2 =	vmand vm3, vm2;
	vm3 =	vgt.f32 v20, v11  }
0x334: {  	v20 =	vsel vm2, v13, v23;
	vm1 =	vmand vm3, vm1;
	vm3 =	vgt.f32 v19, v28  }
0x335: {  	v23 =	vmul.f32 v18, v7;
	[tilespmem:s4+$0x1B000] =	vst v20;
	vm1 =	vmand vm4, vm1;
	v20 =	vmul.f32 v18, v6  }
.Ltmp29:
0x336: {  	v24 =	vmul.f32 v18, v8;
	v18 =	vmul.f32 v18, v9;
	vm1 =	vmand vm1, vm3;
	(pc) =	sbr.rel @p0 .LBB2_19-.Ltmp29, $4  }
0x337: {  	v19 =	vsel vm1, v19, v28;
	v22 =	vsel vm1, v13, v22;
	v20 =	vadd.f32 v20, v16  }
0x338: {  	v24 =	vadd.f32 v24, v15;
	v21 =	vsel vm2, v21, v29;
	v23 =	vadd.f32 v23, v17;
	[tilespmem:s9+$0x18000] =	vst v19  }
0x339: {  	v18 =	vadd.f32 v18, v14;
	[tilespmem:s9+$0x1B000] =	vst v22;
	vm2 =	vge.f32 v20, $0.0e+00  }
0x33a: {  	s0 =	sadd.s32 $0x40, s0;
	vm1 =	vge.f32 v24, $0.0e+00;
	vm3 =	vge.f32 v23, $0.0e+00;
	[tilespmem:s4+$0x18000] =	vst v21;
	v19 =	vld [tilespmem:s1+$0x18000]  }
.LBB2_20:
0x33b: {  	_ = 	snop  }
0x33c: {  	vm2 =	vmand vm2, vm3  }
0x33d: {  	v20 =	vmul.f32 v18, v10;
	vm13 =	vgt.f32 v18, v11;
	vm1 =	vmand vm1, vm2  }
0x33e: {  	v21 =	vld [tilespmem:s1+$0x1B000];
	vm14 =	vlt.f32 v18, v12;
	vm1 =	vmand vm13, vm1  }
0x33f: {  	vm1 =	vmand vm14, vm1;
	vm15 =	vgt.f32 v20, v19  }
0x340: {  	vm1 =	vmand vm1, vm15  }
0x341: {  	vm0 =	vmand vm0, vm1  }
0x342: {  	v18 =	vsel vm0, v20, v19  }
0x343: {  	[tilespmem:s1+$0x18000] =	vst v18;
	v18 =	vsel vm0, v13, v21  }
0x344: {  	[tilespmem:s1+$0x1B000] =	vst v18  }
0x345: {  	s26 =	rddreg [dreg:$0x4]  }
0x346: {  	s15 =	rddreg [dreg:$0x13]  }
0x347: {  	s30 =	rddreg [dreg:$0x14]  }
0x348: {  	s31 =	rddreg [dreg:$0x15]  }
.LBB2_21:
0x349: {  	p0 =	sgt.s32 s23, s19  }
.Ltmp30:
0x34a: {  	_ = 	snop;
	(pc) =	sbr.rel @p0 .LBB2_25-.Ltmp30, $1  }
0x34b: {  	_ =	sdelay $0x3  }
0x34c: {  	s9 =	sshll.u32 s19, $0x5  }
0x34d: {  	s10 =	sshll.u32 s22, $0x5;
	s9 =	sadd.s32 s21, s9  }
0x34e: {  	s9 =	ssub.s32 s9, s10  }
0x34f: {  	s9 =	sadd.s32 $0x20, s9  }
0x350: {  	v18 =	vor.u32 s9, v2  }
0x351: {  	v18 =	vcvt.s32.f32 v18;
	_ =	sdelay $0x1  }
0x352: {  	s5 =	sshll.u32 s20, $0x3;
	v18 =	vadd.f32 v18, v18  }
0x353: {  	s4 =	sshll.u32 s19, $0x8;
	s5 =	sand.u32 $0xFFFFFF80, s5  }
0x354: {  	s23 =	sshll.u32 s22, $0x8;
	s4 =	sadd.s32 s5, s4;
	v18 =	vadd.f32 $-2.550000000e+02, v18  }
0x355: {  	s5 =	ssub.s32 s4, s23;
	s20 =	sadd.s32 $0x10, s9  }
0x356: {  	s1 =	smul.u32 $0xC00, s24;
	s21 =	sadd.s32 $0x100, s5;
	v19 =	vmul.f32 $3.906250000e-03, v18;
	v18 =	vor.u32 s20, v2  }
0x357: {  	s0 =	sand.u32 $0x380, s25;
	s25 =	sand.u32 $0xFFFFFC00, s21;
	v22 =	vcvt.s32.f32 v18  }
0x358: {  	s24 =	ssub.s32 s19, s22;
	s12 =	sand.u32 $0x70, s9;
	s4 =	sadd.s32 s1, s25;
	v20 =	vmul.f32 v19, v6;
	v21 =	vmul.f32 v19, v7  }
0x359: {  	s22 =	sadd.s32 $0x1, s24;
	s4 =	sor.u32 s12, s4;
	v23 =	vmul.f32 v19, v8;
	v19 =	vmul.f32 v19, v9;
	v22 =	vadd.f32 v22, v22  }
0x35a: {  	p0 =	slt.s32 s22, s19;
	s23 =	sor.u32 s0, s4;
	v20 =	vadd.f32 v20, v16;
	v21 =	vadd.f32 v21, v17  }
.Ltmp31:
0x35b: {  	v23 =	vadd.f32 v23, v15;
	v24 =	vadd.f32 v19, v14;
	v19 =	vld [tilespmem:s23+$0x18000];
	(pc) =	sbr.rel @!p0 .LBB2_24-.Ltmp31, $4  }
0x35c: {  	vm0 =	vge.f32 v20, $0.0e+00;
	vm1 =	vge.f32 v21, $0.0e+00  }
0x35d: {  	v22 =	vadd.f32 $-2.550000000e+02, v22;
	vm0 =	vmand vm0, vm1;
	vm1 =	vge.f32 v23, $0.0e+00  }
0x35e: {  	v21 =	vmul.f32 v24, v10;
	v20 =	vld [tilespmem:s23+$0x1B000];
	vm0 =	vmand vm1, vm0;
	vm1 =	vgt.f32 v24, v11  }
0x35f: {  	s9 =	sadd.s32 $0x20, s9;
	vm0 =	vmand vm1, vm0;
	vm1 =	vlt.f32 v24, v12  }
.LBB2_23:
0x360: {  	s4 =	sadd.s32 $0x10, s9;
	vm0 =	vmand vm1, vm0;
	vm1 =	vgt.f32 v21, v19;
	v22 =	vmul.f32 $3.906250000e-03, v22;
	s10 =	sadd.s32 $0x180, s5;
	s5 =	smov.u32 s21  }
0x361: {  	v23 =	vor.u32 s9, v2;
	v24 =	vor.u32 s4, v2;
	vm0 =	vmand vm0, vm1;
	s10 =	sand.u32 $0xFFFFFC00, s10  }
0x362: {  	s12 =	sand.u32 $0x70, s20;
	s20 =	smov.u32 s4;
	v19 =	vsel vm0, v21, v19;
	v21 =	vmul.f32 v22, v6;
	v25 =	vmul.f32 v22, v7;
	s10 =	sadd.s32 s1, s10  }
0x363: {  	s22 =	sadd.s32 $0x1, s22;
	v23 =	vcvt.s32.f32 v23;
	[tilespmem:s23+$0x18000] =	vst v19;
	v19 =	vsel vm0, v13, v20;
	v20 =	vmul.f32 v22, v8;
	s4 =	sor.u32 s12, s10  }
0x364: {  	p0 =	slt.s32 s22, s19;
	v22 =	vmul.f32 v22, v9;
	[tilespmem:s23+$0x1B000] =	vst v19;
	v19 =	vadd.f32 v21, v16;
	v21 =	vadd.f32 v25, v17;
	s4 =	sor.u32 s0, s4  }
0x365: {  	v23 =	vadd.f32 v23, v23;
	vm0 =	vlt.s32 v18, $0x100;
	v18 =	vmovc v24;
	v20 =	vadd.f32 v20, v15;
	v25 =	vld [tilespmem:s4+$0x18000]  }
0x366: {  	v22 =	vadd.f32 v22, v14;
	vm1 =	vge.f32 v19, $0.0e+00;
	vm2 =	vge.f32 v21, $0.0e+00  }
0x367: {  	v19 =	vadd.f32 $-2.550000000e+02, v23;
	vm1 =	vmand vm1, vm2;
	vm2 =	vge.f32 v20, $0.0e+00  }
0x368: {  	v20 =	vmul.f32 v22, v10;
	vm1 =	vmand vm2, vm1;
	vm2 =	vgt.f32 v22, v11;
	v21 =	vld [tilespmem:s4+$0x1B000]  }
0x369: {  	s21 =	sadd.s32 $0x100, s21;
	v19 =	vmul.f32 $3.906250000e-03, v19;
	vm1 =	vmand vm2, vm1;
	vm2 =	vlt.f32 v22, v12  }
0x36a: {  	s10 =	sand.u32 $0xFFFFFC00, s21;
	v22 =	vcvt.s32.f32 v18;
	vm1 =	vmand vm2, vm1;
	vm2 =	vgt.f32 v20, v25  }
0x36b: {  	s12 =	sand.u32 $0x70, s9;
	s10 =	sadd.s32 s1, s10;
	v23 =	vmul.f32 v19, v6;
	v24 =	vmul.f32 v19, v7;
	vm1 =	vmand vm1, vm2  }
0x36c: {  	s10 =	sor.u32 s12, s10;
	v26 =	vmul.f32 v19, v8;
	v27 =	vmul.f32 v19, v9;
	vm0 =	vmand vm0, vm1  }
0x36d: {  	s23 =	sor.u32 s0, s10;
	v23 =	vadd.f32 v23, v16;
	v24 =	vadd.f32 v24, v17;
	v21 =	vsel vm0, v13, v21  }
.Ltmp32:
0x36e: {  	v22 =	vadd.f32 v22, v22;
	v26 =	vadd.f32 v26, v15;
	v20 =	vsel vm0, v20, v25;
	v19 =	vld [tilespmem:s23+$0x18000];
	[tilespmem:s4+$0x1B000] =	vst v21;
	(pc) =	sbr.rel @p0 .LBB2_23-.Ltmp32, $4  }
0x36f: {  	v25 =	vadd.f32 v27, v14;
	vm0 =	vge.f32 v23, $0.0e+00;
	vm1 =	vge.f32 v24, $0.0e+00;
	[tilespmem:s4+$0x18000] =	vst v20  }
0x370: {  	v22 =	vadd.f32 $-2.550000000e+02, v22;
	vm0 =	vmand vm0, vm1;
	vm1 =	vge.f32 v26, $0.0e+00  }
0x371: {  	v21 =	vmul.f32 v25, v10;
	vm0 =	vmand vm1, vm0;
	vm1 =	vgt.f32 v25, v11;
	v20 =	vld [tilespmem:s23+$0x1B000]  }
0x372: {  	s9 =	sadd.s32 $0x20, s9;
	vm0 =	vmand vm1, vm0;
	vm1 =	vlt.f32 v25, v12  }
.Ltmp33:
0x373: {  	_ = 	snop;
	(pc) =	sbr.rel .LBB2_24-.Ltmp33, $1  }
0x374: {  	_ =	sdelay $0x3  }
.LBB2_39:
0x375: {  	_ =	sfence.sel $0x180000  }
0x376: {  	[bflag:$0x0] =	sbarrier.arrive $0xFFFF  }
0x377: {  	_ =	strace $0x90000047  }
0x378: {  	s0 =	stileid.u32;
	[bflag:$0x2] =	sbarrier.arrive $0xFFFF  }
0x379: {  	p0 =	sne.s32 s0, $0x0;
	s0 =	rddreg [dreg:$0x1]  }
0x37a: {  	s0 =	sadd.s32 @!p0 $0x100000, s0  }
0x37b: {  	[sflag:s0] =	ssyncadd.tile.s32 @!p0 $0x1;
	_ =	shalt  }
.Lfunc_end2:
_tile_overlayer_lowered:
.L_overlay_start_2:
0x37c: {  	(tag) =	ssettag $0x2  }
0x37d: {  	s0 =	rddreg [dreg:$0x0];
	s2 =	stileid.u32  }
0x37e: {  	s1 =	rddreg [dreg:$0x1];
	p0 =	sne.s32 s2, $0x0  }
0x37f: {  	s3 =	rddreg [dreg:$0x2];
	[bflag:$0x3] =	sbarrier.arrive $0xFFFF;
	s2 =	simm.s32 @!p0 $0x1C01  }
0x380: {  	[timem:s3], [sflag:s2] =	dma.local @!p0 [hbm:s0], s1  }
0x381: {  	s0 =	simm.s32 @!p0 $0x1  }
0x382: {  	_ =	swait.ge @!p0 [sflag:s0], s1  }
0x383: {  	s1 =	ssub.s32 @!p0 $0x0, s1;
	[sflag:s0] =	ssyncset.done @!p0 $0x0  }
0x384: {  	[sflag:s0] =	ssyncadd.s32 @!p0 s1  }
0x385: {  	[bflag:$0x3] =	sbarrier.arrive $0xFFFF  }
0x386: {  	_ =	shalt  }

</sc_bundles>
